<compile_context>
chip_gen: v7x
topology: tpu7x:2x2x1
jax: 0.10.2.dev20260603
libtpu: 0.0.44.dev20260713+nightly
codegen_flags: <defaults>
</compile_context>

<pallas_src>
import jax
import jax.numpy as jnp
from jax import lax
from jax.experimental import pallas as pl
from jax.experimental.pallas import tpu as pltpu
from jax.experimental.pallas import tpu_sc as plsc

N = 100000
E = 1600000
H = 64

NC = 2
NS = 16
NW = NC * NS

EPT = 51200
E_PAD = NW * EPT
C = 10240
CR = C // 128
NCH = EPT // C

N_PAD = 102400
NPS = N_PAD // NS

C_S = 5120
CR_S = C_S // 128
NCH_S = EPT // C_S
NV = 1600
NVP = NPS // NV

TE = 4096
TN = 2048

_f32 = jnp.float32

_MESH = plsc.VectorSubcoreMesh(
    core_axis_name="c", subcore_axis_name="s", num_cores=NC, num_subcores=NS)


def _gather_body(tbl_hbm, sidx_hbm, didx_hbm, xs_hbm, xd_hbm, idx_v, rows_v, sem):
    c = lax.axis_index("c")
    s = lax.axis_index("s")
    wid = s * NC + c
    for idxh, outh in ((sidx_hbm, xs_hbm), (didx_hbm, xd_hbm)):
        def chunk(ci, _, idxh=idxh, outh=outh):
            base = wid * EPT + ci * C
            row0 = wid * (EPT // 128) + ci * CR
            pltpu.sync_copy(idxh.at[pl.ds(row0, CR), :], idx_v)

            def group(g, _):
                cps = [
                    pltpu.async_copy(
                        tbl_hbm.at[idx_v.at[g * 16 + k]],
                        rows_v.at[pl.ds(g * 2048 + k * 128, 128), :],
                        sem,
                    )
                    for k in range(16)
                ]
                for cp in cps:
                    cp.wait()
                return 0
            lax.fori_loop(0, CR // 16, group, 0)
            pltpu.sync_copy(rows_v, outh.at[pl.ds(base, C), :])
            return 0
        lax.fori_loop(0, NCH, chunk, 0)


def _scatter_body(vals_hbm, didx_hbm, zeros_hbm, out_hbm, idx_v, vals_v, node_v, acc, ssem):
    c = lax.axis_index("c")
    s = lax.axis_index("s")
    wid = s * NC + c
    pltpu.sync_copy(zeros_hbm, node_v)

    def initp(p, _):
        base = s * NPS + p * NV
        pltpu.sync_copy(node_v, acc.at[pl.ds(base, NV), :])
        return 0
    lax.fori_loop(0, NVP, initp, 0)
    plsc.subcore_barrier()

    def chunk(ci, _):
        row0 = wid * (EPT // 128) + ci * CR_S
        pltpu.sync_copy(didx_hbm.at[pl.ds(row0, CR_S), :], idx_v)
        pltpu.sync_copy(vals_hbm.at[pl.ds(row0, CR_S), :, :], vals_v)

        def group(g, _):
            cps = [
                pltpu.async_copy(
                    vals_v.at[g * 8 + k], acc.at[idx_v.at[g * 8 + k]],
                    ssem, add=True,
                )
                for k in range(8)
            ]
            for cp in cps:
                cp.wait()
            return 0
        lax.fori_loop(0, CR_S // 8, group, 0)
        return 0
    lax.fori_loop(0, NCH_S, chunk, 0)

    plsc.subcore_barrier()

    def outp(p, _):
        base = s * NPS + p * NV
        pltpu.sync_copy(acc.at[pl.ds(base, NV), :], node_v)
        pltpu.sync_copy(node_v, out_hbm.at[c, pl.ds(base, NV), :])
        return 0
    lax.fori_loop(0, NVP, outp, 0)


_gather_call = pl.kernel(
    _gather_body,
    out_type=(jax.ShapeDtypeStruct((E_PAD, 4), _f32),
              jax.ShapeDtypeStruct((E_PAD, 4), _f32)),
    mesh=_MESH,
    compiler_params=pltpu.CompilerParams(use_tc_tiling_on_sc=False),
    scratch_types=[
        pltpu.VMEM((CR, 128), jnp.int32),
        pltpu.VMEM((C, 4), _f32),
        pltpu.SemaphoreType.DMA,
    ],
)

_scatter_call = pl.kernel(
    _scatter_body,
    out_type=jax.ShapeDtypeStruct((NC, N_PAD, 4), _f32),
    mesh=_MESH,
    compiler_params=pltpu.CompilerParams(use_tc_tiling_on_sc=False),
    scratch_types=[
        pltpu.VMEM((CR_S, 128), jnp.int32),
        pltpu.VMEM((CR_S, 128, 4), _f32),
        pltpu.VMEM((NV, 4), _f32),
        pltpu.VMEM_SHARED((N_PAD, 4), _f32),
        pltpu.SemaphoreType.DMA,
    ],
)


def _edge_body(xs_ref, xd_ref, w1, b1, w2, b2, w3, b3, out_ref):
    xs = xs_ref[...]
    xd = xd_ref[...]
    disp = xd[:, 0:3] - xs[:, 0:3]
    fs = xs[:, 3:4]
    fd = xd[:, 3:4]
    fr = fd - fs
    ea0 = fr * disp
    nrm = jnp.sqrt(jnp.sum(disp * disp, axis=1, keepdims=True))
    net_in = jnp.concatenate(
        [disp, nrm, ea0, fs, fd, jnp.zeros((TE, 7), _f32)], axis=1)
    h = jnp.maximum(jnp.dot(net_in, w1[...], preferred_element_type=_f32) + b1[...], 0.0)
    h = jnp.maximum(jnp.dot(h, w2[...], preferred_element_type=_f32) + b2[...], 0.0)
    e = jnp.dot(h, w3[...], preferred_element_type=_f32) + b3[...]
    out_ref[...] = jnp.concatenate([ea0, jnp.zeros((TE, 1), _f32)], axis=1) + e


def _node_body(tbl_ref, pa_ref, pb_ref,
               nw1, nb1, nw2, nb2, nw3, nb3,
               dw1, db1, dw2, db2, dw3, db3, dw4, db4, out_ref):
    tbl = tbl_ref[...]
    ssum = pa_ref[...] + pb_ref[...]
    cnt = jnp.maximum(ssum[:, 3:4], 1.0)
    aggr = ssum[:, 0:3] / cnt
    yprev = tbl[:, 3:4]
    xc4 = tbl[:, 4:5]
    ni = jnp.concatenate([xc4, yprev, aggr, jnp.zeros((TN, 3), _f32)], axis=1)
    h = jnp.maximum(jnp.dot(ni, nw1[...], preferred_element_type=_f32) + nb1[...], 0.0)
    h = jnp.maximum(jnp.dot(h, nw2[...], preferred_element_type=_f32) + nb2[...], 0.0)
    d = jnp.dot(h, nw3[...], preferred_element_type=_f32) + nb3[...]
    newf = yprev + d[:, 0:1]
    di = jnp.concatenate([tbl[:, 0:3], xc4, newf, jnp.zeros((TN, 3), _f32)], axis=1)
    h = jnp.maximum(jnp.dot(di, dw1[...], preferred_element_type=_f32) + db1[...], 0.0)
    h = jnp.maximum(jnp.dot(h, dw2[...], preferred_element_type=_f32) + db2[...], 0.0)
    h = jnp.maximum(jnp.dot(h, dw3[...], preferred_element_type=_f32) + db3[...], 0.0)
    o = jnp.dot(h, dw4[...], preferred_element_type=_f32) + db4[...]
    out_ref[...] = yprev + o


def _full_spec(shape):
    return pl.BlockSpec(shape, lambda i: tuple(0 for _ in shape))


def kernel(X_curr, edge, y_prev, mode,
           eb_W1, eb_b1, eb_W2, eb_b2, eb_W3, eb_b3,
           nb_W1, nb_b1, nb_W2, nb_b2, nb_W3, nb_b3,
           dec_W1, dec_b1, dec_W2, dec_b2, dec_W3, dec_b3, dec_W4, dec_b4):
    core = jnp.concatenate(
        [X_curr[:, 0:3], y_prev[:, None], X_curr[:, 4:5], jnp.zeros((N, 3), _f32)],
        axis=1)
    tbl = jnp.concatenate([core, jnp.zeros((N_PAD - N, 8), _f32)], axis=0)
    tbl4 = tbl[:, 0:4]
    src = edge[0].astype(jnp.int32)
    dst = edge[1].astype(jnp.int32)
    pad_e = E_PAD - E
    sidx = jnp.concatenate([src, jnp.zeros((pad_e,), jnp.int32)]).reshape(E_PAD // 128, 128)
    didx = jnp.concatenate([dst, jnp.full((pad_e,), N, jnp.int32)]).reshape(E_PAD // 128, 128)

    xs, xd = _gather_call(tbl4, sidx, didx)

    w1p = jnp.zeros((16, H), _f32).at[0:9, :].set(eb_W1)
    b1p = eb_b1.reshape(1, H)
    b2p = eb_b2.reshape(1, H)
    w3p = jnp.pad(eb_W3, ((0, 0), (0, 1)))
    b3p = jnp.concatenate([eb_b3, jnp.ones((1,), _f32)]).reshape(1, 4)
    vals = pl.pallas_call(
        _edge_body,
        grid=(E_PAD // TE,),
        in_specs=[
            pl.BlockSpec((TE, 4), lambda i: (i, 0)),
            pl.BlockSpec((TE, 4), lambda i: (i, 0)),
            _full_spec((16, H)), _full_spec((1, H)),
            _full_spec((H, H)), _full_spec((1, H)),
            _full_spec((H, 4)), _full_spec((1, 4)),
        ],
        out_specs=pl.BlockSpec((TE, 4), lambda i: (i, 0)),
        out_shape=jax.ShapeDtypeStruct((E_PAD, 4), _f32),
    )(xs, xd, w1p, b1p, eb_W2, b2p, w3p, b3p)

    zeros_init = jnp.zeros((NV, 4), _f32)
    partials = _scatter_call(vals.reshape(E_PAD // 128, 128, 4), didx, zeros_init)

    nw1p = jnp.pad(nb_W1, ((0, 3), (0, 0)))
    nw3p = jnp.pad(nb_W3, ((0, 0), (0, 7)))
    nb3p = jnp.pad(nb_b3, (0, 7)).reshape(1, 8)
    dw1p = jnp.pad(dec_W1, ((0, 3), (0, 0)))
    dw4p = jnp.pad(dec_W4, ((0, 0), (0, 7)))
    db4p = jnp.pad(dec_b4, (0, 7)).reshape(1, 8)
    out = pl.pallas_call(
        _node_body,
        grid=(N_PAD // TN,),
        in_specs=[
            pl.BlockSpec((TN, 8), lambda i: (i, 0)),
            pl.BlockSpec((TN, 4), lambda i: (i, 0)),
            pl.BlockSpec((TN, 4), lambda i: (i, 0)),
            _full_spec((8, H)), _full_spec((1, H)),
            _full_spec((H, H)), _full_spec((1, H)),
            _full_spec((H, 8)), _full_spec((1, 8)),
            _full_spec((8, H)), _full_spec((1, H)),
            _full_spec((H, H)), _full_spec((1, H)),
            _full_spec((H, H)), _full_spec((1, H)),
            _full_spec((H, 8)), _full_spec((1, 8)),
        ],
        out_specs=pl.BlockSpec((TN, 8), lambda i: (i, 0)),
        out_shape=jax.ShapeDtypeStruct((N_PAD, 8), _f32),
    )(tbl, partials[0], partials[1],
      nw1p, nb_b1.reshape(1, H), nb_W2, nb_b2.reshape(1, H), nw3p, nb3p,
      dw1p, dec_b1.reshape(1, H), dec_W2, dec_b2.reshape(1, H),
      dec_W3, dec_b3.reshape(1, H), dw4p, db4p)
    return out[:N, 0]

# --- scband reference (transcript-rebuilt; emitter-appended) ---
"""Pipeline reference for scband-simulator-model-77532749628021 (READ-ONLY COPY).

The authoritative reference and input builder live on the scoring server;
editing this copy changes nothing except your own understanding.
"""

import jax, jax.numpy as jnp
import numpy as np

N = 100000
E = 1600000
H = 64
NUM_LAYERS = 2

def _mlp3(x, W1, b1, W2, b2, W3, b3):
    h = jax.nn.relu(x @ W1 + b1)
    h = jax.nn.relu(h @ W2 + b2)
    return h @ W3 + b3

def _decoder(x, W1, b1, W2, b2, W3, b3, W4, b4):
    h = jax.nn.relu(x @ W1 + b1)
    h = jax.nn.relu(h @ W2 + b2)
    h = jax.nn.relu(h @ W3 + b3)
    return h @ W4 + b4

def _lin(k, fan_in, fan_out):
    k1, k2 = jax.random.split(k)
    bound = 1.0 / np.sqrt(fan_in)
    W = jax.random.uniform(k1, (fan_in, fan_out), jnp.float32, -bound, bound)
    b = jax.random.uniform(k2, (fan_out,), jnp.float32, -bound, bound)
    return W, b

def setup_inputs(seed: int = 0):
    key = jax.random.key(seed)
    ks = jax.random.split(key, 16)
    inp = {}
    inp["X_curr"] = jax.random.normal(ks[0], (N, 6), jnp.float32)
    inp["edge"] = jax.random.randint(ks[1], (2, E), 0, N)
    inp["y_prev"] = jax.random.normal(ks[2], (N,), jnp.float32)
    inp["mode"] = 0
    inp["eb_W1"], inp["eb_b1"] = _lin(ks[3], 9, H)
    inp["eb_W2"], inp["eb_b2"] = _lin(ks[4], H, H)
    inp["eb_W3"], inp["eb_b3"] = _lin(ks[5], H, 3)
    inp["nb_W1"], inp["nb_b1"] = _lin(ks[6], 5, H)
    inp["nb_W2"], inp["nb_b2"] = _lin(ks[7], H, H)
    inp["nb_W3"], inp["nb_b3"] = _lin(ks[8], H, 1)
    inp["dec_W1"], inp["dec_b1"] = _lin(ks[9], 5, H)
    inp["dec_W2"], inp["dec_b2"] = _lin(ks[10], H, H)
    inp["dec_W3"], inp["dec_b3"] = _lin(ks[11], H, H)
    inp["dec_W4"], inp["dec_b4"] = _lin(ks[12], H, 1)
    return inp

def _forward(X_curr, y_prev, edge, params):
    (eb_W1, eb_b1, eb_W2, eb_b2, eb_W3, eb_b3,
     nb_W1, nb_b1, nb_W2, nb_b2, nb_W3, nb_b3,
     dec_W1, dec_b1, dec_W2, dec_b2, dec_W3, dec_b3, dec_W4, dec_b4) = params
    src = edge[0]
    dst = edge[1]
    x_in = jnp.concatenate([X_curr[:, jnp.array([0, 1, 2, 4])], y_prev[:, None]], axis=-1)
    x_src = jnp.take(x_in, src, axis=0)
    x_dst = jnp.take(x_in, dst, axis=0)
    disp_r = x_dst[:, :3] - x_src[:, :3]
    f_r = (x_dst[:, -1] - x_src[:, -1])[:, None]
    edge_attr = jnp.concatenate([f_r, f_r, f_r], axis=-1) * disp_r
    n_nodes = x_in.shape[0]
    for _ in range(NUM_LAYERS - 1):
        srcf = jnp.take(x_in, src, axis=0)
        dstf = jnp.take(x_in, dst, axis=0)
        disp = dstf[:, :3] - srcf[:, :3]
        norm_r = jnp.linalg.norm(disp, axis=-1, keepdims=True)
        net_in = jnp.concatenate([disp, norm_r, edge_attr, srcf[:, -1:], dstf[:, -1:]], axis=-1)
        edge_attr = edge_attr + _mlp3(net_in, eb_W1, eb_b1, eb_W2, eb_b2, eb_W3, eb_b3)
        sums = jax.ops.segment_sum(edge_attr, dst, num_segments=n_nodes)
        cnt = jax.ops.segment_sum(jnp.ones((edge_attr.shape[0],), edge_attr.dtype), dst, num_segments=n_nodes)
        aggr = sums / jnp.maximum(cnt, 1.0)[:, None]
        net_input = jnp.concatenate([x_in[:, -2:], aggr], axis=-1)
        net_out = _mlp3(net_input, nb_W1, nb_b1, nb_W2, nb_b2, nb_W3, nb_b3)
        x_in = x_in.at[:, -1].add(net_out[:, 0])
    x_out = _decoder(x_in, dec_W1, dec_b1, dec_W2, dec_b2, dec_W3, dec_b3, dec_W4, dec_b4)
    return y_prev + x_out[:, 0]

def reference(X_curr, edge, y_prev, mode,
              eb_W1, eb_b1, eb_W2, eb_b2, eb_W3, eb_b3,
              nb_W1, nb_b1, nb_W2, nb_b2, nb_W3, nb_b3,
              dec_W1, dec_b1, dec_W2, dec_b2, dec_W3, dec_b3, dec_W4, dec_b4):
    params = (eb_W1, eb_b1, eb_W2, eb_b2, eb_W3, eb_b3,
              nb_W1, nb_b1, nb_W2, nb_b2, nb_W3, nb_b3,
              dec_W1, dec_b1, dec_W2, dec_b2, dec_W3, dec_b3, dec_W4, dec_b4)
    return _forward(X_curr, y_prev, edge, params)

if __name__ == "__main__":
    import jax
    _d = setup_inputs()
    print(jax.jit(kernel)(*tuple(_d.values())))

</pallas_src>

<mosaic_0001>
#map = affine_map<(d0, d1) -> (0, 0, 0)>
#map1 = affine_map<(d0, d1) -> (0, 0)>
module attributes {stable_mosaic.version = 14 : i64} {
  func.func @_scatter_body(%arg0: i32, %arg1: i32, %arg2: memref<12800x128x4xf32, #tpu.memory_space<hbm>>, %arg3: memref<12800x128xi32, #tpu.memory_space<hbm>>, %arg4: memref<1600x4xf32, #tpu.memory_space<hbm>>, %arg5: memref<2x102400x4xf32, #tpu.memory_space<hbm>>, %arg6: memref<40x128xi32, #tpu.memory_space<vmem>>, %arg7: memref<40x128x4xf32, #tpu.memory_space<vmem>>, %arg8: memref<1600x4xf32, #tpu.memory_space<vmem>>, %arg9: memref<102400x4xf32, #tpu.memory_space<vmem_shared>>, %arg10: memref<!tpu.dma_semaphore, #tpu.memory_space<semaphore_mem>>) attributes {dimension_semantics = [#tpu.dimension_semantics<core_parallel>, #tpu.dimension_semantics<subcore_parallel>], iteration_bounds = array<i64: 2, 16>, scalar_prefetch = 0 : i64, scratch_operands = 5 : i64, tpu.core_type = #tpu.core_type<sc_vector_subcore>, window_params = [{transform_indices = #map}, {transform_indices = #map1}, {transform_indices = #map1}, {transform_indices = #map}]} {
    %mul3A = arith.constant 2 : i32
    %mul3A_0 = arith.muli %arg1, %mul3A : i32
    %add3A = arith.addi %mul3A_0, %arg0 : i32
    "tpu.region"() ({
      %run_scoped3A = tpu.sem_alloc : memref<!tpu.dma_semaphore, #tpu.memory_space<semaphore_mem>>
      tpu.enqueue_dma source(%arg4 : memref<1600x4xf32, #tpu.memory_space<hbm>>) target(%arg8 : memref<1600x4xf32, #tpu.memory_space<vmem>>) target_semaphore(%run_scoped3A : memref<!tpu.dma_semaphore, #tpu.memory_space<semaphore_mem>>)
      tpu.wait_dma2 semaphore(%run_scoped3A : memref<!tpu.dma_semaphore, #tpu.memory_space<semaphore_mem>>) src(%arg4 : memref<1600x4xf32, #tpu.memory_space<hbm>>) dst(%arg8 : memref<1600x4xf32, #tpu.memory_space<vmem>>)
      tpu.yield
    }) : () -> ()
    %scan3A = arith.constant 0 : i32
    %scan3A_1 = arith.constant 0 : i32
    %scan3A_2 = arith.constant 4 : i32
    %scan3A_3 = arith.addi %scan3A_1, %scan3A_2 : i32
    %scan3A_4 = arith.constant 1 : i32
    %scan3A_5 = scf.for %scan3A_22 = %scan3A_1 to %scan3A_3 step %scan3A_4 iter_args(%scan3A_23 = %scan3A) -> (i32)  : i32 {
      %mul3A_24 = arith.constant 6400 : i32
      %mul3A_25 = arith.muli %arg1, %mul3A_24 : i32
      %mul3A_26 = arith.constant 1600 : i32
      %mul3A_27 = arith.muli %scan3A_22, %mul3A_26 : i32
      %add3A_28 = arith.addi %mul3A_25, %mul3A_27 : i32
      "tpu.region"() ({
        %run_scoped3A = tpu.sem_alloc : memref<!tpu.dma_semaphore, #tpu.memory_space<semaphore_mem>>
        %dma_start3A = arith.constant 0 : i32
        %dma_start3A_30 = tpu.memref_slice %arg9[%add3A_28, %dma_start3A] : memref<102400x4xf32, #tpu.memory_space<vmem_shared>> -> memref<1600x4xf32, #tpu.memory_space<vmem_shared>>
        %dma_start3A_31 = arith.constant 0 : i32
        %dma_start3A_32 = tpu.memref_slice %arg9[%add3A_28, %dma_start3A_31] : memref<102400x4xf32, #tpu.memory_space<vmem_shared>> -> memref<1600x4xf32, #tpu.memory_space<vmem_shared>>
        tpu.enqueue_dma source(%arg8 : memref<1600x4xf32, #tpu.memory_space<vmem>>) target(%dma_start3A_32 : memref<1600x4xf32, #tpu.memory_space<vmem_shared>>) target_semaphore(%run_scoped3A : memref<!tpu.dma_semaphore, #tpu.memory_space<semaphore_mem>>)
        %dma_wait3A = arith.constant 0 : i32
        %dma_wait3A_33 = tpu.memref_slice %arg9[%add3A_28, %dma_wait3A] : memref<102400x4xf32, #tpu.memory_space<vmem_shared>> -> memref<1600x4xf32, #tpu.memory_space<vmem_shared>>
        %dma_wait3A_34 = arith.constant 0 : i32
        %dma_wait3A_35 = tpu.memref_slice %arg9[%add3A_28, %dma_wait3A_34] : memref<102400x4xf32, #tpu.memory_space<vmem_shared>> -> memref<1600x4xf32, #tpu.memory_space<vmem_shared>>
        tpu.wait_dma2 semaphore(%run_scoped3A : memref<!tpu.dma_semaphore, #tpu.memory_space<semaphore_mem>>) src(%arg8 : memref<1600x4xf32, #tpu.memory_space<vmem>>) dst(%dma_wait3A_35 : memref<1600x4xf32, #tpu.memory_space<vmem_shared>>)
        tpu.yield
      }) : () -> ()
      %scan3A_29 = arith.constant 0 : i32
      scf.yield %scan3A_29 : i32
    }
    %scan3A_6 = arith.constant 4 : i32
    %barrier3A = arith.constant 0 : index
    tpu.barrier barrier_id(%barrier3A)
    %scan3A_7 = arith.constant 0 : i32
    %scan3A_8 = arith.constant 0 : i32
    %scan3A_9 = arith.constant 10 : i32
    %scan3A_10 = arith.addi %scan3A_8, %scan3A_9 : i32
    %scan3A_11 = arith.constant 1 : i32
    %scan3A_12 = scf.for %scan3A_22 = %scan3A_8 to %scan3A_10 step %scan3A_11 iter_args(%scan3A_23 = %scan3A_7) -> (i32)  : i32 {
      %mul3A_24 = arith.constant 400 : i32
      %mul3A_25 = arith.muli %add3A, %mul3A_24 : i32
      %mul3A_26 = arith.constant 40 : i32
      %mul3A_27 = arith.muli %scan3A_22, %mul3A_26 : i32
      %add3A_28 = arith.addi %mul3A_25, %mul3A_27 : i32
      "tpu.region"() ({
        %run_scoped3A = tpu.sem_alloc : memref<!tpu.dma_semaphore, #tpu.memory_space<semaphore_mem>>
        %dma_start3A = arith.constant 0 : i32
        %dma_start3A_37 = tpu.memref_slice %arg3[%add3A_28, %dma_start3A] : memref<12800x128xi32, #tpu.memory_space<hbm>> -> memref<40x128xi32, #tpu.memory_space<hbm>>
        %dma_start3A_38 = arith.constant 0 : i32
        %dma_start3A_39 = tpu.memref_slice %arg3[%add3A_28, %dma_start3A_38] : memref<12800x128xi32, #tpu.memory_space<hbm>> -> memref<40x128xi32, #tpu.memory_space<hbm>>
        tpu.enqueue_dma source(%dma_start3A_39 : memref<40x128xi32, #tpu.memory_space<hbm>>) target(%arg6 : memref<40x128xi32, #tpu.memory_space<vmem>>) target_semaphore(%run_scoped3A : memref<!tpu.dma_semaphore, #tpu.memory_space<semaphore_mem>>)
        %dma_wait3A = arith.constant 0 : i32
        %dma_wait3A_40 = tpu.memref_slice %arg3[%add3A_28, %dma_wait3A] : memref<12800x128xi32, #tpu.memory_space<hbm>> -> memref<40x128xi32, #tpu.memory_space<hbm>>
        %dma_wait3A_41 = arith.constant 0 : i32
        %dma_wait3A_42 = tpu.memref_slice %arg3[%add3A_28, %dma_wait3A_41] : memref<12800x128xi32, #tpu.memory_space<hbm>> -> memref<40x128xi32, #tpu.memory_space<hbm>>
        tpu.wait_dma2 semaphore(%run_scoped3A : memref<!tpu.dma_semaphore, #tpu.memory_space<semaphore_mem>>) src(%dma_wait3A_42 : memref<40x128xi32, #tpu.memory_space<hbm>>) dst(%arg6 : memref<40x128xi32, #tpu.memory_space<vmem>>)
        tpu.yield
      }) : () -> ()
      "tpu.region"() ({
        %run_scoped3A = tpu.sem_alloc : memref<!tpu.dma_semaphore, #tpu.memory_space<semaphore_mem>>
        %dma_start3A = arith.constant 0 : i32
        %dma_start3A_37 = arith.constant 0 : i32
        %dma_start3A_38 = tpu.memref_slice %arg2[%add3A_28, %dma_start3A, %dma_start3A_37] : memref<12800x128x4xf32, #tpu.memory_space<hbm>> -> memref<40x128x4xf32, #tpu.memory_space<hbm>>
        %dma_start3A_39 = arith.constant 0 : i32
        %dma_start3A_40 = arith.constant 0 : i32
        %dma_start3A_41 = tpu.memref_slice %arg2[%add3A_28, %dma_start3A_39, %dma_start3A_40] : memref<12800x128x4xf32, #tpu.memory_space<hbm>> -> memref<40x128x4xf32, #tpu.memory_space<hbm>>
        tpu.enqueue_dma source(%dma_start3A_41 : memref<40x128x4xf32, #tpu.memory_space<hbm>>) target(%arg7 : memref<40x128x4xf32, #tpu.memory_space<vmem>>) target_semaphore(%run_scoped3A : memref<!tpu.dma_semaphore, #tpu.memory_space<semaphore_mem>>)
        %dma_wait3A = arith.constant 0 : i32
        %dma_wait3A_42 = arith.constant 0 : i32
        %dma_wait3A_43 = tpu.memref_slice %arg2[%add3A_28, %dma_wait3A, %dma_wait3A_42] : memref<12800x128x4xf32, #tpu.memory_space<hbm>> -> memref<40x128x4xf32, #tpu.memory_space<hbm>>
        %dma_wait3A_44 = arith.constant 0 : i32
        %dma_wait3A_45 = arith.constant 0 : i32
        %dma_wait3A_46 = tpu.memref_slice %arg2[%add3A_28, %dma_wait3A_44, %dma_wait3A_45] : memref<12800x128x4xf32, #tpu.memory_space<hbm>> -> memref<40x128x4xf32, #tpu.memory_space<hbm>>
        tpu.wait_dma2 semaphore(%run_scoped3A : memref<!tpu.dma_semaphore, #tpu.memory_space<semaphore_mem>>) src(%dma_wait3A_46 : memref<40x128x4xf32, #tpu.memory_space<hbm>>) dst(%arg7 : memref<40x128x4xf32, #tpu.memory_space<vmem>>)
        tpu.yield
      }) : () -> ()
      %scan3A_29 = arith.constant 0 : i32
      %scan3A_30 = arith.constant 0 : i32
      %scan3A_31 = arith.constant 5 : i32
      %scan3A_32 = arith.addi %scan3A_30, %scan3A_31 : i32
      %scan3A_33 = arith.constant 1 : i32
      %scan3A_34 = scf.for %scan3A_37 = %scan3A_30 to %scan3A_32 step %scan3A_33 iter_args(%scan3A_38 = %scan3A_29) -> (i32)  : i32 {
        %mul3A_39 = arith.constant 8 : i32
        %mul3A_40 = arith.muli %scan3A_37, %mul3A_39 : i32
        %add3A_41 = arith.constant 0 : i32
        %add3A_42 = arith.addi %mul3A_40, %add3A_41 : i32
        %mul3A_43 = arith.constant 8 : i32
        %mul3A_44 = arith.muli %scan3A_37, %mul3A_43 : i32
        %add3A_45 = arith.constant 0 : i32
        %add3A_46 = arith.addi %mul3A_44, %add3A_45 : i32
        %dma_start3A = arith.constant 0 : i32
        %dma_start3A_47 = arith.constant 0 : i32
        %dma_start3A_48 = tpu.memref_slice %arg7[%add3A_42, %dma_start3A, %dma_start3A_47] : memref<40x128x4xf32, #tpu.memory_space<vmem>> -> memref<1x128x4xf32, #tpu.memory_space<vmem>>
        %dma_start3A_49 = tpu.memref_squeeze %dma_start3A_48 : memref<1x128x4xf32, #tpu.memory_space<vmem>> -> memref<128x4xf32, #tpu.memory_space<vmem>>
        %dma_start3A_50 = arith.constant 0 : i32
        %dma_start3A_51 = tpu.memref_slice %arg6[%add3A_46, %dma_start3A_50] : memref<40x128xi32, #tpu.memory_space<vmem>> -> memref<1x128xi32, #tpu.memory_space<vmem>>
        %dma_start3A_52 = tpu.memref_squeeze %dma_start3A_51 : memref<1x128xi32, #tpu.memory_space<vmem>> -> memref<128xi32, #tpu.memory_space<vmem>>
        %dma_start3A_53 = arith.constant 0 : i32
        %dma_start3A_54 = arith.constant 0 : i32
        %dma_start3A_55 = tpu.memref_slice %arg9[%dma_start3A_53, %dma_start3A_54] : memref<102400x4xf32, #tpu.memory_space<vmem_shared>> -> memref<102400x4xf32, #tpu.memory_space<vmem_shared>>
        tpu.enqueue_indirect_dma source(%dma_start3A_49 : memref<128x4xf32, #tpu.memory_space<vmem>>) target(%dma_start3A_55 : memref<102400x4xf32, #tpu.memory_space<vmem_shared>>) offsets(%dma_start3A_52 : memref<128xi32, #tpu.memory_space<vmem>>) semaphore(%arg10 : memref<!tpu.dma_semaphore, #tpu.memory_space<semaphore_mem>>) {add = true}
        %mul3A_56 = arith.constant 8 : i32
        %mul3A_57 = arith.muli %scan3A_37, %mul3A_56 : i32
        %add3A_58 = arith.constant 1 : i32
        %add3A_59 = arith.addi %mul3A_57, %add3A_58 : i32
        %mul3A_60 = arith.constant 8 : i32
        %mul3A_61 = arith.muli %scan3A_37, %mul3A_60 : i32
        %add3A_62 = arith.constant 1 : i32
        %add3A_63 = arith.addi %mul3A_61, %add3A_62 : i32
        %dma_start3A_64 = arith.constant 0 : i32
        %dma_start3A_65 = arith.constant 0 : i32
        %dma_start3A_66 = tpu.memref_slice %arg7[%add3A_59, %dma_start3A_64, %dma_start3A_65] : memref<40x128x4xf32, #tpu.memory_space<vmem>> -> memref<1x128x4xf32, #tpu.memory_space<vmem>>
        %dma_start3A_67 = tpu.memref_squeeze %dma_start3A_66 : memref<1x128x4xf32, #tpu.memory_space<vmem>> -> memref<128x4xf32, #tpu.memory_space<vmem>>
        %dma_start3A_68 = arith.constant 0 : i32
        %dma_start3A_69 = tpu.memref_slice %arg6[%add3A_63, %dma_start3A_68] : memref<40x128xi32, #tpu.memory_space<vmem>> -> memref<1x128xi32, #tpu.memory_space<vmem>>
        %dma_start3A_70 = tpu.memref_squeeze %dma_start3A_69 : memref<1x128xi32, #tpu.memory_space<vmem>> -> memref<128xi32, #tpu.memory_space<vmem>>
        %dma_start3A_71 = arith.constant 0 : i32
        %dma_start3A_72 = arith.constant 0 : i32
        %dma_start3A_73 = tpu.memref_slice %arg9[%dma_start3A_71, %dma_start3A_72] : memref<102400x4xf32, #tpu.memory_space<vmem_shared>> -> memref<102400x4xf32, #tpu.memory_space<vmem_shared>>
        tpu.enqueue_indirect_dma source(%dma_start3A_67 : memref<128x4xf32, #tpu.memory_space<vmem>>) target(%dma_start3A_73 : memref<102400x4xf32, #tpu.memory_space<vmem_shared>>) offsets(%dma_start3A_70 : memref<128xi32, #tpu.memory_space<vmem>>) semaphore(%arg10 : memref<!tpu.dma_semaphore, #tpu.memory_space<semaphore_mem>>) {add = true}
        %mul3A_74 = arith.constant 8 : i32
        %mul3A_75 = arith.muli %scan3A_37, %mul3A_74 : i32
        %add3A_76 = arith.constant 2 : i32
        %add3A_77 = arith.addi %mul3A_75, %add3A_76 : i32
        %mul3A_78 = arith.constant 8 : i32
        %mul3A_79 = arith.muli %scan3A_37, %mul3A_78 : i32
        %add3A_80 = arith.constant 2 : i32
        %add3A_81 = arith.addi %mul3A_79, %add3A_80 : i32
        %dma_start3A_82 = arith.constant 0 : i32
        %dma_start3A_83 = arith.constant 0 : i32
        %dma_start3A_84 = tpu.memref_slice %arg7[%add3A_77, %dma_start3A_82, %dma_start3A_83] : memref<40x128x4xf32, #tpu.memory_space<vmem>> -> memref<1x128x4xf32, #tpu.memory_space<vmem>>
        %dma_start3A_85 = tpu.memref_squeeze %dma_start3A_84 : memref<1x128x4xf32, #tpu.memory_space<vmem>> -> memref<128x4xf32, #tpu.memory_space<vmem>>
        %dma_start3A_86 = arith.constant 0 : i32
        %dma_start3A_87 = tpu.memref_slice %arg6[%add3A_81, %dma_start3A_86] : memref<40x128xi32, #tpu.memory_space<vmem>> -> memref<1x128xi32, #tpu.memory_space<vmem>>
        %dma_start3A_88 = tpu.memref_squeeze %dma_start3A_87 : memref<1x128xi32, #tpu.memory_space<vmem>> -> memref<128xi32, #tpu.memory_space<vmem>>
        %dma_start3A_89 = arith.constant 0 : i32
        %dma_start3A_90 = arith.constant 0 : i32
        %dma_start3A_91 = tpu.memref_slice %arg9[%dma_start3A_89, %dma_start3A_90] : memref<102400x4xf32, #tpu.memory_space<vmem_shared>> -> memref<102400x4xf32, #tpu.memory_space<vmem_shared>>
        tpu.enqueue_indirect_dma source(%dma_start3A_85 : memref<128x4xf32, #tpu.memory_space<vmem>>) target(%dma_start3A_91 : memref<102400x4xf32, #tpu.memory_space<vmem_shared>>) offsets(%dma_start3A_88 : memref<128xi32, #tpu.memory_space<vmem>>) semaphore(%arg10 : memref<!tpu.dma_semaphore, #tpu.memory_space<semaphore_mem>>) {add = true}
        %mul3A_92 = arith.constant 8 : i32
        %mul3A_93 = arith.muli %scan3A_37, %mul3A_92 : i32
        %add3A_94 = arith.constant 3 : i32
        %add3A_95 = arith.addi %mul3A_93, %add3A_94 : i32
        %mul3A_96 = arith.constant 8 : i32
        %mul3A_97 = arith.muli %scan3A_37, %mul3A_96 : i32
        %add3A_98 = arith.constant 3 : i32
        %add3A_99 = arith.addi %mul3A_97, %add3A_98 : i32
        %dma_start3A_100 = arith.constant 0 : i32
        %dma_start3A_101 = arith.constant 0 : i32
        %dma_start3A_102 = tpu.memref_slice %arg7[%add3A_95, %dma_start3A_100, %dma_start3A_101] : memref<40x128x4xf32, #tpu.memory_space<vmem>> -> memref<1x128x4xf32, #tpu.memory_space<vmem>>
        %dma_start3A_103 = tpu.memref_squeeze %dma_start3A_102 : memref<1x128x4xf32, #tpu.memory_space<vmem>> -> memref<128x4xf32, #tpu.memory_space<vmem>>
        %dma_start3A_104 = arith.constant 0 : i32
        %dma_start3A_105 = tpu.memref_slice %arg6[%add3A_99, %dma_start3A_104] : memref<40x128xi32, #tpu.memory_space<vmem>> -> memref<1x128xi32, #tpu.memory_space<vmem>>
        %dma_start3A_106 = tpu.memref_squeeze %dma_start3A_105 : memref<1x128xi32, #tpu.memory_space<vmem>> -> memref<128xi32, #tpu.memory_space<vmem>>
        %dma_start3A_107 = arith.constant 0 : i32
        %dma_start3A_108 = arith.constant 0 : i32
        %dma_start3A_109 = tpu.memref_slice %arg9[%dma_start3A_107, %dma_start3A_108] : memref<102400x4xf32, #tpu.memory_space<vmem_shared>> -> memref<102400x4xf32, #tpu.memory_space<vmem_shared>>
        tpu.enqueue_indirect_dma source(%dma_start3A_103 : memref<128x4xf32, #tpu.memory_space<vmem>>) target(%dma_start3A_109 : memref<102400x4xf32, #tpu.memory_space<vmem_shared>>) offsets(%dma_start3A_106 : memref<128xi32, #tpu.memory_space<vmem>>) semaphore(%arg10 : memref<!tpu.dma_semaphore, #tpu.memory_space<semaphore_mem>>) {add = true}
        %mul3A_110 = arith.constant 8 : i32
        %mul3A_111 = arith.muli %scan3A_37, %mul3A_110 : i32
        %add3A_112 = arith.constant 4 : i32
        %add3A_113 = arith.addi %mul3A_111, %add3A_112 : i32
        %mul3A_114 = arith.constant 8 : i32
        %mul3A_115 = arith.muli %scan3A_37, %mul3A_114 : i32
        %add3A_116 = arith.constant 4 : i32
        %add3A_117 = arith.addi %mul3A_115, %add3A_116 : i32
        %dma_start3A_118 = arith.constant 0 : i32
        %dma_start3A_119 = arith.constant 0 : i32
        %dma_start3A_120 = tpu.memref_slice %arg7[%add3A_113, %dma_start3A_118, %dma_start3A_119] : memref<40x128x4xf32, #tpu.memory_space<vmem>> -> memref<1x128x4xf32, #tpu.memory_space<vmem>>
        %dma_start3A_121 = tpu.memref_squeeze %dma_start3A_120 : memref<1x128x4xf32, #tpu.memory_space<vmem>> -> memref<128x4xf32, #tpu.memory_space<vmem>>
        %dma_start3A_122 = arith.constant 0 : i32
        %dma_start3A_123 = tpu.memref_slice %arg6[%add3A_117, %dma_start3A_122] : memref<40x128xi32, #tpu.memory_space<vmem>> -> memref<1x128xi32, #tpu.memory_space<vmem>>
        %dma_start3A_124 = tpu.memref_squeeze %dma_start3A_123 : memref<1x128xi32, #tpu.memory_space<vmem>> -> memref<128xi32, #tpu.memory_space<vmem>>
        %dma_start3A_125 = arith.constant 0 : i32
        %dma_start3A_126 = arith.constant 0 : i32
        %dma_start3A_127 = tpu.memref_slice %arg9[%dma_start3A_125, %dma_start3A_126] : memref<102400x4xf32, #tpu.memory_space<vmem_shared>> -> memref<102400x4xf32, #tpu.memory_space<vmem_shared>>
        tpu.enqueue_indirect_dma source(%dma_start3A_121 : memref<128x4xf32, #tpu.memory_space<vmem>>) target(%dma_start3A_127 : memref<102400x4xf32, #tpu.memory_space<vmem_shared>>) offsets(%dma_start3A_124 : memref<128xi32, #tpu.memory_space<vmem>>) semaphore(%arg10 : memref<!tpu.dma_semaphore, #tpu.memory_space<semaphore_mem>>) {add = true}
        %mul3A_128 = arith.constant 8 : i32
        %mul3A_129 = arith.muli %scan3A_37, %mul3A_128 : i32
        %add3A_130 = arith.constant 5 : i32
        %add3A_131 = arith.addi %mul3A_129, %add3A_130 : i32
        %mul3A_132 = arith.constant 8 : i32
        %mul3A_133 = arith.muli %scan3A_37, %mul3A_132 : i32
        %add3A_134 = arith.constant 5 : i32
        %add3A_135 = arith.addi %mul3A_133, %add3A_134 : i32
        %dma_start3A_136 = arith.constant 0 : i32
        %dma_start3A_137 = arith.constant 0 : i32
        %dma_start3A_138 = tpu.memref_slice %arg7[%add3A_131, %dma_start3A_136, %dma_start3A_137] : memref<40x128x4xf32, #tpu.memory_space<vmem>> -> memref<1x128x4xf32, #tpu.memory_space<vmem>>
        %dma_start3A_139 = tpu.memref_squeeze %dma_start3A_138 : memref<1x128x4xf32, #tpu.memory_space<vmem>> -> memref<128x4xf32, #tpu.memory_space<vmem>>
        %dma_start3A_140 = arith.constant 0 : i32
        %dma_start3A_141 = tpu.memref_slice %arg6[%add3A_135, %dma_start3A_140] : memref<40x128xi32, #tpu.memory_space<vmem>> -> memref<1x128xi32, #tpu.memory_space<vmem>>
        %dma_start3A_142 = tpu.memref_squeeze %dma_start3A_141 : memref<1x128xi32, #tpu.memory_space<vmem>> -> memref<128xi32, #tpu.memory_space<vmem>>
        %dma_start3A_143 = arith.constant 0 : i32
        %dma_start3A_144 = arith.constant 0 : i32
        %dma_start3A_145 = tpu.memref_slice %arg9[%dma_start3A_143, %dma_start3A_144] : memref<102400x4xf32, #tpu.memory_space<vmem_shared>> -> memref<102400x4xf32, #tpu.memory_space<vmem_shared>>
        tpu.enqueue_indirect_dma source(%dma_start3A_139 : memref<128x4xf32, #tpu.memory_space<vmem>>) target(%dma_start3A_145 : memref<102400x4xf32, #tpu.memory_space<vmem_shared>>) offsets(%dma_start3A_142 : memref<128xi32, #tpu.memory_space<vmem>>) semaphore(%arg10 : memref<!tpu.dma_semaphore, #tpu.memory_space<semaphore_mem>>) {add = true}
        %mul3A_146 = arith.constant 8 : i32
        %mul3A_147 = arith.muli %scan3A_37, %mul3A_146 : i32
        %add3A_148 = arith.constant 6 : i32
        %add3A_149 = arith.addi %mul3A_147, %add3A_148 : i32
        %mul3A_150 = arith.constant 8 : i32
        %mul3A_151 = arith.muli %scan3A_37, %mul3A_150 : i32
        %add3A_152 = arith.constant 6 : i32
        %add3A_153 = arith.addi %mul3A_151, %add3A_152 : i32
        %dma_start3A_154 = arith.constant 0 : i32
        %dma_start3A_155 = arith.constant 0 : i32
        %dma_start3A_156 = tpu.memref_slice %arg7[%add3A_149, %dma_start3A_154, %dma_start3A_155] : memref<40x128x4xf32, #tpu.memory_space<vmem>> -> memref<1x128x4xf32, #tpu.memory_space<vmem>>
        %dma_start3A_157 = tpu.memref_squeeze %dma_start3A_156 : memref<1x128x4xf32, #tpu.memory_space<vmem>> -> memref<128x4xf32, #tpu.memory_space<vmem>>
        %dma_start3A_158 = arith.constant 0 : i32
        %dma_start3A_159 = tpu.memref_slice %arg6[%add3A_153, %dma_start3A_158] : memref<40x128xi32, #tpu.memory_space<vmem>> -> memref<1x128xi32, #tpu.memory_space<vmem>>
        %dma_start3A_160 = tpu.memref_squeeze %dma_start3A_159 : memref<1x128xi32, #tpu.memory_space<vmem>> -> memref<128xi32, #tpu.memory_space<vmem>>
        %dma_start3A_161 = arith.constant 0 : i32
        %dma_start3A_162 = arith.constant 0 : i32
        %dma_start3A_163 = tpu.memref_slice %arg9[%dma_start3A_161, %dma_start3A_162] : memref<102400x4xf32, #tpu.memory_space<vmem_shared>> -> memref<102400x4xf32, #tpu.memory_space<vmem_shared>>
        tpu.enqueue_indirect_dma source(%dma_start3A_157 : memref<128x4xf32, #tpu.memory_space<vmem>>) target(%dma_start3A_163 : memref<102400x4xf32, #tpu.memory_space<vmem_shared>>) offsets(%dma_start3A_160 : memref<128xi32, #tpu.memory_space<vmem>>) semaphore(%arg10 : memref<!tpu.dma_semaphore, #tpu.memory_space<semaphore_mem>>) {add = true}
        %mul3A_164 = arith.constant 8 : i32
        %mul3A_165 = arith.muli %scan3A_37, %mul3A_164 : i32
        %add3A_166 = arith.constant 7 : i32
        %add3A_167 = arith.addi %mul3A_165, %add3A_166 : i32
        %mul3A_168 = arith.constant 8 : i32
        %mul3A_169 = arith.muli %scan3A_37, %mul3A_168 : i32
        %add3A_170 = arith.constant 7 : i32
        %add3A_171 = arith.addi %mul3A_169, %add3A_170 : i32
        %dma_start3A_172 = arith.constant 0 : i32
        %dma_start3A_173 = arith.constant 0 : i32
        %dma_start3A_174 = tpu.memref_slice %arg7[%add3A_167, %dma_start3A_172, %dma_start3A_173] : memref<40x128x4xf32, #tpu.memory_space<vmem>> -> memref<1x128x4xf32, #tpu.memory_space<vmem>>
        %dma_start3A_175 = tpu.memref_squeeze %dma_start3A_174 : memref<1x128x4xf32, #tpu.memory_space<vmem>> -> memref<128x4xf32, #tpu.memory_space<vmem>>
        %dma_start3A_176 = arith.constant 0 : i32
        %dma_start3A_177 = tpu.memref_slice %arg6[%add3A_171, %dma_start3A_176] : memref<40x128xi32, #tpu.memory_space<vmem>> -> memref<1x128xi32, #tpu.memory_space<vmem>>
        %dma_start3A_178 = tpu.memref_squeeze %dma_start3A_177 : memref<1x128xi32, #tpu.memory_space<vmem>> -> memref<128xi32, #tpu.memory_space<vmem>>
        %dma_start3A_179 = arith.constant 0 : i32
        %dma_start3A_180 = arith.constant 0 : i32
        %dma_start3A_181 = tpu.memref_slice %arg9[%dma_start3A_179, %dma_start3A_180] : memref<102400x4xf32, #tpu.memory_space<vmem_shared>> -> memref<102400x4xf32, #tpu.memory_space<vmem_shared>>
        tpu.enqueue_indirect_dma source(%dma_start3A_175 : memref<128x4xf32, #tpu.memory_space<vmem>>) target(%dma_start3A_181 : memref<102400x4xf32, #tpu.memory_space<vmem_shared>>) offsets(%dma_start3A_178 : memref<128xi32, #tpu.memory_space<vmem>>) semaphore(%arg10 : memref<!tpu.dma_semaphore, #tpu.memory_space<semaphore_mem>>) {add = true}
        %dma_wait3A = arith.constant 0 : i32
        %dma_wait3A_182 = arith.constant 0 : i32
        %dma_wait3A_183 = tpu.memref_slice %arg7[%add3A_42, %dma_wait3A, %dma_wait3A_182] : memref<40x128x4xf32, #tpu.memory_space<vmem>> -> memref<1x128x4xf32, #tpu.memory_space<vmem>>
        %dma_wait3A_184 = tpu.memref_squeeze %dma_wait3A_183 : memref<1x128x4xf32, #tpu.memory_space<vmem>> -> memref<128x4xf32, #tpu.memory_space<vmem>>
        %dma_wait3A_185 = arith.constant 0 : i32
        %dma_wait3A_186 = tpu.memref_slice %arg6[%add3A_46, %dma_wait3A_185] : memref<40x128xi32, #tpu.memory_space<vmem>> -> memref<1x128xi32, #tpu.memory_space<vmem>>
        %dma_wait3A_187 = tpu.memref_squeeze %dma_wait3A_186 : memref<1x128xi32, #tpu.memory_space<vmem>> -> memref<128xi32, #tpu.memory_space<vmem>>
        %dma_wait3A_188 = arith.constant 0 : i32
        %dma_wait3A_189 = arith.constant 0 : i32
        %dma_wait3A_190 = tpu.memref_slice %arg9[%dma_wait3A_188, %dma_wait3A_189] : memref<102400x4xf32, #tpu.memory_space<vmem_shared>> -> memref<102400x4xf32, #tpu.memory_space<vmem_shared>>
        tpu.wait_indirect_dma semaphore(%arg10 : memref<!tpu.dma_semaphore, #tpu.memory_space<semaphore_mem>>) src(%dma_wait3A_184 : memref<128x4xf32, #tpu.memory_space<vmem>>) dst(%dma_wait3A_190 : memref<102400x4xf32, #tpu.memory_space<vmem_shared>>)
        %dma_wait3A_191 = arith.constant 0 : i32
        %dma_wait3A_192 = arith.constant 0 : i32
        %dma_wait3A_193 = tpu.memref_slice %arg7[%add3A_59, %dma_wait3A_191, %dma_wait3A_192] : memref<40x128x4xf32, #tpu.memory_space<vmem>> -> memref<1x128x4xf32, #tpu.memory_space<vmem>>
        %dma_wait3A_194 = tpu.memref_squeeze %dma_wait3A_193 : memref<1x128x4xf32, #tpu.memory_space<vmem>> -> memref<128x4xf32, #tpu.memory_space<vmem>>
        %dma_wait3A_195 = arith.constant 0 : i32
        %dma_wait3A_196 = tpu.memref_slice %arg6[%add3A_63, %dma_wait3A_195] : memref<40x128xi32, #tpu.memory_space<vmem>> -> memref<1x128xi32, #tpu.memory_space<vmem>>
        %dma_wait3A_197 = tpu.memref_squeeze %dma_wait3A_196 : memref<1x128xi32, #tpu.memory_space<vmem>> -> memref<128xi32, #tpu.memory_space<vmem>>
        %dma_wait3A_198 = arith.constant 0 : i32
        %dma_wait3A_199 = arith.constant 0 : i32
        %dma_wait3A_200 = tpu.memref_slice %arg9[%dma_wait3A_198, %dma_wait3A_199] : memref<102400x4xf32, #tpu.memory_space<vmem_shared>> -> memref<102400x4xf32, #tpu.memory_space<vmem_shared>>
        tpu.wait_indirect_dma semaphore(%arg10 : memref<!tpu.dma_semaphore, #tpu.memory_space<semaphore_mem>>) src(%dma_wait3A_194 : memref<128x4xf32, #tpu.memory_space<vmem>>) dst(%dma_wait3A_200 : memref<102400x4xf32, #tpu.memory_space<vmem_shared>>)
        %dma_wait3A_201 = arith.constant 0 : i32
        %dma_wait3A_202 = arith.constant 0 : i32
        %dma_wait3A_203 = tpu.memref_slice %arg7[%add3A_77, %dma_wait3A_201, %dma_wait3A_202] : memref<40x128x4xf32, #tpu.memory_space<vmem>> -> memref<1x128x4xf32, #tpu.memory_space<vmem>>
        %dma_wait3A_204 = tpu.memref_squeeze %dma_wait3A_203 : memref<1x128x4xf32, #tpu.memory_space<vmem>> -> memref<128x4xf32, #tpu.memory_space<vmem>>
        %dma_wait3A_205 = arith.constant 0 : i32
        %dma_wait3A_206 = tpu.memref_slice %arg6[%add3A_81, %dma_wait3A_205] : memref<40x128xi32, #tpu.memory_space<vmem>> -> memref<1x128xi32, #tpu.memory_space<vmem>>
        %dma_wait3A_207 = tpu.memref_squeeze %dma_wait3A_206 : memref<1x128xi32, #tpu.memory_space<vmem>> -> memref<128xi32, #tpu.memory_space<vmem>>
        %dma_wait3A_208 = arith.constant 0 : i32
        %dma_wait3A_209 = arith.constant 0 : i32
        %dma_wait3A_210 = tpu.memref_slice %arg9[%dma_wait3A_208, %dma_wait3A_209] : memref<102400x4xf32, #tpu.memory_space<vmem_shared>> -> memref<102400x4xf32, #tpu.memory_space<vmem_shared>>
        tpu.wait_indirect_dma semaphore(%arg10 : memref<!tpu.dma_semaphore, #tpu.memory_space<semaphore_mem>>) src(%dma_wait3A_204 : memref<128x4xf32, #tpu.memory_space<vmem>>) dst(%dma_wait3A_210 : memref<102400x4xf32, #tpu.memory_space<vmem_shared>>)
        %dma_wait3A_211 = arith.constant 0 : i32
        %dma_wait3A_212 = arith.constant 0 : i32
        %dma_wait3A_213 = tpu.memref_slice %arg7[%add3A_95, %dma_wait3A_211, %dma_wait3A_212] : memref<40x128x4xf32, #tpu.memory_space<vmem>> -> memref<1x128x4xf32, #tpu.memory_space<vmem>>
        %dma_wait3A_214 = tpu.memref_squeeze %dma_wait3A_213 : memref<1x128x4xf32, #tpu.memory_space<vmem>> -> memref<128x4xf32, #tpu.memory_space<vmem>>
        %dma_wait3A_215 = arith.constant 0 : i32
        %dma_wait3A_216 = tpu.memref_slice %arg6[%add3A_99, %dma_wait3A_215] : memref<40x128xi32, #tpu.memory_space<vmem>> -> memref<1x128xi32, #tpu.memory_space<vmem>>
        %dma_wait3A_217 = tpu.memref_squeeze %dma_wait3A_216 : memref<1x128xi32, #tpu.memory_space<vmem>> -> memref<128xi32, #tpu.memory_space<vmem>>
        %dma_wait3A_218 = arith.constant 0 : i32
        %dma_wait3A_219 = arith.constant 0 : i32
        %dma_wait3A_220 = tpu.memref_slice %arg9[%dma_wait3A_218, %dma_wait3A_219] : memref<102400x4xf32, #tpu.memory_space<vmem_shared>> -> memref<102400x4xf32, #tpu.memory_space<vmem_shared>>
        tpu.wait_indirect_dma semaphore(%arg10 : memref<!tpu.dma_semaphore, #tpu.memory_space<semaphore_mem>>) src(%dma_wait3A_214 : memref<128x4xf32, #tpu.memory_space<vmem>>) dst(%dma_wait3A_220 : memref<102400x4xf32, #tpu.memory_space<vmem_shared>>)
        %dma_wait3A_221 = arith.constant 0 : i32
        %dma_wait3A_222 = arith.constant 0 : i32
        %dma_wait3A_223 = tpu.memref_slice %arg7[%add3A_113, %dma_wait3A_221, %dma_wait3A_222] : memref<40x128x4xf32, #tpu.memory_space<vmem>> -> memref<1x128x4xf32, #tpu.memory_space<vmem>>
        %dma_wait3A_224 = tpu.memref_squeeze %dma_wait3A_223 : memref<1x128x4xf32, #tpu.memory_space<vmem>> -> memref<128x4xf32, #tpu.memory_space<vmem>>
        %dma_wait3A_225 = arith.constant 0 : i32
        %dma_wait3A_226 = tpu.memref_slice %arg6[%add3A_117, %dma_wait3A_225] : memref<40x128xi32, #tpu.memory_space<vmem>> -> memref<1x128xi32, #tpu.memory_space<vmem>>
        %dma_wait3A_227 = tpu.memref_squeeze %dma_wait3A_226 : memref<1x128xi32, #tpu.memory_space<vmem>> -> memref<128xi32, #tpu.memory_space<vmem>>
        %dma_wait3A_228 = arith.constant 0 : i32
        %dma_wait3A_229 = arith.constant 0 : i32
        %dma_wait3A_230 = tpu.memref_slice %arg9[%dma_wait3A_228, %dma_wait3A_229] : memref<102400x4xf32, #tpu.memory_space<vmem_shared>> -> memref<102400x4xf32, #tpu.memory_space<vmem_shared>>
        tpu.wait_indirect_dma semaphore(%arg10 : memref<!tpu.dma_semaphore, #tpu.memory_space<semaphore_mem>>) src(%dma_wait3A_224 : memref<128x4xf32, #tpu.memory_space<vmem>>) dst(%dma_wait3A_230 : memref<102400x4xf32, #tpu.memory_space<vmem_shared>>)
        %dma_wait3A_231 = arith.constant 0 : i32
        %dma_wait3A_232 = arith.constant 0 : i32
        %dma_wait3A_233 = tpu.memref_slice %arg7[%add3A_131, %dma_wait3A_231, %dma_wait3A_232] : memref<40x128x4xf32, #tpu.memory_space<vmem>> -> memref<1x128x4xf32, #tpu.memory_space<vmem>>
        %dma_wait3A_234 = tpu.memref_squeeze %dma_wait3A_233 : memref<1x128x4xf32, #tpu.memory_space<vmem>> -> memref<128x4xf32, #tpu.memory_space<vmem>>
        %dma_wait3A_235 = arith.constant 0 : i32
        %dma_wait3A_236 = tpu.memref_slice %arg6[%add3A_135, %dma_wait3A_235] : memref<40x128xi32, #tpu.memory_space<vmem>> -> memref<1x128xi32, #tpu.memory_space<vmem>>
        %dma_wait3A_237 = tpu.memref_squeeze %dma_wait3A_236 : memref<1x128xi32, #tpu.memory_space<vmem>> -> memref<128xi32, #tpu.memory_space<vmem>>
        %dma_wait3A_238 = arith.constant 0 : i32
        %dma_wait3A_239 = arith.constant 0 : i32
        %dma_wait3A_240 = tpu.memref_slice %arg9[%dma_wait3A_238, %dma_wait3A_239] : memref<102400x4xf32, #tpu.memory_space<vmem_shared>> -> memref<102400x4xf32, #tpu.memory_space<vmem_shared>>
        tpu.wait_indirect_dma semaphore(%arg10 : memref<!tpu.dma_semaphore, #tpu.memory_space<semaphore_mem>>) src(%dma_wait3A_234 : memref<128x4xf32, #tpu.memory_space<vmem>>) dst(%dma_wait3A_240 : memref<102400x4xf32, #tpu.memory_space<vmem_shared>>)
        %dma_wait3A_241 = arith.constant 0 : i32
        %dma_wait3A_242 = arith.constant 0 : i32
        %dma_wait3A_243 = tpu.memref_slice %arg7[%add3A_149, %dma_wait3A_241, %dma_wait3A_242] : memref<40x128x4xf32, #tpu.memory_space<vmem>> -> memref<1x128x4xf32, #tpu.memory_space<vmem>>
        %dma_wait3A_244 = tpu.memref_squeeze %dma_wait3A_243 : memref<1x128x4xf32, #tpu.memory_space<vmem>> -> memref<128x4xf32, #tpu.memory_space<vmem>>
        %dma_wait3A_245 = arith.constant 0 : i32
        %dma_wait3A_246 = tpu.memref_slice %arg6[%add3A_153, %dma_wait3A_245] : memref<40x128xi32, #tpu.memory_space<vmem>> -> memref<1x128xi32, #tpu.memory_space<vmem>>
        %dma_wait3A_247 = tpu.memref_squeeze %dma_wait3A_246 : memref<1x128xi32, #tpu.memory_space<vmem>> -> memref<128xi32, #tpu.memory_space<vmem>>
        %dma_wait3A_248 = arith.constant 0 : i32
        %dma_wait3A_249 = arith.constant 0 : i32
        %dma_wait3A_250 = tpu.memref_slice %arg9[%dma_wait3A_248, %dma_wait3A_249] : memref<102400x4xf32, #tpu.memory_space<vmem_shared>> -> memref<102400x4xf32, #tpu.memory_space<vmem_shared>>
        tpu.wait_indirect_dma semaphore(%arg10 : memref<!tpu.dma_semaphore, #tpu.memory_space<semaphore_mem>>) src(%dma_wait3A_244 : memref<128x4xf32, #tpu.memory_space<vmem>>) dst(%dma_wait3A_250 : memref<102400x4xf32, #tpu.memory_space<vmem_shared>>)
        %dma_wait3A_251 = arith.constant 0 : i32
        %dma_wait3A_252 = arith.constant 0 : i32
        %dma_wait3A_253 = tpu.memref_slice %arg7[%add3A_167, %dma_wait3A_251, %dma_wait3A_252] : memref<40x128x4xf32, #tpu.memory_space<vmem>> -> memref<1x128x4xf32, #tpu.memory_space<vmem>>
        %dma_wait3A_254 = tpu.memref_squeeze %dma_wait3A_253 : memref<1x128x4xf32, #tpu.memory_space<vmem>> -> memref<128x4xf32, #tpu.memory_space<vmem>>
        %dma_wait3A_255 = arith.constant 0 : i32
        %dma_wait3A_256 = tpu.memref_slice %arg6[%add3A_171, %dma_wait3A_255] : memref<40x128xi32, #tpu.memory_space<vmem>> -> memref<1x128xi32, #tpu.memory_space<vmem>>
        %dma_wait3A_257 = tpu.memref_squeeze %dma_wait3A_256 : memref<1x128xi32, #tpu.memory_space<vmem>> -> memref<128xi32, #tpu.memory_space<vmem>>
        %dma_wait3A_258 = arith.constant 0 : i32
        %dma_wait3A_259 = arith.constant 0 : i32
        %dma_wait3A_260 = tpu.memref_slice %arg9[%dma_wait3A_258, %dma_wait3A_259] : memref<102400x4xf32, #tpu.memory_space<vmem_shared>> -> memref<102400x4xf32, #tpu.memory_space<vmem_shared>>
        tpu.wait_indirect_dma semaphore(%arg10 : memref<!tpu.dma_semaphore, #tpu.memory_space<semaphore_mem>>) src(%dma_wait3A_254 : memref<128x4xf32, #tpu.memory_space<vmem>>) dst(%dma_wait3A_260 : memref<102400x4xf32, #tpu.memory_space<vmem_shared>>)
        %scan3A_261 = arith.constant 0 : i32
        scf.yield %scan3A_261 : i32
      }
      %scan3A_35 = arith.constant 5 : i32
      %scan3A_36 = arith.constant 0 : i32
      scf.yield %scan3A_36 : i32
    }
    %scan3A_13 = arith.constant 10 : i32
    %barrier3A_14 = arith.constant 0 : index
    tpu.barrier barrier_id(%barrier3A_14)
    %scan3A_15 = arith.constant 0 : i32
    %scan3A_16 = arith.constant 0 : i32
    %scan3A_17 = arith.constant 4 : i32
    %scan3A_18 = arith.addi %scan3A_16, %scan3A_17 : i32
    %scan3A_19 = arith.constant 1 : i32
    %scan3A_20 = scf.for %scan3A_22 = %scan3A_16 to %scan3A_18 step %scan3A_19 iter_args(%scan3A_23 = %scan3A_15) -> (i32)  : i32 {
      %mul3A_24 = arith.constant 6400 : i32
      %mul3A_25 = arith.muli %arg1, %mul3A_24 : i32
      %mul3A_26 = arith.constant 1600 : i32
      %mul3A_27 = arith.muli %scan3A_22, %mul3A_26 : i32
      %add3A_28 = arith.addi %mul3A_25, %mul3A_27 : i32
      "tpu.region"() ({
        %run_scoped3A = tpu.sem_alloc : memref<!tpu.dma_semaphore, #tpu.memory_space<semaphore_mem>>
        %dma_start3A = arith.constant 0 : i32
        %dma_start3A_30 = tpu.memref_slice %arg9[%add3A_28, %dma_start3A] : memref<102400x4xf32, #tpu.memory_space<vmem_shared>> -> memref<1600x4xf32, #tpu.memory_space<vmem_shared>>
        %dma_start3A_31 = arith.constant 0 : i32
        %dma_start3A_32 = tpu.memref_slice %arg9[%add3A_28, %dma_start3A_31] : memref<102400x4xf32, #tpu.memory_space<vmem_shared>> -> memref<1600x4xf32, #tpu.memory_space<vmem_shared>>
        tpu.enqueue_dma source(%dma_start3A_32 : memref<1600x4xf32, #tpu.memory_space<vmem_shared>>) target(%arg8 : memref<1600x4xf32, #tpu.memory_space<vmem>>) target_semaphore(%run_scoped3A : memref<!tpu.dma_semaphore, #tpu.memory_space<semaphore_mem>>)
        %dma_wait3A = arith.constant 0 : i32
        %dma_wait3A_33 = tpu.memref_slice %arg9[%add3A_28, %dma_wait3A] : memref<102400x4xf32, #tpu.memory_space<vmem_shared>> -> memref<1600x4xf32, #tpu.memory_space<vmem_shared>>
        %dma_wait3A_34 = arith.constant 0 : i32
        %dma_wait3A_35 = tpu.memref_slice %arg9[%add3A_28, %dma_wait3A_34] : memref<102400x4xf32, #tpu.memory_space<vmem_shared>> -> memref<1600x4xf32, #tpu.memory_space<vmem_shared>>
        tpu.wait_dma2 semaphore(%run_scoped3A : memref<!tpu.dma_semaphore, #tpu.memory_space<semaphore_mem>>) src(%dma_wait3A_35 : memref<1600x4xf32, #tpu.memory_space<vmem_shared>>) dst(%arg8 : memref<1600x4xf32, #tpu.memory_space<vmem>>)
        tpu.yield
      }) : () -> ()
      "tpu.region"() ({
        %run_scoped3A = tpu.sem_alloc : memref<!tpu.dma_semaphore, #tpu.memory_space<semaphore_mem>>
        %dma_start3A = arith.constant 0 : i32
        %dma_start3A_30 = tpu.memref_slice %arg5[%arg0, %add3A_28, %dma_start3A] : memref<2x102400x4xf32, #tpu.memory_space<hbm>> -> memref<1x1600x4xf32, #tpu.memory_space<hbm>>
        %dma_start3A_31 = tpu.memref_squeeze %dma_start3A_30 : memref<1x1600x4xf32, #tpu.memory_space<hbm>> -> memref<1600x4xf32, #tpu.memory_space<hbm>>
        %dma_start3A_32 = arith.constant 0 : i32
        %dma_start3A_33 = tpu.memref_slice %arg5[%arg0, %add3A_28, %dma_start3A_32] : memref<2x102400x4xf32, #tpu.memory_space<hbm>> -> memref<1x1600x4xf32, #tpu.memory_space<hbm>>
        %dma_start3A_34 = tpu.memref_squeeze %dma_start3A_33 : memref<1x1600x4xf32, #tpu.memory_space<hbm>> -> memref<1600x4xf32, #tpu.memory_space<hbm>>
        tpu.enqueue_dma source(%arg8 : memref<1600x4xf32, #tpu.memory_space<vmem>>) target(%dma_start3A_34 : memref<1600x4xf32, #tpu.memory_space<hbm>>) target_semaphore(%run_scoped3A : memref<!tpu.dma_semaphore, #tpu.memory_space<semaphore_mem>>)
        %dma_wait3A = arith.constant 0 : i32
        %dma_wait3A_35 = tpu.memref_slice %arg5[%arg0, %add3A_28, %dma_wait3A] : memref<2x102400x4xf32, #tpu.memory_space<hbm>> -> memref<1x1600x4xf32, #tpu.memory_space<hbm>>
        %dma_wait3A_36 = tpu.memref_squeeze %dma_wait3A_35 : memref<1x1600x4xf32, #tpu.memory_space<hbm>> -> memref<1600x4xf32, #tpu.memory_space<hbm>>
        %dma_wait3A_37 = arith.constant 0 : i32
        %dma_wait3A_38 = tpu.memref_slice %arg5[%arg0, %add3A_28, %dma_wait3A_37] : memref<2x102400x4xf32, #tpu.memory_space<hbm>> -> memref<1x1600x4xf32, #tpu.memory_space<hbm>>
        %dma_wait3A_39 = tpu.memref_squeeze %dma_wait3A_38 : memref<1x1600x4xf32, #tpu.memory_space<hbm>> -> memref<1600x4xf32, #tpu.memory_space<hbm>>
        tpu.wait_dma2 semaphore(%run_scoped3A : memref<!tpu.dma_semaphore, #tpu.memory_space<semaphore_mem>>) src(%arg8 : memref<1600x4xf32, #tpu.memory_space<vmem>>) dst(%dma_wait3A_39 : memref<1600x4xf32, #tpu.memory_space<hbm>>)
        tpu.yield
      }) : () -> ()
      %scan3A_29 = arith.constant 0 : i32
      scf.yield %scan3A_29 : i32
    }
    %scan3A_21 = arith.constant 4 : i32
    return
  }
}

#map = affine_map<(d0, d1) -> (0, 0)>
module attributes {stable_mosaic.version = 14 : i64} {
  func.func @_gather_body(%arg0: i32, %arg1: i32, %arg2: memref<102400x4xf32, #tpu.memory_space<hbm>>, %arg3: memref<12800x128xi32, #tpu.memory_space<hbm>>, %arg4: memref<12800x128xi32, #tpu.memory_space<hbm>>, %arg5: memref<1638400x4xf32, #tpu.memory_space<hbm>>, %arg6: memref<1638400x4xf32, #tpu.memory_space<hbm>>, %arg7: memref<80x128xi32, #tpu.memory_space<vmem>>, %arg8: memref<10240x4xf32, #tpu.memory_space<vmem>>, %arg9: memref<!tpu.dma_semaphore, #tpu.memory_space<semaphore_mem>>) attributes {dimension_semantics = [#tpu.dimension_semantics<core_parallel>, #tpu.dimension_semantics<subcore_parallel>], iteration_bounds = array<i64: 2, 16>, scalar_prefetch = 0 : i64, scratch_operands = 3 : i64, tpu.core_type = #tpu.core_type<sc_vector_subcore>, window_params = [{transform_indices = #map}, {transform_indices = #map}, {transform_indices = #map}, {transform_indices = #map}, {transform_indices = #map}]} {
    %mul3A = arith.constant 2 : i32
    %mul3A_0 = arith.muli %arg1, %mul3A : i32
    %add3A = arith.addi %mul3A_0, %arg0 : i32
    %scan3A = arith.constant 0 : i32
    %scan3A_1 = arith.constant 0 : i32
    %scan3A_2 = arith.constant 5 : i32
    %scan3A_3 = arith.addi %scan3A_1, %scan3A_2 : i32
    %scan3A_4 = arith.constant 1 : i32
    %scan3A_5 = scf.for %scan3A_14 = %scan3A_1 to %scan3A_3 step %scan3A_4 iter_args(%scan3A_15 = %scan3A) -> (i32)  : i32 {
      %mul3A_16 = arith.constant 51200 : i32
      %mul3A_17 = arith.muli %add3A, %mul3A_16 : i32
      %mul3A_18 = arith.constant 10240 : i32
      %mul3A_19 = arith.muli %scan3A_14, %mul3A_18 : i32
      %add3A_20 = arith.addi %mul3A_17, %mul3A_19 : i32
      %mul3A_21 = arith.constant 400 : i32
      %mul3A_22 = arith.muli %add3A, %mul3A_21 : i32
      %mul3A_23 = arith.constant 80 : i32
      %mul3A_24 = arith.muli %scan3A_14, %mul3A_23 : i32
      %add3A_25 = arith.addi %mul3A_22, %mul3A_24 : i32
      "tpu.region"() ({
        %run_scoped3A = tpu.sem_alloc : memref<!tpu.dma_semaphore, #tpu.memory_space<semaphore_mem>>
        %dma_start3A = arith.constant 0 : i32
        %dma_start3A_34 = tpu.memref_slice %arg3[%add3A_25, %dma_start3A] : memref<12800x128xi32, #tpu.memory_space<hbm>> -> memref<80x128xi32, #tpu.memory_space<hbm>>
        %dma_start3A_35 = arith.constant 0 : i32
        %dma_start3A_36 = tpu.memref_slice %arg3[%add3A_25, %dma_start3A_35] : memref<12800x128xi32, #tpu.memory_space<hbm>> -> memref<80x128xi32, #tpu.memory_space<hbm>>
        tpu.enqueue_dma source(%dma_start3A_36 : memref<80x128xi32, #tpu.memory_space<hbm>>) target(%arg7 : memref<80x128xi32, #tpu.memory_space<vmem>>) target_semaphore(%run_scoped3A : memref<!tpu.dma_semaphore, #tpu.memory_space<semaphore_mem>>)
        %dma_wait3A = arith.constant 0 : i32
        %dma_wait3A_37 = tpu.memref_slice %arg3[%add3A_25, %dma_wait3A] : memref<12800x128xi32, #tpu.memory_space<hbm>> -> memref<80x128xi32, #tpu.memory_space<hbm>>
        %dma_wait3A_38 = arith.constant 0 : i32
        %dma_wait3A_39 = tpu.memref_slice %arg3[%add3A_25, %dma_wait3A_38] : memref<12800x128xi32, #tpu.memory_space<hbm>> -> memref<80x128xi32, #tpu.memory_space<hbm>>
        tpu.wait_dma2 semaphore(%run_scoped3A : memref<!tpu.dma_semaphore, #tpu.memory_space<semaphore_mem>>) src(%dma_wait3A_39 : memref<80x128xi32, #tpu.memory_space<hbm>>) dst(%arg7 : memref<80x128xi32, #tpu.memory_space<vmem>>)
        tpu.yield
      }) : () -> ()
      %scan3A_26 = arith.constant 0 : i32
      %scan3A_27 = arith.constant 0 : i32
      %scan3A_28 = arith.constant 5 : i32
      %scan3A_29 = arith.addi %scan3A_27, %scan3A_28 : i32
      %scan3A_30 = arith.constant 1 : i32
      %scan3A_31 = scf.for %scan3A_34 = %scan3A_27 to %scan3A_29 step %scan3A_30 iter_args(%scan3A_35 = %scan3A_26) -> (i32)  : i32 {
        %mul3A_36 = arith.constant 16 : i32
        %mul3A_37 = arith.muli %scan3A_34, %mul3A_36 : i32
        %add3A_38 = arith.constant 0 : i32
        %add3A_39 = arith.addi %mul3A_37, %add3A_38 : i32
        %mul3A_40 = arith.constant 2048 : i32
        %mul3A_41 = arith.muli %scan3A_34, %mul3A_40 : i32
        %add3A_42 = arith.constant 0 : i32
        %add3A_43 = arith.addi %mul3A_41, %add3A_42 : i32
        %dma_start3A = arith.constant 0 : i32
        %dma_start3A_44 = tpu.memref_slice %arg8[%add3A_43, %dma_start3A] : memref<10240x4xf32, #tpu.memory_space<vmem>> -> memref<128x4xf32, #tpu.memory_space<vmem>>
        %dma_start3A_45 = arith.constant 0 : i32
        %dma_start3A_46 = tpu.memref_slice %arg7[%add3A_39, %dma_start3A_45] : memref<80x128xi32, #tpu.memory_space<vmem>> -> memref<1x128xi32, #tpu.memory_space<vmem>>
        %dma_start3A_47 = tpu.memref_squeeze %dma_start3A_46 : memref<1x128xi32, #tpu.memory_space<vmem>> -> memref<128xi32, #tpu.memory_space<vmem>>
        %dma_start3A_48 = arith.constant 0 : i32
        %dma_start3A_49 = arith.constant 0 : i32
        %dma_start3A_50 = tpu.memref_slice %arg2[%dma_start3A_48, %dma_start3A_49] : memref<102400x4xf32, #tpu.memory_space<hbm>> -> memref<102400x4xf32, #tpu.memory_space<hbm>>
        tpu.enqueue_indirect_dma source(%dma_start3A_50 : memref<102400x4xf32, #tpu.memory_space<hbm>>) target(%dma_start3A_44 : memref<128x4xf32, #tpu.memory_space<vmem>>) offsets(%dma_start3A_47 : memref<128xi32, #tpu.memory_space<vmem>>) semaphore(%arg9 : memref<!tpu.dma_semaphore, #tpu.memory_space<semaphore_mem>>)
        %mul3A_51 = arith.constant 16 : i32
        %mul3A_52 = arith.muli %scan3A_34, %mul3A_51 : i32
        %add3A_53 = arith.constant 1 : i32
        %add3A_54 = arith.addi %mul3A_52, %add3A_53 : i32
        %mul3A_55 = arith.constant 2048 : i32
        %mul3A_56 = arith.muli %scan3A_34, %mul3A_55 : i32
        %add3A_57 = arith.constant 128 : i32
        %add3A_58 = arith.addi %mul3A_56, %add3A_57 : i32
        %dma_start3A_59 = arith.constant 0 : i32
        %dma_start3A_60 = tpu.memref_slice %arg8[%add3A_58, %dma_start3A_59] : memref<10240x4xf32, #tpu.memory_space<vmem>> -> memref<128x4xf32, #tpu.memory_space<vmem>>
        %dma_start3A_61 = arith.constant 0 : i32
        %dma_start3A_62 = tpu.memref_slice %arg7[%add3A_54, %dma_start3A_61] : memref<80x128xi32, #tpu.memory_space<vmem>> -> memref<1x128xi32, #tpu.memory_space<vmem>>
        %dma_start3A_63 = tpu.memref_squeeze %dma_start3A_62 : memref<1x128xi32, #tpu.memory_space<vmem>> -> memref<128xi32, #tpu.memory_space<vmem>>
        %dma_start3A_64 = arith.constant 0 : i32
        %dma_start3A_65 = arith.constant 0 : i32
        %dma_start3A_66 = tpu.memref_slice %arg2[%dma_start3A_64, %dma_start3A_65] : memref<102400x4xf32, #tpu.memory_space<hbm>> -> memref<102400x4xf32, #tpu.memory_space<hbm>>
        tpu.enqueue_indirect_dma source(%dma_start3A_66 : memref<102400x4xf32, #tpu.memory_space<hbm>>) target(%dma_start3A_60 : memref<128x4xf32, #tpu.memory_space<vmem>>) offsets(%dma_start3A_63 : memref<128xi32, #tpu.memory_space<vmem>>) semaphore(%arg9 : memref<!tpu.dma_semaphore, #tpu.memory_space<semaphore_mem>>)
        %mul3A_67 = arith.constant 16 : i32
        %mul3A_68 = arith.muli %scan3A_34, %mul3A_67 : i32
        %add3A_69 = arith.constant 2 : i32
        %add3A_70 = arith.addi %mul3A_68, %add3A_69 : i32
        %mul3A_71 = arith.constant 2048 : i32
        %mul3A_72 = arith.muli %scan3A_34, %mul3A_71 : i32
        %add3A_73 = arith.constant 256 : i32
        %add3A_74 = arith.addi %mul3A_72, %add3A_73 : i32
        %dma_start3A_75 = arith.constant 0 : i32
        %dma_start3A_76 = tpu.memref_slice %arg8[%add3A_74, %dma_start3A_75] : memref<10240x4xf32, #tpu.memory_space<vmem>> -> memref<128x4xf32, #tpu.memory_space<vmem>>
        %dma_start3A_77 = arith.constant 0 : i32
        %dma_start3A_78 = tpu.memref_slice %arg7[%add3A_70, %dma_start3A_77] : memref<80x128xi32, #tpu.memory_space<vmem>> -> memref<1x128xi32, #tpu.memory_space<vmem>>
        %dma_start3A_79 = tpu.memref_squeeze %dma_start3A_78 : memref<1x128xi32, #tpu.memory_space<vmem>> -> memref<128xi32, #tpu.memory_space<vmem>>
        %dma_start3A_80 = arith.constant 0 : i32
        %dma_start3A_81 = arith.constant 0 : i32
        %dma_start3A_82 = tpu.memref_slice %arg2[%dma_start3A_80, %dma_start3A_81] : memref<102400x4xf32, #tpu.memory_space<hbm>> -> memref<102400x4xf32, #tpu.memory_space<hbm>>
        tpu.enqueue_indirect_dma source(%dma_start3A_82 : memref<102400x4xf32, #tpu.memory_space<hbm>>) target(%dma_start3A_76 : memref<128x4xf32, #tpu.memory_space<vmem>>) offsets(%dma_start3A_79 : memref<128xi32, #tpu.memory_space<vmem>>) semaphore(%arg9 : memref<!tpu.dma_semaphore, #tpu.memory_space<semaphore_mem>>)
        %mul3A_83 = arith.constant 16 : i32
        %mul3A_84 = arith.muli %scan3A_34, %mul3A_83 : i32
        %add3A_85 = arith.constant 3 : i32
        %add3A_86 = arith.addi %mul3A_84, %add3A_85 : i32
        %mul3A_87 = arith.constant 2048 : i32
        %mul3A_88 = arith.muli %scan3A_34, %mul3A_87 : i32
        %add3A_89 = arith.constant 384 : i32
        %add3A_90 = arith.addi %mul3A_88, %add3A_89 : i32
        %dma_start3A_91 = arith.constant 0 : i32
        %dma_start3A_92 = tpu.memref_slice %arg8[%add3A_90, %dma_start3A_91] : memref<10240x4xf32, #tpu.memory_space<vmem>> -> memref<128x4xf32, #tpu.memory_space<vmem>>
        %dma_start3A_93 = arith.constant 0 : i32
        %dma_start3A_94 = tpu.memref_slice %arg7[%add3A_86, %dma_start3A_93] : memref<80x128xi32, #tpu.memory_space<vmem>> -> memref<1x128xi32, #tpu.memory_space<vmem>>
        %dma_start3A_95 = tpu.memref_squeeze %dma_start3A_94 : memref<1x128xi32, #tpu.memory_space<vmem>> -> memref<128xi32, #tpu.memory_space<vmem>>
        %dma_start3A_96 = arith.constant 0 : i32
        %dma_start3A_97 = arith.constant 0 : i32
        %dma_start3A_98 = tpu.memref_slice %arg2[%dma_start3A_96, %dma_start3A_97] : memref<102400x4xf32, #tpu.memory_space<hbm>> -> memref<102400x4xf32, #tpu.memory_space<hbm>>
        tpu.enqueue_indirect_dma source(%dma_start3A_98 : memref<102400x4xf32, #tpu.memory_space<hbm>>) target(%dma_start3A_92 : memref<128x4xf32, #tpu.memory_space<vmem>>) offsets(%dma_start3A_95 : memref<128xi32, #tpu.memory_space<vmem>>) semaphore(%arg9 : memref<!tpu.dma_semaphore, #tpu.memory_space<semaphore_mem>>)
        %mul3A_99 = arith.constant 16 : i32
        %mul3A_100 = arith.muli %scan3A_34, %mul3A_99 : i32
        %add3A_101 = arith.constant 4 : i32
        %add3A_102 = arith.addi %mul3A_100, %add3A_101 : i32
        %mul3A_103 = arith.constant 2048 : i32
        %mul3A_104 = arith.muli %scan3A_34, %mul3A_103 : i32
        %add3A_105 = arith.constant 512 : i32
        %add3A_106 = arith.addi %mul3A_104, %add3A_105 : i32
        %dma_start3A_107 = arith.constant 0 : i32
        %dma_start3A_108 = tpu.memref_slice %arg8[%add3A_106, %dma_start3A_107] : memref<10240x4xf32, #tpu.memory_space<vmem>> -> memref<128x4xf32, #tpu.memory_space<vmem>>
        %dma_start3A_109 = arith.constant 0 : i32
        %dma_start3A_110 = tpu.memref_slice %arg7[%add3A_102, %dma_start3A_109] : memref<80x128xi32, #tpu.memory_space<vmem>> -> memref<1x128xi32, #tpu.memory_space<vmem>>
        %dma_start3A_111 = tpu.memref_squeeze %dma_start3A_110 : memref<1x128xi32, #tpu.memory_space<vmem>> -> memref<128xi32, #tpu.memory_space<vmem>>
        %dma_start3A_112 = arith.constant 0 : i32
        %dma_start3A_113 = arith.constant 0 : i32
        %dma_start3A_114 = tpu.memref_slice %arg2[%dma_start3A_112, %dma_start3A_113] : memref<102400x4xf32, #tpu.memory_space<hbm>> -> memref<102400x4xf32, #tpu.memory_space<hbm>>
        tpu.enqueue_indirect_dma source(%dma_start3A_114 : memref<102400x4xf32, #tpu.memory_space<hbm>>) target(%dma_start3A_108 : memref<128x4xf32, #tpu.memory_space<vmem>>) offsets(%dma_start3A_111 : memref<128xi32, #tpu.memory_space<vmem>>) semaphore(%arg9 : memref<!tpu.dma_semaphore, #tpu.memory_space<semaphore_mem>>)
        %mul3A_115 = arith.constant 16 : i32
        %mul3A_116 = arith.muli %scan3A_34, %mul3A_115 : i32
        %add3A_117 = arith.constant 5 : i32
        %add3A_118 = arith.addi %mul3A_116, %add3A_117 : i32
        %mul3A_119 = arith.constant 2048 : i32
        %mul3A_120 = arith.muli %scan3A_34, %mul3A_119 : i32
        %add3A_121 = arith.constant 640 : i32
        %add3A_122 = arith.addi %mul3A_120, %add3A_121 : i32
        %dma_start3A_123 = arith.constant 0 : i32
        %dma_start3A_124 = tpu.memref_slice %arg8[%add3A_122, %dma_start3A_123] : memref<10240x4xf32, #tpu.memory_space<vmem>> -> memref<128x4xf32, #tpu.memory_space<vmem>>
        %dma_start3A_125 = arith.constant 0 : i32
        %dma_start3A_126 = tpu.memref_slice %arg7[%add3A_118, %dma_start3A_125] : memref<80x128xi32, #tpu.memory_space<vmem>> -> memref<1x128xi32, #tpu.memory_space<vmem>>
        %dma_start3A_127 = tpu.memref_squeeze %dma_start3A_126 : memref<1x128xi32, #tpu.memory_space<vmem>> -> memref<128xi32, #tpu.memory_space<vmem>>
        %dma_start3A_128 = arith.constant 0 : i32
        %dma_start3A_129 = arith.constant 0 : i32
        %dma_start3A_130 = tpu.memref_slice %arg2[%dma_start3A_128, %dma_start3A_129] : memref<102400x4xf32, #tpu.memory_space<hbm>> -> memref<102400x4xf32, #tpu.memory_space<hbm>>
        tpu.enqueue_indirect_dma source(%dma_start3A_130 : memref<102400x4xf32, #tpu.memory_space<hbm>>) target(%dma_start3A_124 : memref<128x4xf32, #tpu.memory_space<vmem>>) offsets(%dma_start3A_127 : memref<128xi32, #tpu.memory_space<vmem>>) semaphore(%arg9 : memref<!tpu.dma_semaphore, #tpu.memory_space<semaphore_mem>>)
        %mul3A_131 = arith.constant 16 : i32
        %mul3A_132 = arith.muli %scan3A_34, %mul3A_131 : i32
        %add3A_133 = arith.constant 6 : i32
        %add3A_134 = arith.addi %mul3A_132, %add3A_133 : i32
        %mul3A_135 = arith.constant 2048 : i32
        %mul3A_136 = arith.muli %scan3A_34, %mul3A_135 : i32
        %add3A_137 = arith.constant 768 : i32
        %add3A_138 = arith.addi %mul3A_136, %add3A_137 : i32
        %dma_start3A_139 = arith.constant 0 : i32
        %dma_start3A_140 = tpu.memref_slice %arg8[%add3A_138, %dma_start3A_139] : memref<10240x4xf32, #tpu.memory_space<vmem>> -> memref<128x4xf32, #tpu.memory_space<vmem>>
        %dma_start3A_141 = arith.constant 0 : i32
        %dma_start3A_142 = tpu.memref_slice %arg7[%add3A_134, %dma_start3A_141] : memref<80x128xi32, #tpu.memory_space<vmem>> -> memref<1x128xi32, #tpu.memory_space<vmem>>
        %dma_start3A_143 = tpu.memref_squeeze %dma_start3A_142 : memref<1x128xi32, #tpu.memory_space<vmem>> -> memref<128xi32, #tpu.memory_space<vmem>>
        %dma_start3A_144 = arith.constant 0 : i32
        %dma_start3A_145 = arith.constant 0 : i32
        %dma_start3A_146 = tpu.memref_slice %arg2[%dma_start3A_144, %dma_start3A_145] : memref<102400x4xf32, #tpu.memory_space<hbm>> -> memref<102400x4xf32, #tpu.memory_space<hbm>>
        tpu.enqueue_indirect_dma source(%dma_start3A_146 : memref<102400x4xf32, #tpu.memory_space<hbm>>) target(%dma_start3A_140 : memref<128x4xf32, #tpu.memory_space<vmem>>) offsets(%dma_start3A_143 : memref<128xi32, #tpu.memory_space<vmem>>) semaphore(%arg9 : memref<!tpu.dma_semaphore, #tpu.memory_space<semaphore_mem>>)
        %mul3A_147 = arith.constant 16 : i32
        %mul3A_148 = arith.muli %scan3A_34, %mul3A_147 : i32
        %add3A_149 = arith.constant 7 : i32
        %add3A_150 = arith.addi %mul3A_148, %add3A_149 : i32
        %mul3A_151 = arith.constant 2048 : i32
        %mul3A_152 = arith.muli %scan3A_34, %mul3A_151 : i32
        %add3A_153 = arith.constant 896 : i32
        %add3A_154 = arith.addi %mul3A_152, %add3A_153 : i32
        %dma_start3A_155 = arith.constant 0 : i32
        %dma_start3A_156 = tpu.memref_slice %arg8[%add3A_154, %dma_start3A_155] : memref<10240x4xf32, #tpu.memory_space<vmem>> -> memref<128x4xf32, #tpu.memory_space<vmem>>
        %dma_start3A_157 = arith.constant 0 : i32
        %dma_start3A_158 = tpu.memref_slice %arg7[%add3A_150, %dma_start3A_157] : memref<80x128xi32, #tpu.memory_space<vmem>> -> memref<1x128xi32, #tpu.memory_space<vmem>>
        %dma_start3A_159 = tpu.memref_squeeze %dma_start3A_158 : memref<1x128xi32, #tpu.memory_space<vmem>> -> memref<128xi32, #tpu.memory_space<vmem>>
        %dma_start3A_160 = arith.constant 0 : i32
        %dma_start3A_161 = arith.constant 0 : i32
        %dma_start3A_162 = tpu.memref_slice %arg2[%dma_start3A_160, %dma_start3A_161] : memref<102400x4xf32, #tpu.memory_space<hbm>> -> memref<102400x4xf32, #tpu.memory_space<hbm>>
        tpu.enqueue_indirect_dma source(%dma_start3A_162 : memref<102400x4xf32, #tpu.memory_space<hbm>>) target(%dma_start3A_156 : memref<128x4xf32, #tpu.memory_space<vmem>>) offsets(%dma_start3A_159 : memref<128xi32, #tpu.memory_space<vmem>>) semaphore(%arg9 : memref<!tpu.dma_semaphore, #tpu.memory_space<semaphore_mem>>)
        %mul3A_163 = arith.constant 16 : i32
        %mul3A_164 = arith.muli %scan3A_34, %mul3A_163 : i32
        %add3A_165 = arith.constant 8 : i32
        %add3A_166 = arith.addi %mul3A_164, %add3A_165 : i32
        %mul3A_167 = arith.constant 2048 : i32
        %mul3A_168 = arith.muli %scan3A_34, %mul3A_167 : i32
        %add3A_169 = arith.constant 1024 : i32
        %add3A_170 = arith.addi %mul3A_168, %add3A_169 : i32
        %dma_start3A_171 = arith.constant 0 : i32
        %dma_start3A_172 = tpu.memref_slice %arg8[%add3A_170, %dma_start3A_171] : memref<10240x4xf32, #tpu.memory_space<vmem>> -> memref<128x4xf32, #tpu.memory_space<vmem>>
        %dma_start3A_173 = arith.constant 0 : i32
        %dma_start3A_174 = tpu.memref_slice %arg7[%add3A_166, %dma_start3A_173] : memref<80x128xi32, #tpu.memory_space<vmem>> -> memref<1x128xi32, #tpu.memory_space<vmem>>
        %dma_start3A_175 = tpu.memref_squeeze %dma_start3A_174 : memref<1x128xi32, #tpu.memory_space<vmem>> -> memref<128xi32, #tpu.memory_space<vmem>>
        %dma_start3A_176 = arith.constant 0 : i32
        %dma_start3A_177 = arith.constant 0 : i32
        %dma_start3A_178 = tpu.memref_slice %arg2[%dma_start3A_176, %dma_start3A_177] : memref<102400x4xf32, #tpu.memory_space<hbm>> -> memref<102400x4xf32, #tpu.memory_space<hbm>>
        tpu.enqueue_indirect_dma source(%dma_start3A_178 : memref<102400x4xf32, #tpu.memory_space<hbm>>) target(%dma_start3A_172 : memref<128x4xf32, #tpu.memory_space<vmem>>) offsets(%dma_start3A_175 : memref<128xi32, #tpu.memory_space<vmem>>) semaphore(%arg9 : memref<!tpu.dma_semaphore, #tpu.memory_space<semaphore_mem>>)
        %mul3A_179 = arith.constant 16 : i32
        %mul3A_180 = arith.muli %scan3A_34, %mul3A_179 : i32
        %add3A_181 = arith.constant 9 : i32
        %add3A_182 = arith.addi %mul3A_180, %add3A_181 : i32
        %mul3A_183 = arith.constant 2048 : i32
        %mul3A_184 = arith.muli %scan3A_34, %mul3A_183 : i32
        %add3A_185 = arith.constant 1152 : i32
        %add3A_186 = arith.addi %mul3A_184, %add3A_185 : i32
        %dma_start3A_187 = arith.constant 0 : i32
        %dma_start3A_188 = tpu.memref_slice %arg8[%add3A_186, %dma_start3A_187] : memref<10240x4xf32, #tpu.memory_space<vmem>> -> memref<128x4xf32, #tpu.memory_space<vmem>>
        %dma_start3A_189 = arith.constant 0 : i32
        %dma_start3A_190 = tpu.memref_slice %arg7[%add3A_182, %dma_start3A_189] : memref<80x128xi32, #tpu.memory_space<vmem>> -> memref<1x128xi32, #tpu.memory_space<vmem>>
        %dma_start3A_191 = tpu.memref_squeeze %dma_start3A_190 : memref<1x128xi32, #tpu.memory_space<vmem>> -> memref<128xi32, #tpu.memory_space<vmem>>
        %dma_start3A_192 = arith.constant 0 : i32
        %dma_start3A_193 = arith.constant 0 : i32
        %dma_start3A_194 = tpu.memref_slice %arg2[%dma_start3A_192, %dma_start3A_193] : memref<102400x4xf32, #tpu.memory_space<hbm>> -> memref<102400x4xf32, #tpu.memory_space<hbm>>
        tpu.enqueue_indirect_dma source(%dma_start3A_194 : memref<102400x4xf32, #tpu.memory_space<hbm>>) target(%dma_start3A_188 : memref<128x4xf32, #tpu.memory_space<vmem>>) offsets(%dma_start3A_191 : memref<128xi32, #tpu.memory_space<vmem>>) semaphore(%arg9 : memref<!tpu.dma_semaphore, #tpu.memory_space<semaphore_mem>>)
        %mul3A_195 = arith.constant 16 : i32
        %mul3A_196 = arith.muli %scan3A_34, %mul3A_195 : i32
        %add3A_197 = arith.constant 10 : i32
        %add3A_198 = arith.addi %mul3A_196, %add3A_197 : i32
        %mul3A_199 = arith.constant 2048 : i32
        %mul3A_200 = arith.muli %scan3A_34, %mul3A_199 : i32
        %add3A_201 = arith.constant 1280 : i32
        %add3A_202 = arith.addi %mul3A_200, %add3A_201 : i32
        %dma_start3A_203 = arith.constant 0 : i32
        %dma_start3A_204 = tpu.memref_slice %arg8[%add3A_202, %dma_start3A_203] : memref<10240x4xf32, #tpu.memory_space<vmem>> -> memref<128x4xf32, #tpu.memory_space<vmem>>
        %dma_start3A_205 = arith.constant 0 : i32
        %dma_start3A_206 = tpu.memref_slice %arg7[%add3A_198, %dma_start3A_205] : memref<80x128xi32, #tpu.memory_space<vmem>> -> memref<1x128xi32, #tpu.memory_space<vmem>>
        %dma_start3A_207 = tpu.memref_squeeze %dma_start3A_206 : memref<1x128xi32, #tpu.memory_space<vmem>> -> memref<128xi32, #tpu.memory_space<vmem>>
        %dma_start3A_208 = arith.constant 0 : i32
        %dma_start3A_209 = arith.constant 0 : i32
        %dma_start3A_210 = tpu.memref_slice %arg2[%dma_start3A_208, %dma_start3A_209] : memref<102400x4xf32, #tpu.memory_space<hbm>> -> memref<102400x4xf32, #tpu.memory_space<hbm>>
        tpu.enqueue_indirect_dma source(%dma_start3A_210 : memref<102400x4xf32, #tpu.memory_space<hbm>>) target(%dma_start3A_204 : memref<128x4xf32, #tpu.memory_space<vmem>>) offsets(%dma_start3A_207 : memref<128xi32, #tpu.memory_space<vmem>>) semaphore(%arg9 : memref<!tpu.dma_semaphore, #tpu.memory_space<semaphore_mem>>)
        %mul3A_211 = arith.constant 16 : i32
        %mul3A_212 = arith.muli %scan3A_34, %mul3A_211 : i32
        %add3A_213 = arith.constant 11 : i32
        %add3A_214 = arith.addi %mul3A_212, %add3A_213 : i32
        %mul3A_215 = arith.constant 2048 : i32
        %mul3A_216 = arith.muli %scan3A_34, %mul3A_215 : i32
        %add3A_217 = arith.constant 1408 : i32
        %add3A_218 = arith.addi %mul3A_216, %add3A_217 : i32
        %dma_start3A_219 = arith.constant 0 : i32
        %dma_start3A_220 = tpu.memref_slice %arg8[%add3A_218, %dma_start3A_219] : memref<10240x4xf32, #tpu.memory_space<vmem>> -> memref<128x4xf32, #tpu.memory_space<vmem>>
        %dma_start3A_221 = arith.constant 0 : i32
        %dma_start3A_222 = tpu.memref_slice %arg7[%add3A_214, %dma_start3A_221] : memref<80x128xi32, #tpu.memory_space<vmem>> -> memref<1x128xi32, #tpu.memory_space<vmem>>
        %dma_start3A_223 = tpu.memref_squeeze %dma_start3A_222 : memref<1x128xi32, #tpu.memory_space<vmem>> -> memref<128xi32, #tpu.memory_space<vmem>>
        %dma_start3A_224 = arith.constant 0 : i32
        %dma_start3A_225 = arith.constant 0 : i32
        %dma_start3A_226 = tpu.memref_slice %arg2[%dma_start3A_224, %dma_start3A_225] : memref<102400x4xf32, #tpu.memory_space<hbm>> -> memref<102400x4xf32, #tpu.memory_space<hbm>>
        tpu.enqueue_indirect_dma source(%dma_start3A_226 : memref<102400x4xf32, #tpu.memory_space<hbm>>) target(%dma_start3A_220 : memref<128x4xf32, #tpu.memory_space<vmem>>) offsets(%dma_start3A_223 : memref<128xi32, #tpu.memory_space<vmem>>) semaphore(%arg9 : memref<!tpu.dma_semaphore, #tpu.memory_space<semaphore_mem>>)
        %mul3A_227 = arith.constant 16 : i32
        %mul3A_228 = arith.muli %scan3A_34, %mul3A_227 : i32
        %add3A_229 = arith.constant 12 : i32
        %add3A_230 = arith.addi %mul3A_228, %add3A_229 : i32
        %mul3A_231 = arith.constant 2048 : i32
        %mul3A_232 = arith.muli %scan3A_34, %mul3A_231 : i32
        %add3A_233 = arith.constant 1536 : i32
        %add3A_234 = arith.addi %mul3A_232, %add3A_233 : i32
        %dma_start3A_235 = arith.constant 0 : i32
        %dma_start3A_236 = tpu.memref_slice %arg8[%add3A_234, %dma_start3A_235] : memref<10240x4xf32, #tpu.memory_space<vmem>> -> memref<128x4xf32, #tpu.memory_space<vmem>>
        %dma_start3A_237 = arith.constant 0 : i32
        %dma_start3A_238 = tpu.memref_slice %arg7[%add3A_230, %dma_start3A_237] : memref<80x128xi32, #tpu.memory_space<vmem>> -> memref<1x128xi32, #tpu.memory_space<vmem>>
        %dma_start3A_239 = tpu.memref_squeeze %dma_start3A_238 : memref<1x128xi32, #tpu.memory_space<vmem>> -> memref<128xi32, #tpu.memory_space<vmem>>
        %dma_start3A_240 = arith.constant 0 : i32
        %dma_start3A_241 = arith.constant 0 : i32
        %dma_start3A_242 = tpu.memref_slice %arg2[%dma_start3A_240, %dma_start3A_241] : memref<102400x4xf32, #tpu.memory_space<hbm>> -> memref<102400x4xf32, #tpu.memory_space<hbm>>
        tpu.enqueue_indirect_dma source(%dma_start3A_242 : memref<102400x4xf32, #tpu.memory_space<hbm>>) target(%dma_start3A_236 : memref<128x4xf32, #tpu.memory_space<vmem>>) offsets(%dma_start3A_239 : memref<128xi32, #tpu.memory_space<vmem>>) semaphore(%arg9 : memref<!tpu.dma_semaphore, #tpu.memory_space<semaphore_mem>>)
        %mul3A_243 = arith.constant 16 : i32
        %mul3A_244 = arith.muli %scan3A_34, %mul3A_243 : i32
        %add3A_245 = arith.constant 13 : i32
        %add3A_246 = arith.addi %mul3A_244, %add3A_245 : i32
        %mul3A_247 = arith.constant 2048 : i32
        %mul3A_248 = arith.muli %scan3A_34, %mul3A_247 : i32
        %add3A_249 = arith.constant 1664 : i32
        %add3A_250 = arith.addi %mul3A_248, %add3A_249 : i32
        %dma_start3A_251 = arith.constant 0 : i32
        %dma_start3A_252 = tpu.memref_slice %arg8[%add3A_250, %dma_start3A_251] : memref<10240x4xf32, #tpu.memory_space<vmem>> -> memref<128x4xf32, #tpu.memory_space<vmem>>
        %dma_start3A_253 = arith.constant 0 : i32
        %dma_start3A_254 = tpu.memref_slice %arg7[%add3A_246, %dma_start3A_253] : memref<80x128xi32, #tpu.memory_space<vmem>> -> memref<1x128xi32, #tpu.memory_space<vmem>>
        %dma_start3A_255 = tpu.memref_squeeze %dma_start3A_254 : memref<1x128xi32, #tpu.memory_space<vmem>> -> memref<128xi32, #tpu.memory_space<vmem>>
        %dma_start3A_256 = arith.constant 0 : i32
        %dma_start3A_257 = arith.constant 0 : i32
        %dma_start3A_258 = tpu.memref_slice %arg2[%dma_start3A_256, %dma_start3A_257] : memref<102400x4xf32, #tpu.memory_space<hbm>> -> memref<102400x4xf32, #tpu.memory_space<hbm>>
        tpu.enqueue_indirect_dma source(%dma_start3A_258 : memref<102400x4xf32, #tpu.memory_space<hbm>>) target(%dma_start3A_252 : memref<128x4xf32, #tpu.memory_space<vmem>>) offsets(%dma_start3A_255 : memref<128xi32, #tpu.memory_space<vmem>>) semaphore(%arg9 : memref<!tpu.dma_semaphore, #tpu.memory_space<semaphore_mem>>)
        %mul3A_259 = arith.constant 16 : i32
        %mul3A_260 = arith.muli %scan3A_34, %mul3A_259 : i32
        %add3A_261 = arith.constant 14 : i32
        %add3A_262 = arith.addi %mul3A_260, %add3A_261 : i32
        %mul3A_263 = arith.constant 2048 : i32
        %mul3A_264 = arith.muli %scan3A_34, %mul3A_263 : i32
        %add3A_265 = arith.constant 1792 : i32
        %add3A_266 = arith.addi %mul3A_264, %add3A_265 : i32
        %dma_start3A_267 = arith.constant 0 : i32
        %dma_start3A_268 = tpu.memref_slice %arg8[%add3A_266, %dma_start3A_267] : memref<10240x4xf32, #tpu.memory_space<vmem>> -> memref<128x4xf32, #tpu.memory_space<vmem>>
        %dma_start3A_269 = arith.constant 0 : i32
        %dma_start3A_270 = tpu.memref_slice %arg7[%add3A_262, %dma_start3A_269] : memref<80x128xi32, #tpu.memory_space<vmem>> -> memref<1x128xi32, #tpu.memory_space<vmem>>
        %dma_start3A_271 = tpu.memref_squeeze %dma_start3A_270 : memref<1x128xi32, #tpu.memory_space<vmem>> -> memref<128xi32, #tpu.memory_space<vmem>>
        %dma_start3A_272 = arith.constant 0 : i32
        %dma_start3A_273 = arith.constant 0 : i32
        %dma_start3A_274 = tpu.memref_slice %arg2[%dma_start3A_272, %dma_start3A_273] : memref<102400x4xf32, #tpu.memory_space<hbm>> -> memref<102400x4xf32, #tpu.memory_space<hbm>>
        tpu.enqueue_indirect_dma source(%dma_start3A_274 : memref<102400x4xf32, #tpu.memory_space<hbm>>) target(%dma_start3A_268 : memref<128x4xf32, #tpu.memory_space<vmem>>) offsets(%dma_start3A_271 : memref<128xi32, #tpu.memory_space<vmem>>) semaphore(%arg9 : memref<!tpu.dma_semaphore, #tpu.memory_space<semaphore_mem>>)
        %mul3A_275 = arith.constant 16 : i32
        %mul3A_276 = arith.muli %scan3A_34, %mul3A_275 : i32
        %add3A_277 = arith.constant 15 : i32
        %add3A_278 = arith.addi %mul3A_276, %add3A_277 : i32
        %mul3A_279 = arith.constant 2048 : i32
        %mul3A_280 = arith.muli %scan3A_34, %mul3A_279 : i32
        %add3A_281 = arith.constant 1920 : i32
        %add3A_282 = arith.addi %mul3A_280, %add3A_281 : i32
        %dma_start3A_283 = arith.constant 0 : i32
        %dma_start3A_284 = tpu.memref_slice %arg8[%add3A_282, %dma_start3A_283] : memref<10240x4xf32, #tpu.memory_space<vmem>> -> memref<128x4xf32, #tpu.memory_space<vmem>>
        %dma_start3A_285 = arith.constant 0 : i32
        %dma_start3A_286 = tpu.memref_slice %arg7[%add3A_278, %dma_start3A_285] : memref<80x128xi32, #tpu.memory_space<vmem>> -> memref<1x128xi32, #tpu.memory_space<vmem>>
        %dma_start3A_287 = tpu.memref_squeeze %dma_start3A_286 : memref<1x128xi32, #tpu.memory_space<vmem>> -> memref<128xi32, #tpu.memory_space<vmem>>
        %dma_start3A_288 = arith.constant 0 : i32
        %dma_start3A_289 = arith.constant 0 : i32
        %dma_start3A_290 = tpu.memref_slice %arg2[%dma_start3A_288, %dma_start3A_289] : memref<102400x4xf32, #tpu.memory_space<hbm>> -> memref<102400x4xf32, #tpu.memory_space<hbm>>
        tpu.enqueue_indirect_dma source(%dma_start3A_290 : memref<102400x4xf32, #tpu.memory_space<hbm>>) target(%dma_start3A_284 : memref<128x4xf32, #tpu.memory_space<vmem>>) offsets(%dma_start3A_287 : memref<128xi32, #tpu.memory_space<vmem>>) semaphore(%arg9 : memref<!tpu.dma_semaphore, #tpu.memory_space<semaphore_mem>>)
        %dma_wait3A = arith.constant 0 : i32
        %dma_wait3A_291 = tpu.memref_slice %arg8[%add3A_43, %dma_wait3A] : memref<10240x4xf32, #tpu.memory_space<vmem>> -> memref<128x4xf32, #tpu.memory_space<vmem>>
        %dma_wait3A_292 = arith.constant 0 : i32
        %dma_wait3A_293 = tpu.memref_slice %arg7[%add3A_39, %dma_wait3A_292] : memref<80x128xi32, #tpu.memory_space<vmem>> -> memref<1x128xi32, #tpu.memory_space<vmem>>
        %dma_wait3A_294 = tpu.memref_squeeze %dma_wait3A_293 : memref<1x128xi32, #tpu.memory_space<vmem>> -> memref<128xi32, #tpu.memory_space<vmem>>
        %dma_wait3A_295 = arith.constant 0 : i32
        %dma_wait3A_296 = arith.constant 0 : i32
        %dma_wait3A_297 = tpu.memref_slice %arg2[%dma_wait3A_295, %dma_wait3A_296] : memref<102400x4xf32, #tpu.memory_space<hbm>> -> memref<102400x4xf32, #tpu.memory_space<hbm>>
        tpu.wait_indirect_dma semaphore(%arg9 : memref<!tpu.dma_semaphore, #tpu.memory_space<semaphore_mem>>) src(%dma_wait3A_297 : memref<102400x4xf32, #tpu.memory_space<hbm>>) dst(%dma_wait3A_291 : memref<128x4xf32, #tpu.memory_space<vmem>>)
        %dma_wait3A_298 = arith.constant 0 : i32
        %dma_wait3A_299 = tpu.memref_slice %arg8[%add3A_58, %dma_wait3A_298] : memref<10240x4xf32, #tpu.memory_space<vmem>> -> memref<128x4xf32, #tpu.memory_space<vmem>>
        %dma_wait3A_300 = arith.constant 0 : i32
        %dma_wait3A_301 = tpu.memref_slice %arg7[%add3A_54, %dma_wait3A_300] : memref<80x128xi32, #tpu.memory_space<vmem>> -> memref<1x128xi32, #tpu.memory_space<vmem>>
        %dma_wait3A_302 = tpu.memref_squeeze %dma_wait3A_301 : memref<1x128xi32, #tpu.memory_space<vmem>> -> memref<128xi32, #tpu.memory_space<vmem>>
        %dma_wait3A_303 = arith.constant 0 : i32
        %dma_wait3A_304 = arith.constant 0 : i32
        %dma_wait3A_305 = tpu.memref_slice %arg2[%dma_wait3A_303, %dma_wait3A_304] : memref<102400x4xf32, #tpu.memory_space<hbm>> -> memref<102400x4xf32, #tpu.memory_space<hbm>>
        tpu.wait_indirect_dma semaphore(%arg9 : memref<!tpu.dma_semaphore, #tpu.memory_space<semaphore_mem>>) src(%dma_wait3A_305 : memref<102400x4xf32, #tpu.memory_space<hbm>>) dst(%dma_wait3A_299 : memref<128x4xf32, #tpu.memory_space<vmem>>)
        %dma_wait3A_306 = arith.constant 0 : i32
        %dma_wait3A_307 = tpu.memref_slice %arg8[%add3A_74, %dma_wait3A_306] : memref<10240x4xf32, #tpu.memory_space<vmem>> -> memref<128x4xf32, #tpu.memory_space<vmem>>
        %dma_wait3A_308 = arith.constant 0 : i32
        %dma_wait3A_309 = tpu.memref_slice %arg7[%add3A_70, %dma_wait3A_308] : memref<80x128xi32, #tpu.memory_space<vmem>> -> memref<1x128xi32, #tpu.memory_space<vmem>>
        %dma_wait3A_310 = tpu.memref_squeeze %dma_wait3A_309 : memref<1x128xi32, #tpu.memory_space<vmem>> -> memref<128xi32, #tpu.memory_space<vmem>>
        %dma_wait3A_311 = arith.constant 0 : i32
        %dma_wait3A_312 = arith.constant 0 : i32
        %dma_wait3A_313 = tpu.memref_slice %arg2[%dma_wait3A_311, %dma_wait3A_312] : memref<102400x4xf32, #tpu.memory_space<hbm>> -> memref<102400x4xf32, #tpu.memory_space<hbm>>
        tpu.wait_indirect_dma semaphore(%arg9 : memref<!tpu.dma_semaphore, #tpu.memory_space<semaphore_mem>>) src(%dma_wait3A_313 : memref<102400x4xf32, #tpu.memory_space<hbm>>) dst(%dma_wait3A_307 : memref<128x4xf32, #tpu.memory_space<vmem>>)
        %dma_wait3A_314 = arith.constant 0 : i32
        %dma_wait3A_315 = tpu.memref_slice %arg8[%add3A_90, %dma_wait3A_314] : memref<10240x4xf32, #tpu.memory_space<vmem>> -> memref<128x4xf32, #tpu.memory_space<vmem>>
        %dma_wait3A_316 = arith.constant 0 : i32
        %dma_wait3A_317 = tpu.memref_slice %arg7[%add3A_86, %dma_wait3A_316] : memref<80x128xi32, #tpu.memory_space<vmem>> -> memref<1x128xi32, #tpu.memory_space<vmem>>
        %dma_wait3A_318 = tpu.memref_squeeze %dma_wait3A_317 : memref<1x128xi32, #tpu.memory_space<vmem>> -> memref<128xi32, #tpu.memory_space<vmem>>
        %dma_wait3A_319 = arith.constant 0 : i32
        %dma_wait3A_320 = arith.constant 0 : i32
        %dma_wait3A_321 = tpu.memref_slice %arg2[%dma_wait3A_319, %dma_wait3A_320] : memref<102400x4xf32, #tpu.memory_space<hbm>> -> memref<102400x4xf32, #tpu.memory_space<hbm>>
        tpu.wait_indirect_dma semaphore(%arg9 : memref<!tpu.dma_semaphore, #tpu.memory_space<semaphore_mem>>) src(%dma_wait3A_321 : memref<102400x4xf32, #tpu.memory_space<hbm>>) dst(%dma_wait3A_315 : memref<128x4xf32, #tpu.memory_space<vmem>>)
        %dma_wait3A_322 = arith.constant 0 : i32
        %dma_wait3A_323 = tpu.memref_slice %arg8[%add3A_106, %dma_wait3A_322] : memref<10240x4xf32, #tpu.memory_space<vmem>> -> memref<128x4xf32, #tpu.memory_space<vmem>>
        %dma_wait3A_324 = arith.constant 0 : i32
        %dma_wait3A_325 = tpu.memref_slice %arg7[%add3A_102, %dma_wait3A_324] : memref<80x128xi32, #tpu.memory_space<vmem>> -> memref<1x128xi32, #tpu.memory_space<vmem>>
        %dma_wait3A_326 = tpu.memref_squeeze %dma_wait3A_325 : memref<1x128xi32, #tpu.memory_space<vmem>> -> memref<128xi32, #tpu.memory_space<vmem>>
        %dma_wait3A_327 = arith.constant 0 : i32
        %dma_wait3A_328 = arith.constant 0 : i32
        %dma_wait3A_329 = tpu.memref_slice %arg2[%dma_wait3A_327, %dma_wait3A_328] : memref<102400x4xf32, #tpu.memory_space<hbm>> -> memref<102400x4xf32, #tpu.memory_space<hbm>>
        tpu.wait_indirect_dma semaphore(%arg9 : memref<!tpu.dma_semaphore, #tpu.memory_space<semaphore_mem>>) src(%dma_wait3A_329 : memref<102400x4xf32, #tpu.memory_space<hbm>>) dst(%dma_wait3A_323 : memref<128x4xf32, #tpu.memory_space<vmem>>)
        %dma_wait3A_330 = arith.constant 0 : i32
        %dma_wait3A_331 = tpu.memref_slice %arg8[%add3A_122, %dma_wait3A_330] : memref<10240x4xf32, #tpu.memory_space<vmem>> -> memref<128x4xf32, #tpu.memory_space<vmem>>
        %dma_wait3A_332 = arith.constant 0 : i32
        %dma_wait3A_333 = tpu.memref_slice %arg7[%add3A_118, %dma_wait3A_332] : memref<80x128xi32, #tpu.memory_space<vmem>> -> memref<1x128xi32, #tpu.memory_space<vmem>>
        %dma_wait3A_334 = tpu.memref_squeeze %dma_wait3A_333 : memref<1x128xi32, #tpu.memory_space<vmem>> -> memref<128xi32, #tpu.memory_space<vmem>>
        %dma_wait3A_335 = arith.constant 0 : i32
        %dma_wait3A_336 = arith.constant 0 : i32
        %dma_wait3A_337 = tpu.memref_slice %arg2[%dma_wait3A_335, %dma_wait3A_336] : memref<102400x4xf32, #tpu.memory_space<hbm>> -> memref<102400x4xf32, #tpu.memory_space<hbm>>
        tpu.wait_indirect_dma semaphore(%arg9 : memref<!tpu.dma_semaphore, #tpu.memory_space<semaphore_mem>>) src(%dma_wait3A_337 : memref<102400x4xf32, #tpu.memory_space<hbm>>) dst(%dma_wait3A_331 : memref<128x4xf32, #tpu.memory_space<vmem>>)
        %dma_wait3A_338 = arith.constant 0 : i32
        %dma_wait3A_339 = tpu.memref_slice %arg8[%add3A_138, %dma_wait3A_338] : memref<10240x4xf32, #tpu.memory_space<vmem>> -> memref<128x4xf32, #tpu.memory_space<vmem>>
        %dma_wait3A_340 = arith.constant 0 : i32
        %dma_wait3A_341 = tpu.memref_slice %arg7[%add3A_134, %dma_wait3A_340] : memref<80x128xi32, #tpu.memory_space<vmem>> -> memref<1x128xi32, #tpu.memory_space<vmem>>
        %dma_wait3A_342 = tpu.memref_squeeze %dma_wait3A_341 : memref<1x128xi32, #tpu.memory_space<vmem>> -> memref<128xi32, #tpu.memory_space<vmem>>
        %dma_wait3A_343 = arith.constant 0 : i32
        %dma_wait3A_344 = arith.constant 0 : i32
        %dma_wait3A_345 = tpu.memref_slice %arg2[%dma_wait3A_343, %dma_wait3A_344] : memref<102400x4xf32, #tpu.memory_space<hbm>> -> memref<102400x4xf32, #tpu.memory_space<hbm>>
        tpu.wait_indirect_dma semaphore(%arg9 : memref<!tpu.dma_semaphore, #tpu.memory_space<semaphore_mem>>) src(%dma_wait3A_345 : memref<102400x4xf32, #tpu.memory_space<hbm>>) dst(%dma_wait3A_339 : memref<128x4xf32, #tpu.memory_space<vmem>>)
        %dma_wait3A_346 = arith.constant 0 : i32
        %dma_wait3A_347 = tpu.memref_slice %arg8[%add3A_154, %dma_wait3A_346] : memref<10240x4xf32, #tpu.memory_space<vmem>> -> memref<128x4xf32, #tpu.memory_space<vmem>>
        %dma_wait3A_348 = arith.constant 0 : i32
        %dma_wait3A_349 = tpu.memref_slice %arg7[%add3A_150, %dma_wait3A_348] : memref<80x128xi32, #tpu.memory_space<vmem>> -> memref<1x128xi32, #tpu.memory_space<vmem>>
        %dma_wait3A_350 = tpu.memref_squeeze %dma_wait3A_349 : memref<1x128xi32, #tpu.memory_space<vmem>> -> memref<128xi32, #tpu.memory_space<vmem>>
        %dma_wait3A_351 = arith.constant 0 : i32
        %dma_wait3A_352 = arith.constant 0 : i32
        %dma_wait3A_353 = tpu.memref_slice %arg2[%dma_wait3A_351, %dma_wait3A_352] : memref<102400x4xf32, #tpu.memory_space<hbm>> -> memref<102400x4xf32, #tpu.memory_space<hbm>>
        tpu.wait_indirect_dma semaphore(%arg9 : memref<!tpu.dma_semaphore, #tpu.memory_space<semaphore_mem>>) src(%dma_wait3A_353 : memref<102400x4xf32, #tpu.memory_space<hbm>>) dst(%dma_wait3A_347 : memref<128x4xf32, #tpu.memory_space<vmem>>)
        %dma_wait3A_354 = arith.constant 0 : i32
        %dma_wait3A_355 = tpu.memref_slice %arg8[%add3A_170, %dma_wait3A_354] : memref<10240x4xf32, #tpu.memory_space<vmem>> -> memref<128x4xf32, #tpu.memory_space<vmem>>
        %dma_wait3A_356 = arith.constant 0 : i32
        %dma_wait3A_357 = tpu.memref_slice %arg7[%add3A_166, %dma_wait3A_356] : memref<80x128xi32, #tpu.memory_space<vmem>> -> memref<1x128xi32, #tpu.memory_space<vmem>>
        %dma_wait3A_358 = tpu.memref_squeeze %dma_wait3A_357 : memref<1x128xi32, #tpu.memory_space<vmem>> -> memref<128xi32, #tpu.memory_space<vmem>>
        %dma_wait3A_359 = arith.constant 0 : i32
        %dma_wait3A_360 = arith.constant 0 : i32
        %dma_wait3A_361 = tpu.memref_slice %arg2[%dma_wait3A_359, %dma_wait3A_360] : memref<102400x4xf32, #tpu.memory_space<hbm>> -> memref<102400x4xf32, #tpu.memory_space<hbm>>
        tpu.wait_indirect_dma semaphore(%arg9 : memref<!tpu.dma_semaphore, #tpu.memory_space<semaphore_mem>>) src(%dma_wait3A_361 : memref<102400x4xf32, #tpu.memory_space<hbm>>) dst(%dma_wait3A_355 : memref<128x4xf32, #tpu.memory_space<vmem>>)
        %dma_wait3A_362 = arith.constant 0 : i32
        %dma_wait3A_363 = tpu.memref_slice %arg8[%add3A_186, %dma_wait3A_362] : memref<10240x4xf32, #tpu.memory_space<vmem>> -> memref<128x4xf32, #tpu.memory_space<vmem>>
        %dma_wait3A_364 = arith.constant 0 : i32
        %dma_wait3A_365 = tpu.memref_slice %arg7[%add3A_182, %dma_wait3A_364] : memref<80x128xi32, #tpu.memory_space<vmem>> -> memref<1x128xi32, #tpu.memory_space<vmem>>
        %dma_wait3A_366 = tpu.memref_squeeze %dma_wait3A_365 : memref<1x128xi32, #tpu.memory_space<vmem>> -> memref<128xi32, #tpu.memory_space<vmem>>
        %dma_wait3A_367 = arith.constant 0 : i32
        %dma_wait3A_368 = arith.constant 0 : i32
        %dma_wait3A_369 = tpu.memref_slice %arg2[%dma_wait3A_367, %dma_wait3A_368] : memref<102400x4xf32, #tpu.memory_space<hbm>> -> memref<102400x4xf32, #tpu.memory_space<hbm>>
        tpu.wait_indirect_dma semaphore(%arg9 : memref<!tpu.dma_semaphore, #tpu.memory_space<semaphore_mem>>) src(%dma_wait3A_369 : memref<102400x4xf32, #tpu.memory_space<hbm>>) dst(%dma_wait3A_363 : memref<128x4xf32, #tpu.memory_space<vmem>>)
        %dma_wait3A_370 = arith.constant 0 : i32
        %dma_wait3A_371 = tpu.memref_slice %arg8[%add3A_202, %dma_wait3A_370] : memref<10240x4xf32, #tpu.memory_space<vmem>> -> memref<128x4xf32, #tpu.memory_space<vmem>>
        %dma_wait3A_372 = arith.constant 0 : i32
        %dma_wait3A_373 = tpu.memref_slice %arg7[%add3A_198, %dma_wait3A_372] : memref<80x128xi32, #tpu.memory_space<vmem>> -> memref<1x128xi32, #tpu.memory_space<vmem>>
        %dma_wait3A_374 = tpu.memref_squeeze %dma_wait3A_373 : memref<1x128xi32, #tpu.memory_space<vmem>> -> memref<128xi32, #tpu.memory_space<vmem>>
        %dma_wait3A_375 = arith.constant 0 : i32
        %dma_wait3A_376 = arith.constant 0 : i32
        %dma_wait3A_377 = tpu.memref_slice %arg2[%dma_wait3A_375, %dma_wait3A_376] : memref<102400x4xf32, #tpu.memory_space<hbm>> -> memref<102400x4xf32, #tpu.memory_space<hbm>>
        tpu.wait_indirect_dma semaphore(%arg9 : memref<!tpu.dma_semaphore, #tpu.memory_space<semaphore_mem>>) src(%dma_wait3A_377 : memref<102400x4xf32, #tpu.memory_space<hbm>>) dst(%dma_wait3A_371 : memref<128x4xf32, #tpu.memory_space<vmem>>)
        %dma_wait3A_378 = arith.constant 0 : i32
        %dma_wait3A_379 = tpu.memref_slice %arg8[%add3A_218, %dma_wait3A_378] : memref<10240x4xf32, #tpu.memory_space<vmem>> -> memref<128x4xf32, #tpu.memory_space<vmem>>
        %dma_wait3A_380 = arith.constant 0 : i32
        %dma_wait3A_381 = tpu.memref_slice %arg7[%add3A_214, %dma_wait3A_380] : memref<80x128xi32, #tpu.memory_space<vmem>> -> memref<1x128xi32, #tpu.memory_space<vmem>>
        %dma_wait3A_382 = tpu.memref_squeeze %dma_wait3A_381 : memref<1x128xi32, #tpu.memory_space<vmem>> -> memref<128xi32, #tpu.memory_space<vmem>>
        %dma_wait3A_383 = arith.constant 0 : i32
        %dma_wait3A_384 = arith.constant 0 : i32
        %dma_wait3A_385 = tpu.memref_slice %arg2[%dma_wait3A_383, %dma_wait3A_384] : memref<102400x4xf32, #tpu.memory_space<hbm>> -> memref<102400x4xf32, #tpu.memory_space<hbm>>
        tpu.wait_indirect_dma semaphore(%arg9 : memref<!tpu.dma_semaphore, #tpu.memory_space<semaphore_mem>>) src(%dma_wait3A_385 : memref<102400x4xf32, #tpu.memory_space<hbm>>) dst(%dma_wait3A_379 : memref<128x4xf32, #tpu.memory_space<vmem>>)
        %dma_wait3A_386 = arith.constant 0 : i32
        %dma_wait3A_387 = tpu.memref_slice %arg8[%add3A_234, %dma_wait3A_386] : memref<10240x4xf32, #tpu.memory_space<vmem>> -> memref<128x4xf32, #tpu.memory_space<vmem>>
        %dma_wait3A_388 = arith.constant 0 : i32
        %dma_wait3A_389 = tpu.memref_slice %arg7[%add3A_230, %dma_wait3A_388] : memref<80x128xi32, #tpu.memory_space<vmem>> -> memref<1x128xi32, #tpu.memory_space<vmem>>
        %dma_wait3A_390 = tpu.memref_squeeze %dma_wait3A_389 : memref<1x128xi32, #tpu.memory_space<vmem>> -> memref<128xi32, #tpu.memory_space<vmem>>
        %dma_wait3A_391 = arith.constant 0 : i32
        %dma_wait3A_392 = arith.constant 0 : i32
        %dma_wait3A_393 = tpu.memref_slice %arg2[%dma_wait3A_391, %dma_wait3A_392] : memref<102400x4xf32, #tpu.memory_space<hbm>> -> memref<102400x4xf32, #tpu.memory_space<hbm>>
        tpu.wait_indirect_dma semaphore(%arg9 : memref<!tpu.dma_semaphore, #tpu.memory_space<semaphore_mem>>) src(%dma_wait3A_393 : memref<102400x4xf32, #tpu.memory_space<hbm>>) dst(%dma_wait3A_387 : memref<128x4xf32, #tpu.memory_space<vmem>>)
        %dma_wait3A_394 = arith.constant 0 : i32
        %dma_wait3A_395 = tpu.memref_slice %arg8[%add3A_250, %dma_wait3A_394] : memref<10240x4xf32, #tpu.memory_space<vmem>> -> memref<128x4xf32, #tpu.memory_space<vmem>>
        %dma_wait3A_396 = arith.constant 0 : i32
        %dma_wait3A_397 = tpu.memref_slice %arg7[%add3A_246, %dma_wait3A_396] : memref<80x128xi32, #tpu.memory_space<vmem>> -> memref<1x128xi32, #tpu.memory_space<vmem>>
        %dma_wait3A_398 = tpu.memref_squeeze %dma_wait3A_397 : memref<1x128xi32, #tpu.memory_space<vmem>> -> memref<128xi32, #tpu.memory_space<vmem>>
        %dma_wait3A_399 = arith.constant 0 : i32
        %dma_wait3A_400 = arith.constant 0 : i32
        %dma_wait3A_401 = tpu.memref_slice %arg2[%dma_wait3A_399, %dma_wait3A_400] : memref<102400x4xf32, #tpu.memory_space<hbm>> -> memref<102400x4xf32, #tpu.memory_space<hbm>>
        tpu.wait_indirect_dma semaphore(%arg9 : memref<!tpu.dma_semaphore, #tpu.memory_space<semaphore_mem>>) src(%dma_wait3A_401 : memref<102400x4xf32, #tpu.memory_space<hbm>>) dst(%dma_wait3A_395 : memref<128x4xf32, #tpu.memory_space<vmem>>)
        %dma_wait3A_402 = arith.constant 0 : i32
        %dma_wait3A_403 = tpu.memref_slice %arg8[%add3A_266, %dma_wait3A_402] : memref<10240x4xf32, #tpu.memory_space<vmem>> -> memref<128x4xf32, #tpu.memory_space<vmem>>
        %dma_wait3A_404 = arith.constant 0 : i32
        %dma_wait3A_405 = tpu.memref_slice %arg7[%add3A_262, %dma_wait3A_404] : memref<80x128xi32, #tpu.memory_space<vmem>> -> memref<1x128xi32, #tpu.memory_space<vmem>>
        %dma_wait3A_406 = tpu.memref_squeeze %dma_wait3A_405 : memref<1x128xi32, #tpu.memory_space<vmem>> -> memref<128xi32, #tpu.memory_space<vmem>>
        %dma_wait3A_407 = arith.constant 0 : i32
        %dma_wait3A_408 = arith.constant 0 : i32
        %dma_wait3A_409 = tpu.memref_slice %arg2[%dma_wait3A_407, %dma_wait3A_408] : memref<102400x4xf32, #tpu.memory_space<hbm>> -> memref<102400x4xf32, #tpu.memory_space<hbm>>
        tpu.wait_indirect_dma semaphore(%arg9 : memref<!tpu.dma_semaphore, #tpu.memory_space<semaphore_mem>>) src(%dma_wait3A_409 : memref<102400x4xf32, #tpu.memory_space<hbm>>) dst(%dma_wait3A_403 : memref<128x4xf32, #tpu.memory_space<vmem>>)
        %dma_wait3A_410 = arith.constant 0 : i32
        %dma_wait3A_411 = tpu.memref_slice %arg8[%add3A_282, %dma_wait3A_410] : memref<10240x4xf32, #tpu.memory_space<vmem>> -> memref<128x4xf32, #tpu.memory_space<vmem>>
        %dma_wait3A_412 = arith.constant 0 : i32
        %dma_wait3A_413 = tpu.memref_slice %arg7[%add3A_278, %dma_wait3A_412] : memref<80x128xi32, #tpu.memory_space<vmem>> -> memref<1x128xi32, #tpu.memory_space<vmem>>
        %dma_wait3A_414 = tpu.memref_squeeze %dma_wait3A_413 : memref<1x128xi32, #tpu.memory_space<vmem>> -> memref<128xi32, #tpu.memory_space<vmem>>
        %dma_wait3A_415 = arith.constant 0 : i32
        %dma_wait3A_416 = arith.constant 0 : i32
        %dma_wait3A_417 = tpu.memref_slice %arg2[%dma_wait3A_415, %dma_wait3A_416] : memref<102400x4xf32, #tpu.memory_space<hbm>> -> memref<102400x4xf32, #tpu.memory_space<hbm>>
        tpu.wait_indirect_dma semaphore(%arg9 : memref<!tpu.dma_semaphore, #tpu.memory_space<semaphore_mem>>) src(%dma_wait3A_417 : memref<102400x4xf32, #tpu.memory_space<hbm>>) dst(%dma_wait3A_411 : memref<128x4xf32, #tpu.memory_space<vmem>>)
        %scan3A_418 = arith.constant 0 : i32
        scf.yield %scan3A_418 : i32
      }
      %scan3A_32 = arith.constant 5 : i32
      "tpu.region"() ({
        %run_scoped3A = tpu.sem_alloc : memref<!tpu.dma_semaphore, #tpu.memory_space<semaphore_mem>>
        %dma_start3A = arith.constant 0 : i32
        %dma_start3A_34 = tpu.memref_slice %arg5[%add3A_20, %dma_start3A] : memref<1638400x4xf32, #tpu.memory_space<hbm>> -> memref<10240x4xf32, #tpu.memory_space<hbm>>
        %dma_start3A_35 = arith.constant 0 : i32
        %dma_start3A_36 = tpu.memref_slice %arg5[%add3A_20, %dma_start3A_35] : memref<1638400x4xf32, #tpu.memory_space<hbm>> -> memref<10240x4xf32, #tpu.memory_space<hbm>>
        tpu.enqueue_dma source(%arg8 : memref<10240x4xf32, #tpu.memory_space<vmem>>) target(%dma_start3A_36 : memref<10240x4xf32, #tpu.memory_space<hbm>>) target_semaphore(%run_scoped3A : memref<!tpu.dma_semaphore, #tpu.memory_space<semaphore_mem>>)
        %dma_wait3A = arith.constant 0 : i32
        %dma_wait3A_37 = tpu.memref_slice %arg5[%add3A_20, %dma_wait3A] : memref<1638400x4xf32, #tpu.memory_space<hbm>> -> memref<10240x4xf32, #tpu.memory_space<hbm>>
        %dma_wait3A_38 = arith.constant 0 : i32
        %dma_wait3A_39 = tpu.memref_slice %arg5[%add3A_20, %dma_wait3A_38] : memref<1638400x4xf32, #tpu.memory_space<hbm>> -> memref<10240x4xf32, #tpu.memory_space<hbm>>
        tpu.wait_dma2 semaphore(%run_scoped3A : memref<!tpu.dma_semaphore, #tpu.memory_space<semaphore_mem>>) src(%arg8 : memref<10240x4xf32, #tpu.memory_space<vmem>>) dst(%dma_wait3A_39 : memref<10240x4xf32, #tpu.memory_space<hbm>>)
        tpu.yield
      }) : () -> ()
      %scan3A_33 = arith.constant 0 : i32
      scf.yield %scan3A_33 : i32
    }
    %scan3A_6 = arith.constant 5 : i32
    %scan3A_7 = arith.constant 0 : i32
    %scan3A_8 = arith.constant 0 : i32
    %scan3A_9 = arith.constant 5 : i32
    %scan3A_10 = arith.addi %scan3A_8, %scan3A_9 : i32
    %scan3A_11 = arith.constant 1 : i32
    %scan3A_12 = scf.for %scan3A_14 = %scan3A_8 to %scan3A_10 step %scan3A_11 iter_args(%scan3A_15 = %scan3A_7) -> (i32)  : i32 {
      %mul3A_16 = arith.constant 51200 : i32
      %mul3A_17 = arith.muli %add3A, %mul3A_16 : i32
      %mul3A_18 = arith.constant 10240 : i32
      %mul3A_19 = arith.muli %scan3A_14, %mul3A_18 : i32
      %add3A_20 = arith.addi %mul3A_17, %mul3A_19 : i32
      %mul3A_21 = arith.constant 400 : i32
      %mul3A_22 = arith.muli %add3A, %mul3A_21 : i32
      %mul3A_23 = arith.constant 80 : i32
      %mul3A_24 = arith.muli %scan3A_14, %mul3A_23 : i32
      %add3A_25 = arith.addi %mul3A_22, %mul3A_24 : i32
      "tpu.region"() ({
        %run_scoped3A = tpu.sem_alloc : memref<!tpu.dma_semaphore, #tpu.memory_space<semaphore_mem>>
        %dma_start3A = arith.constant 0 : i32
        %dma_start3A_34 = tpu.memref_slice %arg4[%add3A_25, %dma_start3A] : memref<12800x128xi32, #tpu.memory_space<hbm>> -> memref<80x128xi32, #tpu.memory_space<hbm>>
        %dma_start3A_35 = arith.constant 0 : i32
        %dma_start3A_36 = tpu.memref_slice %arg4[%add3A_25, %dma_start3A_35] : memref<12800x128xi32, #tpu.memory_space<hbm>> -> memref<80x128xi32, #tpu.memory_space<hbm>>
        tpu.enqueue_dma source(%dma_start3A_36 : memref<80x128xi32, #tpu.memory_space<hbm>>) target(%arg7 : memref<80x128xi32, #tpu.memory_space<vmem>>) target_semaphore(%run_scoped3A : memref<!tpu.dma_semaphore, #tpu.memory_space<semaphore_mem>>)
        %dma_wait3A = arith.constant 0 : i32
        %dma_wait3A_37 = tpu.memref_slice %arg4[%add3A_25, %dma_wait3A] : memref<12800x128xi32, #tpu.memory_space<hbm>> -> memref<80x128xi32, #tpu.memory_space<hbm>>
        %dma_wait3A_38 = arith.constant 0 : i32
        %dma_wait3A_39 = tpu.memref_slice %arg4[%add3A_25, %dma_wait3A_38] : memref<12800x128xi32, #tpu.memory_space<hbm>> -> memref<80x128xi32, #tpu.memory_space<hbm>>
        tpu.wait_dma2 semaphore(%run_scoped3A : memref<!tpu.dma_semaphore, #tpu.memory_space<semaphore_mem>>) src(%dma_wait3A_39 : memref<80x128xi32, #tpu.memory_space<hbm>>) dst(%arg7 : memref<80x128xi32, #tpu.memory_space<vmem>>)
        tpu.yield
      }) : () -> ()
      %scan3A_26 = arith.constant 0 : i32
      %scan3A_27 = arith.constant 0 : i32
      %scan3A_28 = arith.constant 5 : i32
      %scan3A_29 = arith.addi %scan3A_27, %scan3A_28 : i32
      %scan3A_30 = arith.constant 1 : i32
      %scan3A_31 = scf.for %scan3A_34 = %scan3A_27 to %scan3A_29 step %scan3A_30 iter_args(%scan3A_35 = %scan3A_26) -> (i32)  : i32 {
        %mul3A_36 = arith.constant 16 : i32
        %mul3A_37 = arith.muli %scan3A_34, %mul3A_36 : i32
        %add3A_38 = arith.constant 0 : i32
        %add3A_39 = arith.addi %mul3A_37, %add3A_38 : i32
        %mul3A_40 = arith.constant 2048 : i32
        %mul3A_41 = arith.muli %scan3A_34, %mul3A_40 : i32
        %add3A_42 = arith.constant 0 : i32
        %add3A_43 = arith.addi %mul3A_41, %add3A_42 : i32
        %dma_start3A = arith.constant 0 : i32
        %dma_start3A_44 = tpu.memref_slice %arg8[%add3A_43, %dma_start3A] : memref<10240x4xf32, #tpu.memory_space<vmem>> -> memref<128x4xf32, #tpu.memory_space<vmem>>
        %dma_start3A_45 = arith.constant 0 : i32
        %dma_start3A_46 = tpu.memref_slice %arg7[%add3A_39, %dma_start3A_45] : memref<80x128xi32, #tpu.memory_space<vmem>> -> memref<1x128xi32, #tpu.memory_space<vmem>>
        %dma_start3A_47 = tpu.memref_squeeze %dma_start3A_46 : memref<1x128xi32, #tpu.memory_space<vmem>> -> memref<128xi32, #tpu.memory_space<vmem>>
        %dma_start3A_48 = arith.constant 0 : i32
        %dma_start3A_49 = arith.constant 0 : i32
        %dma_start3A_50 = tpu.memref_slice %arg2[%dma_start3A_48, %dma_start3A_49] : memref<102400x4xf32, #tpu.memory_space<hbm>> -> memref<102400x4xf32, #tpu.memory_space<hbm>>
        tpu.enqueue_indirect_dma source(%dma_start3A_50 : memref<102400x4xf32, #tpu.memory_space<hbm>>) target(%dma_start3A_44 : memref<128x4xf32, #tpu.memory_space<vmem>>) offsets(%dma_start3A_47 : memref<128xi32, #tpu.memory_space<vmem>>) semaphore(%arg9 : memref<!tpu.dma_semaphore, #tpu.memory_space<semaphore_mem>>)
        %mul3A_51 = arith.constant 16 : i32
        %mul3A_52 = arith.muli %scan3A_34, %mul3A_51 : i32
        %add3A_53 = arith.constant 1 : i32
        %add3A_54 = arith.addi %mul3A_52, %add3A_53 : i32
        %mul3A_55 = arith.constant 2048 : i32
        %mul3A_56 = arith.muli %scan3A_34, %mul3A_55 : i32
        %add3A_57 = arith.constant 128 : i32
        %add3A_58 = arith.addi %mul3A_56, %add3A_57 : i32
        %dma_start3A_59 = arith.constant 0 : i32
        %dma_start3A_60 = tpu.memref_slice %arg8[%add3A_58, %dma_start3A_59] : memref<10240x4xf32, #tpu.memory_space<vmem>> -> memref<128x4xf32, #tpu.memory_space<vmem>>
        %dma_start3A_61 = arith.constant 0 : i32
        %dma_start3A_62 = tpu.memref_slice %arg7[%add3A_54, %dma_start3A_61] : memref<80x128xi32, #tpu.memory_space<vmem>> -> memref<1x128xi32, #tpu.memory_space<vmem>>
        %dma_start3A_63 = tpu.memref_squeeze %dma_start3A_62 : memref<1x128xi32, #tpu.memory_space<vmem>> -> memref<128xi32, #tpu.memory_space<vmem>>
        %dma_start3A_64 = arith.constant 0 : i32
        %dma_start3A_65 = arith.constant 0 : i32
        %dma_start3A_66 = tpu.memref_slice %arg2[%dma_start3A_64, %dma_start3A_65] : memref<102400x4xf32, #tpu.memory_space<hbm>> -> memref<102400x4xf32, #tpu.memory_space<hbm>>
        tpu.enqueue_indirect_dma source(%dma_start3A_66 : memref<102400x4xf32, #tpu.memory_space<hbm>>) target(%dma_start3A_60 : memref<128x4xf32, #tpu.memory_space<vmem>>) offsets(%dma_start3A_63 : memref<128xi32, #tpu.memory_space<vmem>>) semaphore(%arg9 : memref<!tpu.dma_semaphore, #tpu.memory_space<semaphore_mem>>)
        %mul3A_67 = arith.constant 16 : i32
        %mul3A_68 = arith.muli %scan3A_34, %mul3A_67 : i32
        %add3A_69 = arith.constant 2 : i32
        %add3A_70 = arith.addi %mul3A_68, %add3A_69 : i32
        %mul3A_71 = arith.constant 2048 : i32
        %mul3A_72 = arith.muli %scan3A_34, %mul3A_71 : i32
        %add3A_73 = arith.constant 256 : i32
        %add3A_74 = arith.addi %mul3A_72, %add3A_73 : i32
        %dma_start3A_75 = arith.constant 0 : i32
        %dma_start3A_76 = tpu.memref_slice %arg8[%add3A_74, %dma_start3A_75] : memref<10240x4xf32, #tpu.memory_space<vmem>> -> memref<128x4xf32, #tpu.memory_space<vmem>>
        %dma_start3A_77 = arith.constant 0 : i32
        %dma_start3A_78 = tpu.memref_slice %arg7[%add3A_70, %dma_start3A_77] : memref<80x128xi32, #tpu.memory_space<vmem>> -> memref<1x128xi32, #tpu.memory_space<vmem>>
        %dma_start3A_79 = tpu.memref_squeeze %dma_start3A_78 : memref<1x128xi32, #tpu.memory_space<vmem>> -> memref<128xi32, #tpu.memory_space<vmem>>
        %dma_start3A_80 = arith.constant 0 : i32
        %dma_start3A_81 = arith.constant 0 : i32
        %dma_start3A_82 = tpu.memref_slice %arg2[%dma_start3A_80, %dma_start3A_81] : memref<102400x4xf32, #tpu.memory_space<hbm>> -> memref<102400x4xf32, #tpu.memory_space<hbm>>
        tpu.enqueue_indirect_dma source(%dma_start3A_82 : memref<102400x4xf32, #tpu.memory_space<hbm>>) target(%dma_start3A_76 : memref<128x4xf32, #tpu.memory_space<vmem>>) offsets(%dma_start3A_79 : memref<128xi32, #tpu.memory_space<vmem>>) semaphore(%arg9 : memref<!tpu.dma_semaphore, #tpu.memory_space<semaphore_mem>>)
        %mul3A_83 = arith.constant 16 : i32
        %mul3A_84 = arith.muli %scan3A_34, %mul3A_83 : i32
        %add3A_85 = arith.constant 3 : i32
        %add3A_86 = arith.addi %mul3A_84, %add3A_85 : i32
        %mul3A_87 = arith.constant 2048 : i32
        %mul3A_88 = arith.muli %scan3A_34, %mul3A_87 : i32
        %add3A_89 = arith.constant 384 : i32
        %add3A_90 = arith.addi %mul3A_88, %add3A_89 : i32
        %dma_start3A_91 = arith.constant 0 : i32
        %dma_start3A_92 = tpu.memref_slice %arg8[%add3A_90, %dma_start3A_91] : memref<10240x4xf32, #tpu.memory_space<vmem>> -> memref<128x4xf32, #tpu.memory_space<vmem>>
        %dma_start3A_93 = arith.constant 0 : i32
        %dma_start3A_94 = tpu.memref_slice %arg7[%add3A_86, %dma_start3A_93] : memref<80x128xi32, #tpu.memory_space<vmem>> -> memref<1x128xi32, #tpu.memory_space<vmem>>
        %dma_start3A_95 = tpu.memref_squeeze %dma_start3A_94 : memref<1x128xi32, #tpu.memory_space<vmem>> -> memref<128xi32, #tpu.memory_space<vmem>>
        %dma_start3A_96 = arith.constant 0 : i32
        %dma_start3A_97 = arith.constant 0 : i32
        %dma_start3A_98 = tpu.memref_slice %arg2[%dma_start3A_96, %dma_start3A_97] : memref<102400x4xf32, #tpu.memory_space<hbm>> -> memref<102400x4xf32, #tpu.memory_space<hbm>>
        tpu.enqueue_indirect_dma source(%dma_start3A_98 : memref<102400x4xf32, #tpu.memory_space<hbm>>) target(%dma_start3A_92 : memref<128x4xf32, #tpu.memory_space<vmem>>) offsets(%dma_start3A_95 : memref<128xi32, #tpu.memory_space<vmem>>) semaphore(%arg9 : memref<!tpu.dma_semaphore, #tpu.memory_space<semaphore_mem>>)
        %mul3A_99 = arith.constant 16 : i32
        %mul3A_100 = arith.muli %scan3A_34, %mul3A_99 : i32
        %add3A_101 = arith.constant 4 : i32
        %add3A_102 = arith.addi %mul3A_100, %add3A_101 : i32
        %mul3A_103 = arith.constant 2048 : i32
        %mul3A_104 = arith.muli %scan3A_34, %mul3A_103 : i32
        %add3A_105 = arith.constant 512 : i32
        %add3A_106 = arith.addi %mul3A_104, %add3A_105 : i32
        %dma_start3A_107 = arith.constant 0 : i32
        %dma_start3A_108 = tpu.memref_slice %arg8[%add3A_106, %dma_start3A_107] : memref<10240x4xf32, #tpu.memory_space<vmem>> -> memref<128x4xf32, #tpu.memory_space<vmem>>
        %dma_start3A_109 = arith.constant 0 : i32
        %dma_start3A_110 = tpu.memref_slice %arg7[%add3A_102, %dma_start3A_109] : memref<80x128xi32, #tpu.memory_space<vmem>> -> memref<1x128xi32, #tpu.memory_space<vmem>>
        %dma_start3A_111 = tpu.memref_squeeze %dma_start3A_110 : memref<1x128xi32, #tpu.memory_space<vmem>> -> memref<128xi32, #tpu.memory_space<vmem>>
        %dma_start3A_112 = arith.constant 0 : i32
        %dma_start3A_113 = arith.constant 0 : i32
        %dma_start3A_114 = tpu.memref_slice %arg2[%dma_start3A_112, %dma_start3A_113] : memref<102400x4xf32, #tpu.memory_space<hbm>> -> memref<102400x4xf32, #tpu.memory_space<hbm>>
        tpu.enqueue_indirect_dma source(%dma_start3A_114 : memref<102400x4xf32, #tpu.memory_space<hbm>>) target(%dma_start3A_108 : memref<128x4xf32, #tpu.memory_space<vmem>>) offsets(%dma_start3A_111 : memref<128xi32, #tpu.memory_space<vmem>>) semaphore(%arg9 : memref<!tpu.dma_semaphore, #tpu.memory_space<semaphore_mem>>)
        %mul3A_115 = arith.constant 16 : i32
        %mul3A_116 = arith.muli %scan3A_34, %mul3A_115 : i32
        %add3A_117 = arith.constant 5 : i32
        %add3A_118 = arith.addi %mul3A_116, %add3A_117 : i32
        %mul3A_119 = arith.constant 2048 : i32
        %mul3A_120 = arith.muli %scan3A_34, %mul3A_119 : i32
        %add3A_121 = arith.constant 640 : i32
        %add3A_122 = arith.addi %mul3A_120, %add3A_121 : i32
        %dma_start3A_123 = arith.constant 0 : i32
        %dma_start3A_124 = tpu.memref_slice %arg8[%add3A_122, %dma_start3A_123] : memref<10240x4xf32, #tpu.memory_space<vmem>> -> memref<128x4xf32, #tpu.memory_space<vmem>>
        %dma_start3A_125 = arith.constant 0 : i32
        %dma_start3A_126 = tpu.memref_slice %arg7[%add3A_118, %dma_start3A_125] : memref<80x128xi32, #tpu.memory_space<vmem>> -> memref<1x128xi32, #tpu.memory_space<vmem>>
        %dma_start3A_127 = tpu.memref_squeeze %dma_start3A_126 : memref<1x128xi32, #tpu.memory_space<vmem>> -> memref<128xi32, #tpu.memory_space<vmem>>
        %dma_start3A_128 = arith.constant 0 : i32
        %dma_start3A_129 = arith.constant 0 : i32
        %dma_start3A_130 = tpu.memref_slice %arg2[%dma_start3A_128, %dma_start3A_129] : memref<102400x4xf32, #tpu.memory_space<hbm>> -> memref<102400x4xf32, #tpu.memory_space<hbm>>
        tpu.enqueue_indirect_dma source(%dma_start3A_130 : memref<102400x4xf32, #tpu.memory_space<hbm>>) target(%dma_start3A_124 : memref<128x4xf32, #tpu.memory_space<vmem>>) offsets(%dma_start3A_127 : memref<128xi32, #tpu.memory_space<vmem>>) semaphore(%arg9 : memref<!tpu.dma_semaphore, #tpu.memory_space<semaphore_mem>>)
        %mul3A_131 = arith.constant 16 : i32
        %mul3A_132 = arith.muli %scan3A_34, %mul3A_131 : i32
        %add3A_133 = arith.constant 6 : i32
        %add3A_134 = arith.addi %mul3A_132, %add3A_133 : i32
        %mul3A_135 = arith.constant 2048 : i32
        %mul3A_136 = arith.muli %scan3A_34, %mul3A_135 : i32
        %add3A_137 = arith.constant 768 : i32
        %add3A_138 = arith.addi %mul3A_136, %add3A_137 : i32
        %dma_start3A_139 = arith.constant 0 : i32
        %dma_start3A_140 = tpu.memref_slice %arg8[%add3A_138, %dma_start3A_139] : memref<10240x4xf32, #tpu.memory_space<vmem>> -> memref<128x4xf32, #tpu.memory_space<vmem>>
        %dma_start3A_141 = arith.constant 0 : i32
        %dma_start3A_142 = tpu.memref_slice %arg7[%add3A_134, %dma_start3A_141] : memref<80x128xi32, #tpu.memory_space<vmem>> -> memref<1x128xi32, #tpu.memory_space<vmem>>
        %dma_start3A_143 = tpu.memref_squeeze %dma_start3A_142 : memref<1x128xi32, #tpu.memory_space<vmem>> -> memref<128xi32, #tpu.memory_space<vmem>>
        %dma_start3A_144 = arith.constant 0 : i32
        %dma_start3A_145 = arith.constant 0 : i32
        %dma_start3A_146 = tpu.memref_slice %arg2[%dma_start3A_144, %dma_start3A_145] : memref<102400x4xf32, #tpu.memory_space<hbm>> -> memref<102400x4xf32, #tpu.memory_space<hbm>>
        tpu.enqueue_indirect_dma source(%dma_start3A_146 : memref<102400x4xf32, #tpu.memory_space<hbm>>) target(%dma_start3A_140 : memref<128x4xf32, #tpu.memory_space<vmem>>) offsets(%dma_start3A_143 : memref<128xi32, #tpu.memory_space<vmem>>) semaphore(%arg9 : memref<!tpu.dma_semaphore, #tpu.memory_space<semaphore_mem>>)
        %mul3A_147 = arith.constant 16 : i32
        %mul3A_148 = arith.muli %scan3A_34, %mul3A_147 : i32
        %add3A_149 = arith.constant 7 : i32
        %add3A_150 = arith.addi %mul3A_148, %add3A_149 : i32
        %mul3A_151 = arith.constant 2048 : i32
        %mul3A_152 = arith.muli %scan3A_34, %mul3A_151 : i32
        %add3A_153 = arith.constant 896 : i32
        %add3A_154 = arith.addi %mul3A_152, %add3A_153 : i32
        %dma_start3A_155 = arith.constant 0 : i32
        %dma_start3A_156 = tpu.memref_slice %arg8[%add3A_154, %dma_start3A_155] : memref<10240x4xf32, #tpu.memory_space<vmem>> -> memref<128x4xf32, #tpu.memory_space<vmem>>
        %dma_start3A_157 = arith.constant 0 : i32
        %dma_start3A_158 = tpu.memref_slice %arg7[%add3A_150, %dma_start3A_157] : memref<80x128xi32, #tpu.memory_space<vmem>> -> memref<1x128xi32, #tpu.memory_space<vmem>>
        %dma_start3A_159 = tpu.memref_squeeze %dma_start3A_158 : memref<1x128xi32, #tpu.memory_space<vmem>> -> memref<128xi32, #tpu.memory_space<vmem>>
        %dma_start3A_160 = arith.constant 0 : i32
        %dma_start3A_161 = arith.constant 0 : i32
        %dma_start3A_162 = tpu.memref_slice %arg2[%dma_start3A_160, %dma_start3A_161] : memref<102400x4xf32, #tpu.memory_space<hbm>> -> memref<102400x4xf32, #tpu.memory_space<hbm>>
        tpu.enqueue_indirect_dma source(%dma_start3A_162 : memref<102400x4xf32, #tpu.memory_space<hbm>>) target(%dma_start3A_156 : memref<128x4xf32, #tpu.memory_space<vmem>>) offsets(%dma_start3A_159 : memref<128xi32, #tpu.memory_space<vmem>>) semaphore(%arg9 : memref<!tpu.dma_semaphore, #tpu.memory_space<semaphore_mem>>)
        %mul3A_163 = arith.constant 16 : i32
        %mul3A_164 = arith.muli %scan3A_34, %mul3A_163 : i32
        %add3A_165 = arith.constant 8 : i32
        %add3A_166 = arith.addi %mul3A_164, %add3A_165 : i32
        %mul3A_167 = arith.constant 2048 : i32
        %mul3A_168 = arith.muli %scan3A_34, %mul3A_167 : i32
        %add3A_169 = arith.constant 1024 : i32
        %add3A_170 = arith.addi %mul3A_168, %add3A_169 : i32
        %dma_start3A_171 = arith.constant 0 : i32
        %dma_start3A_172 = tpu.memref_slice %arg8[%add3A_170, %dma_start3A_171] : memref<10240x4xf32, #tpu.memory_space<vmem>> -> memref<128x4xf32, #tpu.memory_space<vmem>>
        %dma_start3A_173 = arith.constant 0 : i32
        %dma_start3A_174 = tpu.memref_slice %arg7[%add3A_166, %dma_start3A_173] : memref<80x128xi32, #tpu.memory_space<vmem>> -> memref<1x128xi32, #tpu.memory_space<vmem>>
        %dma_start3A_175 = tpu.memref_squeeze %dma_start3A_174 : memref<1x128xi32, #tpu.memory_space<vmem>> -> memref<128xi32, #tpu.memory_space<vmem>>
        %dma_start3A_176 = arith.constant 0 : i32
        %dma_start3A_177 = arith.constant 0 : i32
        %dma_start3A_178 = tpu.memref_slice %arg2[%dma_start3A_176, %dma_start3A_177] : memref<102400x4xf32, #tpu.memory_space<hbm>> -> memref<102400x4xf32, #tpu.memory_space<hbm>>
        tpu.enqueue_indirect_dma source(%dma_start3A_178 : memref<102400x4xf32, #tpu.memory_space<hbm>>) target(%dma_start3A_172 : memref<128x4xf32, #tpu.memory_space<vmem>>) offsets(%dma_start3A_175 : memref<128xi32, #tpu.memory_space<vmem>>) semaphore(%arg9 : memref<!tpu.dma_semaphore, #tpu.memory_space<semaphore_mem>>)
        %mul3A_179 = arith.constant 16 : i32
        %mul3A_180 = arith.muli %scan3A_34, %mul3A_179 : i32
        %add3A_181 = arith.constant 9 : i32
        %add3A_182 = arith.addi %mul3A_180, %add3A_181 : i32
        %mul3A_183 = arith.constant 2048 : i32
        %mul3A_184 = arith.muli %scan3A_34, %mul3A_183 : i32
        %add3A_185 = arith.constant 1152 : i32
        %add3A_186 = arith.addi %mul3A_184, %add3A_185 : i32
        %dma_start3A_187 = arith.constant 0 : i32
        %dma_start3A_188 = tpu.memref_slice %arg8[%add3A_186, %dma_start3A_187] : memref<10240x4xf32, #tpu.memory_space<vmem>> -> memref<128x4xf32, #tpu.memory_space<vmem>>
        %dma_start3A_189 = arith.constant 0 : i32
        %dma_start3A_190 = tpu.memref_slice %arg7[%add3A_182, %dma_start3A_189] : memref<80x128xi32, #tpu.memory_space<vmem>> -> memref<1x128xi32, #tpu.memory_space<vmem>>
        %dma_start3A_191 = tpu.memref_squeeze %dma_start3A_190 : memref<1x128xi32, #tpu.memory_space<vmem>> -> memref<128xi32, #tpu.memory_space<vmem>>
        %dma_start3A_192 = arith.constant 0 : i32
        %dma_start3A_193 = arith.constant 0 : i32
        %dma_start3A_194 = tpu.memref_slice %arg2[%dma_start3A_192, %dma_start3A_193] : memref<102400x4xf32, #tpu.memory_space<hbm>> -> memref<102400x4xf32, #tpu.memory_space<hbm>>
        tpu.enqueue_indirect_dma source(%dma_start3A_194 : memref<102400x4xf32, #tpu.memory_space<hbm>>) target(%dma_start3A_188 : memref<128x4xf32, #tpu.memory_space<vmem>>) offsets(%dma_start3A_191 : memref<128xi32, #tpu.memory_space<vmem>>) semaphore(%arg9 : memref<!tpu.dma_semaphore, #tpu.memory_space<semaphore_mem>>)
        %mul3A_195 = arith.constant 16 : i32
        %mul3A_196 = arith.muli %scan3A_34, %mul3A_195 : i32
        %add3A_197 = arith.constant 10 : i32
        %add3A_198 = arith.addi %mul3A_196, %add3A_197 : i32
        %mul3A_199 = arith.constant 2048 : i32
        %mul3A_200 = arith.muli %scan3A_34, %mul3A_199 : i32
        %add3A_201 = arith.constant 1280 : i32
        %add3A_202 = arith.addi %mul3A_200, %add3A_201 : i32
        %dma_start3A_203 = arith.constant 0 : i32
        %dma_start3A_204 = tpu.memref_slice %arg8[%add3A_202, %dma_start3A_203] : memref<10240x4xf32, #tpu.memory_space<vmem>> -> memref<128x4xf32, #tpu.memory_space<vmem>>
        %dma_start3A_205 = arith.constant 0 : i32
        %dma_start3A_206 = tpu.memref_slice %arg7[%add3A_198, %dma_start3A_205] : memref<80x128xi32, #tpu.memory_space<vmem>> -> memref<1x128xi32, #tpu.memory_space<vmem>>
        %dma_start3A_207 = tpu.memref_squeeze %dma_start3A_206 : memref<1x128xi32, #tpu.memory_space<vmem>> -> memref<128xi32, #tpu.memory_space<vmem>>
        %dma_start3A_208 = arith.constant 0 : i32
        %dma_start3A_209 = arith.constant 0 : i32
        %dma_start3A_210 = tpu.memref_slice %arg2[%dma_start3A_208, %dma_start3A_209] : memref<102400x4xf32, #tpu.memory_space<hbm>> -> memref<102400x4xf32, #tpu.memory_space<hbm>>
        tpu.enqueue_indirect_dma source(%dma_start3A_210 : memref<102400x4xf32, #tpu.memory_space<hbm>>) target(%dma_start3A_204 : memref<128x4xf32, #tpu.memory_space<vmem>>) offsets(%dma_start3A_207 : memref<128xi32, #tpu.memory_space<vmem>>) semaphore(%arg9 : memref<!tpu.dma_semaphore, #tpu.memory_space<semaphore_mem>>)
        %mul3A_211 = arith.constant 16 : i32
        %mul3A_212 = arith.muli %scan3A_34, %mul3A_211 : i32
        %add3A_213 = arith.constant 11 : i32
        %add3A_214 = arith.addi %mul3A_212, %add3A_213 : i32
        %mul3A_215 = arith.constant 2048 : i32
        %mul3A_216 = arith.muli %scan3A_34, %mul3A_215 : i32
        %add3A_217 = arith.constant 1408 : i32
        %add3A_218 = arith.addi %mul3A_216, %add3A_217 : i32
        %dma_start3A_219 = arith.constant 0 : i32
        %dma_start3A_220 = tpu.memref_slice %arg8[%add3A_218, %dma_start3A_219] : memref<10240x4xf32, #tpu.memory_space<vmem>> -> memref<128x4xf32, #tpu.memory_space<vmem>>
        %dma_start3A_221 = arith.constant 0 : i32
        %dma_start3A_222 = tpu.memref_slice %arg7[%add3A_214, %dma_start3A_221] : memref<80x128xi32, #tpu.memory_space<vmem>> -> memref<1x128xi32, #tpu.memory_space<vmem>>
        %dma_start3A_223 = tpu.memref_squeeze %dma_start3A_222 : memref<1x128xi32, #tpu.memory_space<vmem>> -> memref<128xi32, #tpu.memory_space<vmem>>
        %dma_start3A_224 = arith.constant 0 : i32
        %dma_start3A_225 = arith.constant 0 : i32
        %dma_start3A_226 = tpu.memref_slice %arg2[%dma_start3A_224, %dma_start3A_225] : memref<102400x4xf32, #tpu.memory_space<hbm>> -> memref<102400x4xf32, #tpu.memory_space<hbm>>
        tpu.enqueue_indirect_dma source(%dma_start3A_226 : memref<102400x4xf32, #tpu.memory_space<hbm>>) target(%dma_start3A_220 : memref<128x4xf32, #tpu.memory_space<vmem>>) offsets(%dma_start3A_223 : memref<128xi32, #tpu.memory_space<vmem>>) semaphore(%arg9 : memref<!tpu.dma_semaphore, #tpu.memory_space<semaphore_mem>>)
        %mul3A_227 = arith.constant 16 : i32
        %mul3A_228 = arith.muli %scan3A_34, %mul3A_227 : i32
        %add3A_229 = arith.constant 12 : i32
        %add3A_230 = arith.addi %mul3A_228, %add3A_229 : i32
        %mul3A_231 = arith.constant 2048 : i32
        %mul3A_232 = arith.muli %scan3A_34, %mul3A_231 : i32
        %add3A_233 = arith.constant 1536 : i32
        %add3A_234 = arith.addi %mul3A_232, %add3A_233 : i32
        %dma_start3A_235 = arith.constant 0 : i32
        %dma_start3A_236 = tpu.memref_slice %arg8[%add3A_234, %dma_start3A_235] : memref<10240x4xf32, #tpu.memory_space<vmem>> -> memref<128x4xf32, #tpu.memory_space<vmem>>
        %dma_start3A_237 = arith.constant 0 : i32
        %dma_start3A_238 = tpu.memref_slice %arg7[%add3A_230, %dma_start3A_237] : memref<80x128xi32, #tpu.memory_space<vmem>> -> memref<1x128xi32, #tpu.memory_space<vmem>>
        %dma_start3A_239 = tpu.memref_squeeze %dma_start3A_238 : memref<1x128xi32, #tpu.memory_space<vmem>> -> memref<128xi32, #tpu.memory_space<vmem>>
        %dma_start3A_240 = arith.constant 0 : i32
        %dma_start3A_241 = arith.constant 0 : i32
        %dma_start3A_242 = tpu.memref_slice %arg2[%dma_start3A_240, %dma_start3A_241] : memref<102400x4xf32, #tpu.memory_space<hbm>> -> memref<102400x4xf32, #tpu.memory_space<hbm>>
        tpu.enqueue_indirect_dma source(%dma_start3A_242 : memref<102400x4xf32, #tpu.memory_space<hbm>>) target(%dma_start3A_236 : memref<128x4xf32, #tpu.memory_space<vmem>>) offsets(%dma_start3A_239 : memref<128xi32, #tpu.memory_space<vmem>>) semaphore(%arg9 : memref<!tpu.dma_semaphore, #tpu.memory_space<semaphore_mem>>)
        %mul3A_243 = arith.constant 16 : i32
        %mul3A_244 = arith.muli %scan3A_34, %mul3A_243 : i32
        %add3A_245 = arith.constant 13 : i32
        %add3A_246 = arith.addi %mul3A_244, %add3A_245 : i32
        %mul3A_247 = arith.constant 2048 : i32
        %mul3A_248 = arith.muli %scan3A_34, %mul3A_247 : i32
        %add3A_249 = arith.constant 1664 : i32
        %add3A_250 = arith.addi %mul3A_248, %add3A_249 : i32
        %dma_start3A_251 = arith.constant 0 : i32
        %dma_start3A_252 = tpu.memref_slice %arg8[%add3A_250, %dma_start3A_251] : memref<10240x4xf32, #tpu.memory_space<vmem>> -> memref<128x4xf32, #tpu.memory_space<vmem>>
        %dma_start3A_253 = arith.constant 0 : i32
        %dma_start3A_254 = tpu.memref_slice %arg7[%add3A_246, %dma_start3A_253] : memref<80x128xi32, #tpu.memory_space<vmem>> -> memref<1x128xi32, #tpu.memory_space<vmem>>
        %dma_start3A_255 = tpu.memref_squeeze %dma_start3A_254 : memref<1x128xi32, #tpu.memory_space<vmem>> -> memref<128xi32, #tpu.memory_space<vmem>>
        %dma_start3A_256 = arith.constant 0 : i32
        %dma_start3A_257 = arith.constant 0 : i32
        %dma_start3A_258 = tpu.memref_slice %arg2[%dma_start3A_256, %dma_start3A_257] : memref<102400x4xf32, #tpu.memory_space<hbm>> -> memref<102400x4xf32, #tpu.memory_space<hbm>>
        tpu.enqueue_indirect_dma source(%dma_start3A_258 : memref<102400x4xf32, #tpu.memory_space<hbm>>) target(%dma_start3A_252 : memref<128x4xf32, #tpu.memory_space<vmem>>) offsets(%dma_start3A_255 : memref<128xi32, #tpu.memory_space<vmem>>) semaphore(%arg9 : memref<!tpu.dma_semaphore, #tpu.memory_space<semaphore_mem>>)
        %mul3A_259 = arith.constant 16 : i32
        %mul3A_260 = arith.muli %scan3A_34, %mul3A_259 : i32
        %add3A_261 = arith.constant 14 : i32
        %add3A_262 = arith.addi %mul3A_260, %add3A_261 : i32
        %mul3A_263 = arith.constant 2048 : i32
        %mul3A_264 = arith.muli %scan3A_34, %mul3A_263 : i32
        %add3A_265 = arith.constant 1792 : i32
        %add3A_266 = arith.addi %mul3A_264, %add3A_265 : i32
        %dma_start3A_267 = arith.constant 0 : i32
        %dma_start3A_268 = tpu.memref_slice %arg8[%add3A_266, %dma_start3A_267] : memref<10240x4xf32, #tpu.memory_space<vmem>> -> memref<128x4xf32, #tpu.memory_space<vmem>>
        %dma_start3A_269 = arith.constant 0 : i32
        %dma_start3A_270 = tpu.memref_slice %arg7[%add3A_262, %dma_start3A_269] : memref<80x128xi32, #tpu.memory_space<vmem>> -> memref<1x128xi32, #tpu.memory_space<vmem>>
        %dma_start3A_271 = tpu.memref_squeeze %dma_start3A_270 : memref<1x128xi32, #tpu.memory_space<vmem>> -> memref<128xi32, #tpu.memory_space<vmem>>
        %dma_start3A_272 = arith.constant 0 : i32
        %dma_start3A_273 = arith.constant 0 : i32
        %dma_start3A_274 = tpu.memref_slice %arg2[%dma_start3A_272, %dma_start3A_273] : memref<102400x4xf32, #tpu.memory_space<hbm>> -> memref<102400x4xf32, #tpu.memory_space<hbm>>
        tpu.enqueue_indirect_dma source(%dma_start3A_274 : memref<102400x4xf32, #tpu.memory_space<hbm>>) target(%dma_start3A_268 : memref<128x4xf32, #tpu.memory_space<vmem>>) offsets(%dma_start3A_271 : memref<128xi32, #tpu.memory_space<vmem>>) semaphore(%arg9 : memref<!tpu.dma_semaphore, #tpu.memory_space<semaphore_mem>>)
        %mul3A_275 = arith.constant 16 : i32
        %mul3A_276 = arith.muli %scan3A_34, %mul3A_275 : i32
        %add3A_277 = arith.constant 15 : i32
        %add3A_278 = arith.addi %mul3A_276, %add3A_277 : i32
        %mul3A_279 = arith.constant 2048 : i32
        %mul3A_280 = arith.muli %scan3A_34, %mul3A_279 : i32
        %add3A_281 = arith.constant 1920 : i32
        %add3A_282 = arith.addi %mul3A_280, %add3A_281 : i32
        %dma_start3A_283 = arith.constant 0 : i32
        %dma_start3A_284 = tpu.memref_slice %arg8[%add3A_282, %dma_start3A_283] : memref<10240x4xf32, #tpu.memory_space<vmem>> -> memref<128x4xf32, #tpu.memory_space<vmem>>
        %dma_start3A_285 = arith.constant 0 : i32
        %dma_start3A_286 = tpu.memref_slice %arg7[%add3A_278, %dma_start3A_285] : memref<80x128xi32, #tpu.memory_space<vmem>> -> memref<1x128xi32, #tpu.memory_space<vmem>>
        %dma_start3A_287 = tpu.memref_squeeze %dma_start3A_286 : memref<1x128xi32, #tpu.memory_space<vmem>> -> memref<128xi32, #tpu.memory_space<vmem>>
        %dma_start3A_288 = arith.constant 0 : i32
        %dma_start3A_289 = arith.constant 0 : i32
        %dma_start3A_290 = tpu.memref_slice %arg2[%dma_start3A_288, %dma_start3A_289] : memref<102400x4xf32, #tpu.memory_space<hbm>> -> memref<102400x4xf32, #tpu.memory_space<hbm>>
        tpu.enqueue_indirect_dma source(%dma_start3A_290 : memref<102400x4xf32, #tpu.memory_space<hbm>>) target(%dma_start3A_284 : memref<128x4xf32, #tpu.memory_space<vmem>>) offsets(%dma_start3A_287 : memref<128xi32, #tpu.memory_space<vmem>>) semaphore(%arg9 : memref<!tpu.dma_semaphore, #tpu.memory_space<semaphore_mem>>)
        %dma_wait3A = arith.constant 0 : i32
        %dma_wait3A_291 = tpu.memref_slice %arg8[%add3A_43, %dma_wait3A] : memref<10240x4xf32, #tpu.memory_space<vmem>> -> memref<128x4xf32, #tpu.memory_space<vmem>>
        %dma_wait3A_292 = arith.constant 0 : i32
        %dma_wait3A_293 = tpu.memref_slice %arg7[%add3A_39, %dma_wait3A_292] : memref<80x128xi32, #tpu.memory_space<vmem>> -> memref<1x128xi32, #tpu.memory_space<vmem>>
        %dma_wait3A_294 = tpu.memref_squeeze %dma_wait3A_293 : memref<1x128xi32, #tpu.memory_space<vmem>> -> memref<128xi32, #tpu.memory_space<vmem>>
        %dma_wait3A_295 = arith.constant 0 : i32
        %dma_wait3A_296 = arith.constant 0 : i32
        %dma_wait3A_297 = tpu.memref_slice %arg2[%dma_wait3A_295, %dma_wait3A_296] : memref<102400x4xf32, #tpu.memory_space<hbm>> -> memref<102400x4xf32, #tpu.memory_space<hbm>>
        tpu.wait_indirect_dma semaphore(%arg9 : memref<!tpu.dma_semaphore, #tpu.memory_space<semaphore_mem>>) src(%dma_wait3A_297 : memref<102400x4xf32, #tpu.memory_space<hbm>>) dst(%dma_wait3A_291 : memref<128x4xf32, #tpu.memory_space<vmem>>)
        %dma_wait3A_298 = arith.constant 0 : i32
        %dma_wait3A_299 = tpu.memref_slice %arg8[%add3A_58, %dma_wait3A_298] : memref<10240x4xf32, #tpu.memory_space<vmem>> -> memref<128x4xf32, #tpu.memory_space<vmem>>
        %dma_wait3A_300 = arith.constant 0 : i32
        %dma_wait3A_301 = tpu.memref_slice %arg7[%add3A_54, %dma_wait3A_300] : memref<80x128xi32, #tpu.memory_space<vmem>> -> memref<1x128xi32, #tpu.memory_space<vmem>>
        %dma_wait3A_302 = tpu.memref_squeeze %dma_wait3A_301 : memref<1x128xi32, #tpu.memory_space<vmem>> -> memref<128xi32, #tpu.memory_space<vmem>>
        %dma_wait3A_303 = arith.constant 0 : i32
        %dma_wait3A_304 = arith.constant 0 : i32
        %dma_wait3A_305 = tpu.memref_slice %arg2[%dma_wait3A_303, %dma_wait3A_304] : memref<102400x4xf32, #tpu.memory_space<hbm>> -> memref<102400x4xf32, #tpu.memory_space<hbm>>
        tpu.wait_indirect_dma semaphore(%arg9 : memref<!tpu.dma_semaphore, #tpu.memory_space<semaphore_mem>>) src(%dma_wait3A_305 : memref<102400x4xf32, #tpu.memory_space<hbm>>) dst(%dma_wait3A_299 : memref<128x4xf32, #tpu.memory_space<vmem>>)
        %dma_wait3A_306 = arith.constant 0 : i32
        %dma_wait3A_307 = tpu.memref_slice %arg8[%add3A_74, %dma_wait3A_306] : memref<10240x4xf32, #tpu.memory_space<vmem>> -> memref<128x4xf32, #tpu.memory_space<vmem>>
        %dma_wait3A_308 = arith.constant 0 : i32
        %dma_wait3A_309 = tpu.memref_slice %arg7[%add3A_70, %dma_wait3A_308] : memref<80x128xi32, #tpu.memory_space<vmem>> -> memref<1x128xi32, #tpu.memory_space<vmem>>
        %dma_wait3A_310 = tpu.memref_squeeze %dma_wait3A_309 : memref<1x128xi32, #tpu.memory_space<vmem>> -> memref<128xi32, #tpu.memory_space<vmem>>
        %dma_wait3A_311 = arith.constant 0 : i32
        %dma_wait3A_312 = arith.constant 0 : i32
        %dma_wait3A_313 = tpu.memref_slice %arg2[%dma_wait3A_311, %dma_wait3A_312] : memref<102400x4xf32, #tpu.memory_space<hbm>> -> memref<102400x4xf32, #tpu.memory_space<hbm>>
        tpu.wait_indirect_dma semaphore(%arg9 : memref<!tpu.dma_semaphore, #tpu.memory_space<semaphore_mem>>) src(%dma_wait3A_313 : memref<102400x4xf32, #tpu.memory_space<hbm>>) dst(%dma_wait3A_307 : memref<128x4xf32, #tpu.memory_space<vmem>>)
        %dma_wait3A_314 = arith.constant 0 : i32
        %dma_wait3A_315 = tpu.memref_slice %arg8[%add3A_90, %dma_wait3A_314] : memref<10240x4xf32, #tpu.memory_space<vmem>> -> memref<128x4xf32, #tpu.memory_space<vmem>>
        %dma_wait3A_316 = arith.constant 0 : i32
        %dma_wait3A_317 = tpu.memref_slice %arg7[%add3A_86, %dma_wait3A_316] : memref<80x128xi32, #tpu.memory_space<vmem>> -> memref<1x128xi32, #tpu.memory_space<vmem>>
        %dma_wait3A_318 = tpu.memref_squeeze %dma_wait3A_317 : memref<1x128xi32, #tpu.memory_space<vmem>> -> memref<128xi32, #tpu.memory_space<vmem>>
        %dma_wait3A_319 = arith.constant 0 : i32
        %dma_wait3A_320 = arith.constant 0 : i32
        %dma_wait3A_321 = tpu.memref_slice %arg2[%dma_wait3A_319, %dma_wait3A_320] : memref<102400x4xf32, #tpu.memory_space<hbm>> -> memref<102400x4xf32, #tpu.memory_space<hbm>>
        tpu.wait_indirect_dma semaphore(%arg9 : memref<!tpu.dma_semaphore, #tpu.memory_space<semaphore_mem>>) src(%dma_wait3A_321 : memref<102400x4xf32, #tpu.memory_space<hbm>>) dst(%dma_wait3A_315 : memref<128x4xf32, #tpu.memory_space<vmem>>)
        %dma_wait3A_322 = arith.constant 0 : i32
        %dma_wait3A_323 = tpu.memref_slice %arg8[%add3A_106, %dma_wait3A_322] : memref<10240x4xf32, #tpu.memory_space<vmem>> -> memref<128x4xf32, #tpu.memory_space<vmem>>
        %dma_wait3A_324 = arith.constant 0 : i32
        %dma_wait3A_325 = tpu.memref_slice %arg7[%add3A_102, %dma_wait3A_324] : memref<80x128xi32, #tpu.memory_space<vmem>> -> memref<1x128xi32, #tpu.memory_space<vmem>>
        %dma_wait3A_326 = tpu.memref_squeeze %dma_wait3A_325 : memref<1x128xi32, #tpu.memory_space<vmem>> -> memref<128xi32, #tpu.memory_space<vmem>>
        %dma_wait3A_327 = arith.constant 0 : i32
        %dma_wait3A_328 = arith.constant 0 : i32
        %dma_wait3A_329 = tpu.memref_slice %arg2[%dma_wait3A_327, %dma_wait3A_328] : memref<102400x4xf32, #tpu.memory_space<hbm>> -> memref<102400x4xf32, #tpu.memory_space<hbm>>
        tpu.wait_indirect_dma semaphore(%arg9 : memref<!tpu.dma_semaphore, #tpu.memory_space<semaphore_mem>>) src(%dma_wait3A_329 : memref<102400x4xf32, #tpu.memory_space<hbm>>) dst(%dma_wait3A_323 : memref<128x4xf32, #tpu.memory_space<vmem>>)
        %dma_wait3A_330 = arith.constant 0 : i32
        %dma_wait3A_331 = tpu.memref_slice %arg8[%add3A_122, %dma_wait3A_330] : memref<10240x4xf32, #tpu.memory_space<vmem>> -> memref<128x4xf32, #tpu.memory_space<vmem>>
        %dma_wait3A_332 = arith.constant 0 : i32
        %dma_wait3A_333 = tpu.memref_slice %arg7[%add3A_118, %dma_wait3A_332] : memref<80x128xi32, #tpu.memory_space<vmem>> -> memref<1x128xi32, #tpu.memory_space<vmem>>
        %dma_wait3A_334 = tpu.memref_squeeze %dma_wait3A_333 : memref<1x128xi32, #tpu.memory_space<vmem>> -> memref<128xi32, #tpu.memory_space<vmem>>
        %dma_wait3A_335 = arith.constant 0 : i32
        %dma_wait3A_336 = arith.constant 0 : i32
        %dma_wait3A_337 = tpu.memref_slice %arg2[%dma_wait3A_335, %dma_wait3A_336] : memref<102400x4xf32, #tpu.memory_space<hbm>> -> memref<102400x4xf32, #tpu.memory_space<hbm>>
        tpu.wait_indirect_dma semaphore(%arg9 : memref<!tpu.dma_semaphore, #tpu.memory_space<semaphore_mem>>) src(%dma_wait3A_337 : memref<102400x4xf32, #tpu.memory_space<hbm>>) dst(%dma_wait3A_331 : memref<128x4xf32, #tpu.memory_space<vmem>>)
        %dma_wait3A_338 = arith.constant 0 : i32
        %dma_wait3A_339 = tpu.memref_slice %arg8[%add3A_138, %dma_wait3A_338] : memref<10240x4xf32, #tpu.memory_space<vmem>> -> memref<128x4xf32, #tpu.memory_space<vmem>>
        %dma_wait3A_340 = arith.constant 0 : i32
        %dma_wait3A_341 = tpu.memref_slice %arg7[%add3A_134, %dma_wait3A_340] : memref<80x128xi32, #tpu.memory_space<vmem>> -> memref<1x128xi32, #tpu.memory_space<vmem>>
        %dma_wait3A_342 = tpu.memref_squeeze %dma_wait3A_341 : memref<1x128xi32, #tpu.memory_space<vmem>> -> memref<128xi32, #tpu.memory_space<vmem>>
        %dma_wait3A_343 = arith.constant 0 : i32
        %dma_wait3A_344 = arith.constant 0 : i32
        %dma_wait3A_345 = tpu.memref_slice %arg2[%dma_wait3A_343, %dma_wait3A_344] : memref<102400x4xf32, #tpu.memory_space<hbm>> -> memref<102400x4xf32, #tpu.memory_space<hbm>>
        tpu.wait_indirect_dma semaphore(%arg9 : memref<!tpu.dma_semaphore, #tpu.memory_space<semaphore_mem>>) src(%dma_wait3A_345 : memref<102400x4xf32, #tpu.memory_space<hbm>>) dst(%dma_wait3A_339 : memref<128x4xf32, #tpu.memory_space<vmem>>)
        %dma_wait3A_346 = arith.constant 0 : i32
        %dma_wait3A_347 = tpu.memref_slice %arg8[%add3A_154, %dma_wait3A_346] : memref<10240x4xf32, #tpu.memory_space<vmem>> -> memref<128x4xf32, #tpu.memory_space<vmem>>
        %dma_wait3A_348 = arith.constant 0 : i32
        %dma_wait3A_349 = tpu.memref_slice %arg7[%add3A_150, %dma_wait3A_348] : memref<80x128xi32, #tpu.memory_space<vmem>> -> memref<1x128xi32, #tpu.memory_space<vmem>>
        %dma_wait3A_350 = tpu.memref_squeeze %dma_wait3A_349 : memref<1x128xi32, #tpu.memory_space<vmem>> -> memref<128xi32, #tpu.memory_space<vmem>>
        %dma_wait3A_351 = arith.constant 0 : i32
        %dma_wait3A_352 = arith.constant 0 : i32
        %dma_wait3A_353 = tpu.memref_slice %arg2[%dma_wait3A_351, %dma_wait3A_352] : memref<102400x4xf32, #tpu.memory_space<hbm>> -> memref<102400x4xf32, #tpu.memory_space<hbm>>
        tpu.wait_indirect_dma semaphore(%arg9 : memref<!tpu.dma_semaphore, #tpu.memory_space<semaphore_mem>>) src(%dma_wait3A_353 : memref<102400x4xf32, #tpu.memory_space<hbm>>) dst(%dma_wait3A_347 : memref<128x4xf32, #tpu.memory_space<vmem>>)
        %dma_wait3A_354 = arith.constant 0 : i32
        %dma_wait3A_355 = tpu.memref_slice %arg8[%add3A_170, %dma_wait3A_354] : memref<10240x4xf32, #tpu.memory_space<vmem>> -> memref<128x4xf32, #tpu.memory_space<vmem>>
        %dma_wait3A_356 = arith.constant 0 : i32
        %dma_wait3A_357 = tpu.memref_slice %arg7[%add3A_166, %dma_wait3A_356] : memref<80x128xi32, #tpu.memory_space<vmem>> -> memref<1x128xi32, #tpu.memory_space<vmem>>
        %dma_wait3A_358 = tpu.memref_squeeze %dma_wait3A_357 : memref<1x128xi32, #tpu.memory_space<vmem>> -> memref<128xi32, #tpu.memory_space<vmem>>
        %dma_wait3A_359 = arith.constant 0 : i32
        %dma_wait3A_360 = arith.constant 0 : i32
        %dma_wait3A_361 = tpu.memref_slice %arg2[%dma_wait3A_359, %dma_wait3A_360] : memref<102400x4xf32, #tpu.memory_space<hbm>> -> memref<102400x4xf32, #tpu.memory_space<hbm>>
        tpu.wait_indirect_dma semaphore(%arg9 : memref<!tpu.dma_semaphore, #tpu.memory_space<semaphore_mem>>) src(%dma_wait3A_361 : memref<102400x4xf32, #tpu.memory_space<hbm>>) dst(%dma_wait3A_355 : memref<128x4xf32, #tpu.memory_space<vmem>>)
        %dma_wait3A_362 = arith.constant 0 : i32
        %dma_wait3A_363 = tpu.memref_slice %arg8[%add3A_186, %dma_wait3A_362] : memref<10240x4xf32, #tpu.memory_space<vmem>> -> memref<128x4xf32, #tpu.memory_space<vmem>>
        %dma_wait3A_364 = arith.constant 0 : i32
        %dma_wait3A_365 = tpu.memref_slice %arg7[%add3A_182, %dma_wait3A_364] : memref<80x128xi32, #tpu.memory_space<vmem>> -> memref<1x128xi32, #tpu.memory_space<vmem>>
        %dma_wait3A_366 = tpu.memref_squeeze %dma_wait3A_365 : memref<1x128xi32, #tpu.memory_space<vmem>> -> memref<128xi32, #tpu.memory_space<vmem>>
        %dma_wait3A_367 = arith.constant 0 : i32
        %dma_wait3A_368 = arith.constant 0 : i32
        %dma_wait3A_369 = tpu.memref_slice %arg2[%dma_wait3A_367, %dma_wait3A_368] : memref<102400x4xf32, #tpu.memory_space<hbm>> -> memref<102400x4xf32, #tpu.memory_space<hbm>>
        tpu.wait_indirect_dma semaphore(%arg9 : memref<!tpu.dma_semaphore, #tpu.memory_space<semaphore_mem>>) src(%dma_wait3A_369 : memref<102400x4xf32, #tpu.memory_space<hbm>>) dst(%dma_wait3A_363 : memref<128x4xf32, #tpu.memory_space<vmem>>)
        %dma_wait3A_370 = arith.constant 0 : i32
        %dma_wait3A_371 = tpu.memref_slice %arg8[%add3A_202, %dma_wait3A_370] : memref<10240x4xf32, #tpu.memory_space<vmem>> -> memref<128x4xf32, #tpu.memory_space<vmem>>
        %dma_wait3A_372 = arith.constant 0 : i32
        %dma_wait3A_373 = tpu.memref_slice %arg7[%add3A_198, %dma_wait3A_372] : memref<80x128xi32, #tpu.memory_space<vmem>> -> memref<1x128xi32, #tpu.memory_space<vmem>>
        %dma_wait3A_374 = tpu.memref_squeeze %dma_wait3A_373 : memref<1x128xi32, #tpu.memory_space<vmem>> -> memref<128xi32, #tpu.memory_space<vmem>>
        %dma_wait3A_375 = arith.constant 0 : i32
        %dma_wait3A_376 = arith.constant 0 : i32
        %dma_wait3A_377 = tpu.memref_slice %arg2[%dma_wait3A_375, %dma_wait3A_376] : memref<102400x4xf32, #tpu.memory_space<hbm>> -> memref<102400x4xf32, #tpu.memory_space<hbm>>
        tpu.wait_indirect_dma semaphore(%arg9 : memref<!tpu.dma_semaphore, #tpu.memory_space<semaphore_mem>>) src(%dma_wait3A_377 : memref<102400x4xf32, #tpu.memory_space<hbm>>) dst(%dma_wait3A_371 : memref<128x4xf32, #tpu.memory_space<vmem>>)
        %dma_wait3A_378 = arith.constant 0 : i32
        %dma_wait3A_379 = tpu.memref_slice %arg8[%add3A_218, %dma_wait3A_378] : memref<10240x4xf32, #tpu.memory_space<vmem>> -> memref<128x4xf32, #tpu.memory_space<vmem>>
        %dma_wait3A_380 = arith.constant 0 : i32
        %dma_wait3A_381 = tpu.memref_slice %arg7[%add3A_214, %dma_wait3A_380] : memref<80x128xi32, #tpu.memory_space<vmem>> -> memref<1x128xi32, #tpu.memory_space<vmem>>
        %dma_wait3A_382 = tpu.memref_squeeze %dma_wait3A_381 : memref<1x128xi32, #tpu.memory_space<vmem>> -> memref<128xi32, #tpu.memory_space<vmem>>
        %dma_wait3A_383 = arith.constant 0 : i32
        %dma_wait3A_384 = arith.constant 0 : i32
        %dma_wait3A_385 = tpu.memref_slice %arg2[%dma_wait3A_383, %dma_wait3A_384] : memref<102400x4xf32, #tpu.memory_space<hbm>> -> memref<102400x4xf32, #tpu.memory_space<hbm>>
        tpu.wait_indirect_dma semaphore(%arg9 : memref<!tpu.dma_semaphore, #tpu.memory_space<semaphore_mem>>) src(%dma_wait3A_385 : memref<102400x4xf32, #tpu.memory_space<hbm>>) dst(%dma_wait3A_379 : memref<128x4xf32, #tpu.memory_space<vmem>>)
        %dma_wait3A_386 = arith.constant 0 : i32
        %dma_wait3A_387 = tpu.memref_slice %arg8[%add3A_234, %dma_wait3A_386] : memref<10240x4xf32, #tpu.memory_space<vmem>> -> memref<128x4xf32, #tpu.memory_space<vmem>>
        %dma_wait3A_388 = arith.constant 0 : i32
        %dma_wait3A_389 = tpu.memref_slice %arg7[%add3A_230, %dma_wait3A_388] : memref<80x128xi32, #tpu.memory_space<vmem>> -> memref<1x128xi32, #tpu.memory_space<vmem>>
        %dma_wait3A_390 = tpu.memref_squeeze %dma_wait3A_389 : memref<1x128xi32, #tpu.memory_space<vmem>> -> memref<128xi32, #tpu.memory_space<vmem>>
        %dma_wait3A_391 = arith.constant 0 : i32
        %dma_wait3A_392 = arith.constant 0 : i32
        %dma_wait3A_393 = tpu.memref_slice %arg2[%dma_wait3A_391, %dma_wait3A_392] : memref<102400x4xf32, #tpu.memory_space<hbm>> -> memref<102400x4xf32, #tpu.memory_space<hbm>>
        tpu.wait_indirect_dma semaphore(%arg9 : memref<!tpu.dma_semaphore, #tpu.memory_space<semaphore_mem>>) src(%dma_wait3A_393 : memref<102400x4xf32, #tpu.memory_space<hbm>>) dst(%dma_wait3A_387 : memref<128x4xf32, #tpu.memory_space<vmem>>)
        %dma_wait3A_394 = arith.constant 0 : i32
        %dma_wait3A_395 = tpu.memref_slice %arg8[%add3A_250, %dma_wait3A_394] : memref<10240x4xf32, #tpu.memory_space<vmem>> -> memref<128x4xf32, #tpu.memory_space<vmem>>
        %dma_wait3A_396 = arith.constant 0 : i32
        %dma_wait3A_397 = tpu.memref_slice %arg7[%add3A_246, %dma_wait3A_396] : memref<80x128xi32, #tpu.memory_space<vmem>> -> memref<1x128xi32, #tpu.memory_space<vmem>>
        %dma_wait3A_398 = tpu.memref_squeeze %dma_wait3A_397 : memref<1x128xi32, #tpu.memory_space<vmem>> -> memref<128xi32, #tpu.memory_space<vmem>>
        %dma_wait3A_399 = arith.constant 0 : i32
        %dma_wait3A_400 = arith.constant 0 : i32
        %dma_wait3A_401 = tpu.memref_slice %arg2[%dma_wait3A_399, %dma_wait3A_400] : memref<102400x4xf32, #tpu.memory_space<hbm>> -> memref<102400x4xf32, #tpu.memory_space<hbm>>
        tpu.wait_indirect_dma semaphore(%arg9 : memref<!tpu.dma_semaphore, #tpu.memory_space<semaphore_mem>>) src(%dma_wait3A_401 : memref<102400x4xf32, #tpu.memory_space<hbm>>) dst(%dma_wait3A_395 : memref<128x4xf32, #tpu.memory_space<vmem>>)
        %dma_wait3A_402 = arith.constant 0 : i32
        %dma_wait3A_403 = tpu.memref_slice %arg8[%add3A_266, %dma_wait3A_402] : memref<10240x4xf32, #tpu.memory_space<vmem>> -> memref<128x4xf32, #tpu.memory_space<vmem>>
        %dma_wait3A_404 = arith.constant 0 : i32
        %dma_wait3A_405 = tpu.memref_slice %arg7[%add3A_262, %dma_wait3A_404] : memref<80x128xi32, #tpu.memory_space<vmem>> -> memref<1x128xi32, #tpu.memory_space<vmem>>
        %dma_wait3A_406 = tpu.memref_squeeze %dma_wait3A_405 : memref<1x128xi32, #tpu.memory_space<vmem>> -> memref<128xi32, #tpu.memory_space<vmem>>
        %dma_wait3A_407 = arith.constant 0 : i32
        %dma_wait3A_408 = arith.constant 0 : i32
        %dma_wait3A_409 = tpu.memref_slice %arg2[%dma_wait3A_407, %dma_wait3A_408] : memref<102400x4xf32, #tpu.memory_space<hbm>> -> memref<102400x4xf32, #tpu.memory_space<hbm>>
        tpu.wait_indirect_dma semaphore(%arg9 : memref<!tpu.dma_semaphore, #tpu.memory_space<semaphore_mem>>) src(%dma_wait3A_409 : memref<102400x4xf32, #tpu.memory_space<hbm>>) dst(%dma_wait3A_403 : memref<128x4xf32, #tpu.memory_space<vmem>>)
        %dma_wait3A_410 = arith.constant 0 : i32
        %dma_wait3A_411 = tpu.memref_slice %arg8[%add3A_282, %dma_wait3A_410] : memref<10240x4xf32, #tpu.memory_space<vmem>> -> memref<128x4xf32, #tpu.memory_space<vmem>>
        %dma_wait3A_412 = arith.constant 0 : i32
        %dma_wait3A_413 = tpu.memref_slice %arg7[%add3A_278, %dma_wait3A_412] : memref<80x128xi32, #tpu.memory_space<vmem>> -> memref<1x128xi32, #tpu.memory_space<vmem>>
        %dma_wait3A_414 = tpu.memref_squeeze %dma_wait3A_413 : memref<1x128xi32, #tpu.memory_space<vmem>> -> memref<128xi32, #tpu.memory_space<vmem>>
        %dma_wait3A_415 = arith.constant 0 : i32
        %dma_wait3A_416 = arith.constant 0 : i32
        %dma_wait3A_417 = tpu.memref_slice %arg2[%dma_wait3A_415, %dma_wait3A_416] : memref<102400x4xf32, #tpu.memory_space<hbm>> -> memref<102400x4xf32, #tpu.memory_space<hbm>>
        tpu.wait_indirect_dma semaphore(%arg9 : memref<!tpu.dma_semaphore, #tpu.memory_space<semaphore_mem>>) src(%dma_wait3A_417 : memref<102400x4xf32, #tpu.memory_space<hbm>>) dst(%dma_wait3A_411 : memref<128x4xf32, #tpu.memory_space<vmem>>)
        %scan3A_418 = arith.constant 0 : i32
        scf.yield %scan3A_418 : i32
      }
      %scan3A_32 = arith.constant 5 : i32
      "tpu.region"() ({
        %run_scoped3A = tpu.sem_alloc : memref<!tpu.dma_semaphore, #tpu.memory_space<semaphore_mem>>
        %dma_start3A = arith.constant 0 : i32
        %dma_start3A_34 = tpu.memref_slice %arg6[%add3A_20, %dma_start3A] : memref<1638400x4xf32, #tpu.memory_space<hbm>> -> memref<10240x4xf32, #tpu.memory_space<hbm>>
        %dma_start3A_35 = arith.constant 0 : i32
        %dma_start3A_36 = tpu.memref_slice %arg6[%add3A_20, %dma_start3A_35] : memref<1638400x4xf32, #tpu.memory_space<hbm>> -> memref<10240x4xf32, #tpu.memory_space<hbm>>
        tpu.enqueue_dma source(%arg8 : memref<10240x4xf32, #tpu.memory_space<vmem>>) target(%dma_start3A_36 : memref<10240x4xf32, #tpu.memory_space<hbm>>) target_semaphore(%run_scoped3A : memref<!tpu.dma_semaphore, #tpu.memory_space<semaphore_mem>>)
        %dma_wait3A = arith.constant 0 : i32
        %dma_wait3A_37 = tpu.memref_slice %arg6[%add3A_20, %dma_wait3A] : memref<1638400x4xf32, #tpu.memory_space<hbm>> -> memref<10240x4xf32, #tpu.memory_space<hbm>>
        %dma_wait3A_38 = arith.constant 0 : i32
        %dma_wait3A_39 = tpu.memref_slice %arg6[%add3A_20, %dma_wait3A_38] : memref<1638400x4xf32, #tpu.memory_space<hbm>> -> memref<10240x4xf32, #tpu.memory_space<hbm>>
        tpu.wait_dma2 semaphore(%run_scoped3A : memref<!tpu.dma_semaphore, #tpu.memory_space<semaphore_mem>>) src(%arg8 : memref<10240x4xf32, #tpu.memory_space<vmem>>) dst(%dma_wait3A_39 : memref<10240x4xf32, #tpu.memory_space<hbm>>)
        tpu.yield
      }) : () -> ()
      %scan3A_33 = arith.constant 0 : i32
      scf.yield %scan3A_33 : i32
    }
    %scan3A_13 = arith.constant 5 : i32
    return
  }
}

module attributes {stable_mosaic.version = 14 : i64} {
  func.func @_edge_body(%arg0: i32, %arg1: memref<4096x4xf32, #tpu.memory_space<vmem>>, %arg2: memref<4096x4xf32, #tpu.memory_space<vmem>>, %arg3: memref<16x64xf32, #tpu.memory_space<vmem>>, %arg4: memref<1x64xf32, #tpu.memory_space<vmem>>, %arg5: memref<64x64xf32, #tpu.memory_space<vmem>>, %arg6: memref<1x64xf32, #tpu.memory_space<vmem>>, %arg7: memref<64x4xf32, #tpu.memory_space<vmem>>, %arg8: memref<1x4xf32, #tpu.memory_space<vmem>>, %arg9: memref<4096x4xf32, #tpu.memory_space<vmem>>) attributes {dimension_semantics = [#tpu.dimension_semantics<arbitrary>], iteration_bounds = array<i64: 400>, scalar_prefetch = 0 : i64, scratch_operands = 0 : i64, tpu.core_type = #tpu.core_type<tc>, window_params = [{transform_indices = @transform_0, window_bounds = array<i64: 4096, 4>}, {transform_indices = @transform_1, window_bounds = array<i64: 4096, 4>}, {pipeline_mode = #tpu.pipeline_mode<synchronous>, transform_indices = @transform_2, window_bounds = array<i64: 16, 64>}, {pipeline_mode = #tpu.pipeline_mode<synchronous>, transform_indices = @transform_3, window_bounds = array<i64: 1, 64>}, {pipeline_mode = #tpu.pipeline_mode<synchronous>, transform_indices = @transform_4, window_bounds = array<i64: 64, 64>}, {pipeline_mode = #tpu.pipeline_mode<synchronous>, transform_indices = @transform_5, window_bounds = array<i64: 1, 64>}, {pipeline_mode = #tpu.pipeline_mode<synchronous>, transform_indices = @transform_6, window_bounds = array<i64: 64, 4>}, {pipeline_mode = #tpu.pipeline_mode<synchronous>, transform_indices = @transform_7, window_bounds = array<i64: 1, 4>}, {transform_indices = @transform_8, window_bounds = array<i64: 4096, 4>}]} {
    %get3A = arith.constant 0 : index
    %get3A_0 = arith.constant 0 : index
    %get3A_1 = vector.load %arg1[%get3A, %get3A_0] : memref<4096x4xf32, #tpu.memory_space<vmem>>, vector<4096x4xf32>
    %get3A_2 = arith.constant 0 : index
    %get3A_3 = arith.constant 0 : index
    %get3A_4 = vector.load %arg2[%get3A_2, %get3A_3] : memref<4096x4xf32, #tpu.memory_space<vmem>>, vector<4096x4xf32>
    %slice3A = vector.extract_strided_slice %get3A_4 {offsets = [0, 0], sizes = [4096, 3], strides = [1, 1]} : vector<4096x4xf32> to vector<4096x3xf32>
    %slice3A_5 = vector.extract_strided_slice %get3A_1 {offsets = [0, 0], sizes = [4096, 3], strides = [1, 1]} : vector<4096x4xf32> to vector<4096x3xf32>
    %sub3A = arith.subf %slice3A, %slice3A_5 : vector<4096x3xf32>
    %slice3A_6 = vector.extract_strided_slice %get3A_1 {offsets = [0, 3], sizes = [4096, 1], strides = [1, 1]} : vector<4096x4xf32> to vector<4096x1xf32>
    %slice3A_7 = vector.extract_strided_slice %get3A_4 {offsets = [0, 3], sizes = [4096, 1], strides = [1, 1]} : vector<4096x4xf32> to vector<4096x1xf32>
    %sub3A_8 = arith.subf %slice3A_7, %slice3A_6 : vector<4096x1xf32>
    %mul3A = vector.broadcast %sub3A_8 : vector<4096x1xf32> to vector<4096x3xf32>
    %mul3A_9 = arith.mulf %mul3A, %sub3A : vector<4096x3xf32>
    %mul3A_10 = arith.mulf %sub3A, %sub3A : vector<4096x3xf32>
    %reduce_sum3A = arith.constant dense<0.000000e+00> : vector<4096xf32>
    %reduce_sum3A_11 = vector.multi_reduction <add>, %mul3A_10, %reduce_sum3A [1] : vector<4096x3xf32> to vector<4096xf32>
    %broadcast_in_dim3A = vector.shape_cast %reduce_sum3A_11 : vector<4096xf32> to vector<4096x1xf32>
    %sqrt3A = math.sqrt %broadcast_in_dim3A : vector<4096x1xf32>
    %broadcast_in_dim3A_12 = arith.constant 0.000000e+00 : f32
    %broadcast_in_dim3A_13 = vector.broadcast %broadcast_in_dim3A_12 : f32 to vector<4096x7xf32>
    %concatenate3A = tpu.concatenate %sub3A, %sqrt3A, %mul3A_9, %slice3A_6, %slice3A_7, %broadcast_in_dim3A_13 in 1 : vector<4096x3xf32>, vector<4096x1xf32>, vector<4096x3xf32>, vector<4096x1xf32>, vector<4096x1xf32>, vector<4096x7xf32> -> vector<4096x16xf32>
    %get3A_14 = arith.constant 0 : index
    %get3A_15 = arith.constant 0 : index
    %get3A_16 = vector.load %arg3[%get3A_14, %get3A_15] : memref<16x64xf32, #tpu.memory_space<vmem>>, vector<16x64xf32>
    %dot_general3A = arith.constant dense<0.000000e+00> : vector<4096x64xf32>
    %dot_general3A_17 = tpu.matmul %concatenate3A, %get3A_16, %dot_general3A {dimension_numbers = #tpu.dot_dimension_numbers<[1], [0], [0], [1], [0, 0, 1, 1], [], []>, transpose_lhs_hint = false} : vector<4096x16xf32>, vector<16x64xf32>, vector<4096x64xf32> -> vector<4096x64xf32>
    %get3A_18 = arith.constant 0 : index
    %get3A_19 = arith.constant 0 : index
    %get3A_20 = vector.load %arg4[%get3A_18, %get3A_19] : memref<1x64xf32, #tpu.memory_space<vmem>>, vector<1x64xf32>
    %add3A = vector.broadcast %get3A_20 : vector<1x64xf32> to vector<4096x64xf32>
    %add3A_21 = arith.addf %dot_general3A_17, %add3A : vector<4096x64xf32>
    %max3A = arith.constant 0.000000e+00 : f32
    %max3A_22 = vector.broadcast %max3A : f32 to vector<4096x64xf32>
    %max3A_23 = arith.maximumf %add3A_21, %max3A_22 : vector<4096x64xf32>
    %get3A_24 = arith.constant 0 : index
    %get3A_25 = arith.constant 0 : index
    %get3A_26 = vector.load %arg5[%get3A_24, %get3A_25] : memref<64x64xf32, #tpu.memory_space<vmem>>, vector<64x64xf32>
    %dot_general3A_27 = arith.constant dense<0.000000e+00> : vector<4096x64xf32>
    %dot_general3A_28 = tpu.matmul %max3A_23, %get3A_26, %dot_general3A_27 {dimension_numbers = #tpu.dot_dimension_numbers<[1], [0], [0], [1], [0, 0, 1, 1], [], []>, transpose_lhs_hint = false} : vector<4096x64xf32>, vector<64x64xf32>, vector<4096x64xf32> -> vector<4096x64xf32>
    %get3A_29 = arith.constant 0 : index
    %get3A_30 = arith.constant 0 : index
    %get3A_31 = vector.load %arg6[%get3A_29, %get3A_30] : memref<1x64xf32, #tpu.memory_space<vmem>>, vector<1x64xf32>
    %add3A_32 = vector.broadcast %get3A_31 : vector<1x64xf32> to vector<4096x64xf32>
    %add3A_33 = arith.addf %dot_general3A_28, %add3A_32 : vector<4096x64xf32>
    %max3A_34 = arith.constant 0.000000e+00 : f32
    %max3A_35 = vector.broadcast %max3A_34 : f32 to vector<4096x64xf32>
    %max3A_36 = arith.maximumf %add3A_33, %max3A_35 : vector<4096x64xf32>
    %get3A_37 = arith.constant 0 : index
    %get3A_38 = arith.constant 0 : index
    %get3A_39 = vector.load %arg7[%get3A_37, %get3A_38] : memref<64x4xf32, #tpu.memory_space<vmem>>, vector<64x4xf32>
    %dot_general3A_40 = arith.constant dense<0.000000e+00> : vector<4096x4xf32>
    %dot_general3A_41 = tpu.matmul %max3A_36, %get3A_39, %dot_general3A_40 {dimension_numbers = #tpu.dot_dimension_numbers<[1], [0], [0], [1], [0, 0, 1, 1], [], []>, transpose_lhs_hint = false} : vector<4096x64xf32>, vector<64x4xf32>, vector<4096x4xf32> -> vector<4096x4xf32>
    %get3A_42 = arith.constant 0 : index
    %get3A_43 = arith.constant 0 : index
    %get3A_44 = vector.load %arg8[%get3A_42, %get3A_43] : memref<1x4xf32, #tpu.memory_space<vmem>>, vector<1x4xf32>
    %add3A_45 = vector.broadcast %get3A_44 : vector<1x4xf32> to vector<4096x4xf32>
    %add3A_46 = arith.addf %dot_general3A_41, %add3A_45 : vector<4096x4xf32>
    %broadcast_in_dim3A_47 = arith.constant 0.000000e+00 : f32
    %broadcast_in_dim3A_48 = vector.broadcast %broadcast_in_dim3A_47 : f32 to vector<4096x1xf32>
    %concatenate3A_49 = tpu.concatenate %mul3A_9, %broadcast_in_dim3A_48 in 1 : vector<4096x3xf32>, vector<4096x1xf32> -> vector<4096x4xf32>
    %add3A_50 = arith.addf %concatenate3A_49, %add3A_46 : vector<4096x4xf32>
    %swap3A = arith.constant 0 : index
    %swap3A_51 = arith.constant 0 : index
    %swap3A_52 = vector.load %arg9[%swap3A, %swap3A_51] : memref<4096x4xf32, #tpu.memory_space<vmem>>, vector<4096x4xf32>
    tpu.vector_store %arg9[%swap3A, %swap3A_51], %add3A_50 {strides = array<i32>} : memref<4096x4xf32, #tpu.memory_space<vmem>>, vector<4096x4xf32>,
    return
  }
  func.func @transform_0(%arg0: i32) -> (i32, i32) {
    %c0_i32 = arith.constant 0 : i32
    %c0_i32_0 = arith.constant 0 : i32
    return %arg0, %c0_i32 : i32, i32
  }
  func.func @transform_1(%arg0: i32) -> (i32, i32) {
    %c0_i32 = arith.constant 0 : i32
    %c0_i32_0 = arith.constant 0 : i32
    return %arg0, %c0_i32 : i32, i32
  }
  func.func @transform_2(%arg0: i32) -> (i32, i32) {
    %c0_i32 = arith.constant 0 : i32
    %c0_i32_0 = arith.constant 0 : i32
    %c0_i32_1 = arith.constant 0 : i32
    return %c0_i32, %c0_i32_0 : i32, i32
  }
  func.func @transform_3(%arg0: i32) -> (i32, i32) {
    %c0_i32 = arith.constant 0 : i32
    %c0_i32_0 = arith.constant 0 : i32
    %c0_i32_1 = arith.constant 0 : i32
    return %c0_i32, %c0_i32_0 : i32, i32
  }
  func.func @transform_4(%arg0: i32) -> (i32, i32) {
    %c0_i32 = arith.constant 0 : i32
    %c0_i32_0 = arith.constant 0 : i32
    %c0_i32_1 = arith.constant 0 : i32
    return %c0_i32, %c0_i32_0 : i32, i32
  }
  func.func @transform_5(%arg0: i32) -> (i32, i32) {
    %c0_i32 = arith.constant 0 : i32
    %c0_i32_0 = arith.constant 0 : i32
    %c0_i32_1 = arith.constant 0 : i32
    return %c0_i32, %c0_i32_0 : i32, i32
  }
  func.func @transform_6(%arg0: i32) -> (i32, i32) {
    %c0_i32 = arith.constant 0 : i32
    %c0_i32_0 = arith.constant 0 : i32
    %c0_i32_1 = arith.constant 0 : i32
    return %c0_i32, %c0_i32_0 : i32, i32
  }
  func.func @transform_7(%arg0: i32) -> (i32, i32) {
    %c0_i32 = arith.constant 0 : i32
    %c0_i32_0 = arith.constant 0 : i32
    %c0_i32_1 = arith.constant 0 : i32
    return %c0_i32, %c0_i32_0 : i32, i32
  }
  func.func @transform_8(%arg0: i32) -> (i32, i32) {
    %c0_i32 = arith.constant 0 : i32
    %c0_i32_0 = arith.constant 0 : i32
    return %arg0, %c0_i32 : i32, i32
  }
}

module attributes {stable_mosaic.version = 14 : i64} {
  func.func @_node_body(%arg0: i32, %arg1: memref<2048x8xf32, #tpu.memory_space<vmem>>, %arg2: memref<2048x4xf32, #tpu.memory_space<vmem>>, %arg3: memref<2048x4xf32, #tpu.memory_space<vmem>>, %arg4: memref<8x64xf32, #tpu.memory_space<vmem>>, %arg5: memref<1x64xf32, #tpu.memory_space<vmem>>, %arg6: memref<64x64xf32, #tpu.memory_space<vmem>>, %arg7: memref<1x64xf32, #tpu.memory_space<vmem>>, %arg8: memref<64x8xf32, #tpu.memory_space<vmem>>, %arg9: memref<1x8xf32, #tpu.memory_space<vmem>>, %arg10: memref<8x64xf32, #tpu.memory_space<vmem>>, %arg11: memref<1x64xf32, #tpu.memory_space<vmem>>, %arg12: memref<64x64xf32, #tpu.memory_space<vmem>>, %arg13: memref<1x64xf32, #tpu.memory_space<vmem>>, %arg14: memref<64x64xf32, #tpu.memory_space<vmem>>, %arg15: memref<1x64xf32, #tpu.memory_space<vmem>>, %arg16: memref<64x8xf32, #tpu.memory_space<vmem>>, %arg17: memref<1x8xf32, #tpu.memory_space<vmem>>, %arg18: memref<2048x8xf32, #tpu.memory_space<vmem>>) attributes {dimension_semantics = [#tpu.dimension_semantics<arbitrary>], iteration_bounds = array<i64: 50>, scalar_prefetch = 0 : i64, scratch_operands = 0 : i64, tpu.core_type = #tpu.core_type<tc>, window_params = [{transform_indices = @transform_0, window_bounds = array<i64: 2048, 8>}, {transform_indices = @transform_1, window_bounds = array<i64: 2048, 4>}, {transform_indices = @transform_2, window_bounds = array<i64: 2048, 4>}, {pipeline_mode = #tpu.pipeline_mode<synchronous>, transform_indices = @transform_3, window_bounds = array<i64: 8, 64>}, {pipeline_mode = #tpu.pipeline_mode<synchronous>, transform_indices = @transform_4, window_bounds = array<i64: 1, 64>}, {pipeline_mode = #tpu.pipeline_mode<synchronous>, transform_indices = @transform_5, window_bounds = array<i64: 64, 64>}, {pipeline_mode = #tpu.pipeline_mode<synchronous>, transform_indices = @transform_6, window_bounds = array<i64: 1, 64>}, {pipeline_mode = #tpu.pipeline_mode<synchronous>, transform_indices = @transform_7, window_bounds = array<i64: 64, 8>}, {pipeline_mode = #tpu.pipeline_mode<synchronous>, transform_indices = @transform_8, window_bounds = array<i64: 1, 8>}, {pipeline_mode = #tpu.pipeline_mode<synchronous>, transform_indices = @transform_9, window_bounds = array<i64: 8, 64>}, {pipeline_mode = #tpu.pipeline_mode<synchronous>, transform_indices = @transform_10, window_bounds = array<i64: 1, 64>}, {pipeline_mode = #tpu.pipeline_mode<synchronous>, transform_indices = @transform_11, window_bounds = array<i64: 64, 64>}, {pipeline_mode = #tpu.pipeline_mode<synchronous>, transform_indices = @transform_12, window_bounds = array<i64: 1, 64>}, {pipeline_mode = #tpu.pipeline_mode<synchronous>, transform_indices = @transform_13, window_bounds = array<i64: 64, 64>}, {pipeline_mode = #tpu.pipeline_mode<synchronous>, transform_indices = @transform_14, window_bounds = array<i64: 1, 64>}, {pipeline_mode = #tpu.pipeline_mode<synchronous>, transform_indices = @transform_15, window_bounds = array<i64: 64, 8>}, {pipeline_mode = #tpu.pipeline_mode<synchronous>, transform_indices = @transform_16, window_bounds = array<i64: 1, 8>}, {transform_indices = @transform_17, window_bounds = array<i64: 2048, 8>}]} {
    %get3A = arith.constant 0 : index
    %get3A_0 = arith.constant 0 : index
    %get3A_1 = vector.load %arg1[%get3A, %get3A_0] : memref<2048x8xf32, #tpu.memory_space<vmem>>, vector<2048x8xf32>
    %get3A_2 = arith.constant 0 : index
    %get3A_3 = arith.constant 0 : index
    %get3A_4 = vector.load %arg2[%get3A_2, %get3A_3] : memref<2048x4xf32, #tpu.memory_space<vmem>>, vector<2048x4xf32>
    %get3A_5 = arith.constant 0 : index
    %get3A_6 = arith.constant 0 : index
    %get3A_7 = vector.load %arg3[%get3A_5, %get3A_6] : memref<2048x4xf32, #tpu.memory_space<vmem>>, vector<2048x4xf32>
    %add3A = arith.addf %get3A_4, %get3A_7 : vector<2048x4xf32>
    %slice3A = vector.extract_strided_slice %add3A {offsets = [0, 3], sizes = [2048, 1], strides = [1, 1]} : vector<2048x4xf32> to vector<2048x1xf32>
    %max3A = arith.constant 1.000000e+00 : f32
    %max3A_8 = vector.broadcast %max3A : f32 to vector<2048x1xf32>
    %max3A_9 = arith.maximumf %slice3A, %max3A_8 : vector<2048x1xf32>
    %slice3A_10 = vector.extract_strided_slice %add3A {offsets = [0, 0], sizes = [2048, 3], strides = [1, 1]} : vector<2048x4xf32> to vector<2048x3xf32>
    %div3A = vector.broadcast %max3A_9 : vector<2048x1xf32> to vector<2048x3xf32>
    %div3A_11 = arith.divf %slice3A_10, %div3A : vector<2048x3xf32>
    %slice3A_12 = vector.extract_strided_slice %get3A_1 {offsets = [0, 3], sizes = [2048, 1], strides = [1, 1]} : vector<2048x8xf32> to vector<2048x1xf32>
    %slice3A_13 = vector.extract_strided_slice %get3A_1 {offsets = [0, 4], sizes = [2048, 1], strides = [1, 1]} : vector<2048x8xf32> to vector<2048x1xf32>
    %broadcast_in_dim3A = arith.constant 0.000000e+00 : f32
    %broadcast_in_dim3A_14 = vector.broadcast %broadcast_in_dim3A : f32 to vector<2048x3xf32>
    %concatenate3A = tpu.concatenate %slice3A_13, %slice3A_12, %div3A_11, %broadcast_in_dim3A_14 in 1 : vector<2048x1xf32>, vector<2048x1xf32>, vector<2048x3xf32>, vector<2048x3xf32> -> vector<2048x8xf32>
    %get3A_15 = arith.constant 0 : index
    %get3A_16 = arith.constant 0 : index
    %get3A_17 = vector.load %arg4[%get3A_15, %get3A_16] : memref<8x64xf32, #tpu.memory_space<vmem>>, vector<8x64xf32>
    %dot_general3A = arith.constant dense<0.000000e+00> : vector<2048x64xf32>
    %dot_general3A_18 = tpu.matmul %concatenate3A, %get3A_17, %dot_general3A {dimension_numbers = #tpu.dot_dimension_numbers<[1], [0], [0], [1], [0, 0, 1, 1], [], []>, transpose_lhs_hint = false} : vector<2048x8xf32>, vector<8x64xf32>, vector<2048x64xf32> -> vector<2048x64xf32>
    %get3A_19 = arith.constant 0 : index
    %get3A_20 = arith.constant 0 : index
    %get3A_21 = vector.load %arg5[%get3A_19, %get3A_20] : memref<1x64xf32, #tpu.memory_space<vmem>>, vector<1x64xf32>
    %add3A_22 = vector.broadcast %get3A_21 : vector<1x64xf32> to vector<2048x64xf32>
    %add3A_23 = arith.addf %dot_general3A_18, %add3A_22 : vector<2048x64xf32>
    %max3A_24 = arith.constant 0.000000e+00 : f32
    %max3A_25 = vector.broadcast %max3A_24 : f32 to vector<2048x64xf32>
    %max3A_26 = arith.maximumf %add3A_23, %max3A_25 : vector<2048x64xf32>
    %get3A_27 = arith.constant 0 : index
    %get3A_28 = arith.constant 0 : index
    %get3A_29 = vector.load %arg6[%get3A_27, %get3A_28] : memref<64x64xf32, #tpu.memory_space<vmem>>, vector<64x64xf32>
    %dot_general3A_30 = arith.constant dense<0.000000e+00> : vector<2048x64xf32>
    %dot_general3A_31 = tpu.matmul %max3A_26, %get3A_29, %dot_general3A_30 {dimension_numbers = #tpu.dot_dimension_numbers<[1], [0], [0], [1], [0, 0, 1, 1], [], []>, transpose_lhs_hint = false} : vector<2048x64xf32>, vector<64x64xf32>, vector<2048x64xf32> -> vector<2048x64xf32>
    %get3A_32 = arith.constant 0 : index
    %get3A_33 = arith.constant 0 : index
    %get3A_34 = vector.load %arg7[%get3A_32, %get3A_33] : memref<1x64xf32, #tpu.memory_space<vmem>>, vector<1x64xf32>
    %add3A_35 = vector.broadcast %get3A_34 : vector<1x64xf32> to vector<2048x64xf32>
    %add3A_36 = arith.addf %dot_general3A_31, %add3A_35 : vector<2048x64xf32>
    %max3A_37 = arith.constant 0.000000e+00 : f32
    %max3A_38 = vector.broadcast %max3A_37 : f32 to vector<2048x64xf32>
    %max3A_39 = arith.maximumf %add3A_36, %max3A_38 : vector<2048x64xf32>
    %get3A_40 = arith.constant 0 : index
    %get3A_41 = arith.constant 0 : index
    %get3A_42 = vector.load %arg8[%get3A_40, %get3A_41] : memref<64x8xf32, #tpu.memory_space<vmem>>, vector<64x8xf32>
    %dot_general3A_43 = arith.constant dense<0.000000e+00> : vector<2048x8xf32>
    %dot_general3A_44 = tpu.matmul %max3A_39, %get3A_42, %dot_general3A_43 {dimension_numbers = #tpu.dot_dimension_numbers<[1], [0], [0], [1], [0, 0, 1, 1], [], []>, transpose_lhs_hint = false} : vector<2048x64xf32>, vector<64x8xf32>, vector<2048x8xf32> -> vector<2048x8xf32>
    %get3A_45 = arith.constant 0 : index
    %get3A_46 = arith.constant 0 : index
    %get3A_47 = vector.load %arg9[%get3A_45, %get3A_46] : memref<1x8xf32, #tpu.memory_space<vmem>>, vector<1x8xf32>
    %add3A_48 = vector.broadcast %get3A_47 : vector<1x8xf32> to vector<2048x8xf32>
    %add3A_49 = arith.addf %dot_general3A_44, %add3A_48 : vector<2048x8xf32>
    %slice3A_50 = vector.extract_strided_slice %add3A_49 {offsets = [0, 0], sizes = [2048, 1], strides = [1, 1]} : vector<2048x8xf32> to vector<2048x1xf32>
    %add3A_51 = arith.addf %slice3A_12, %slice3A_50 : vector<2048x1xf32>
    %slice3A_52 = vector.extract_strided_slice %get3A_1 {offsets = [0, 0], sizes = [2048, 3], strides = [1, 1]} : vector<2048x8xf32> to vector<2048x3xf32>
    %broadcast_in_dim3A_53 = arith.constant 0.000000e+00 : f32
    %broadcast_in_dim3A_54 = vector.broadcast %broadcast_in_dim3A_53 : f32 to vector<2048x3xf32>
    %concatenate3A_55 = tpu.concatenate %slice3A_52, %slice3A_13, %add3A_51, %broadcast_in_dim3A_54 in 1 : vector<2048x3xf32>, vector<2048x1xf32>, vector<2048x1xf32>, vector<2048x3xf32> -> vector<2048x8xf32>
    %get3A_56 = arith.constant 0 : index
    %get3A_57 = arith.constant 0 : index
    %get3A_58 = vector.load %arg10[%get3A_56, %get3A_57] : memref<8x64xf32, #tpu.memory_space<vmem>>, vector<8x64xf32>
    %dot_general3A_59 = arith.constant dense<0.000000e+00> : vector<2048x64xf32>
    %dot_general3A_60 = tpu.matmul %concatenate3A_55, %get3A_58, %dot_general3A_59 {dimension_numbers = #tpu.dot_dimension_numbers<[1], [0], [0], [1], [0, 0, 1, 1], [], []>, transpose_lhs_hint = false} : vector<2048x8xf32>, vector<8x64xf32>, vector<2048x64xf32> -> vector<2048x64xf32>
    %get3A_61 = arith.constant 0 : index
    %get3A_62 = arith.constant 0 : index
    %get3A_63 = vector.load %arg11[%get3A_61, %get3A_62] : memref<1x64xf32, #tpu.memory_space<vmem>>, vector<1x64xf32>
    %add3A_64 = vector.broadcast %get3A_63 : vector<1x64xf32> to vector<2048x64xf32>
    %add3A_65 = arith.addf %dot_general3A_60, %add3A_64 : vector<2048x64xf32>
    %max3A_66 = arith.constant 0.000000e+00 : f32
    %max3A_67 = vector.broadcast %max3A_66 : f32 to vector<2048x64xf32>
    %max3A_68 = arith.maximumf %add3A_65, %max3A_67 : vector<2048x64xf32>
    %get3A_69 = arith.constant 0 : index
    %get3A_70 = arith.constant 0 : index
    %get3A_71 = vector.load %arg12[%get3A_69, %get3A_70] : memref<64x64xf32, #tpu.memory_space<vmem>>, vector<64x64xf32>
    %dot_general3A_72 = arith.constant dense<0.000000e+00> : vector<2048x64xf32>
    %dot_general3A_73 = tpu.matmul %max3A_68, %get3A_71, %dot_general3A_72 {dimension_numbers = #tpu.dot_dimension_numbers<[1], [0], [0], [1], [0, 0, 1, 1], [], []>, transpose_lhs_hint = false} : vector<2048x64xf32>, vector<64x64xf32>, vector<2048x64xf32> -> vector<2048x64xf32>
    %get3A_74 = arith.constant 0 : index
    %get3A_75 = arith.constant 0 : index
    %get3A_76 = vector.load %arg13[%get3A_74, %get3A_75] : memref<1x64xf32, #tpu.memory_space<vmem>>, vector<1x64xf32>
    %add3A_77 = vector.broadcast %get3A_76 : vector<1x64xf32> to vector<2048x64xf32>
    %add3A_78 = arith.addf %dot_general3A_73, %add3A_77 : vector<2048x64xf32>
    %max3A_79 = arith.constant 0.000000e+00 : f32
    %max3A_80 = vector.broadcast %max3A_79 : f32 to vector<2048x64xf32>
    %max3A_81 = arith.maximumf %add3A_78, %max3A_80 : vector<2048x64xf32>
    %get3A_82 = arith.constant 0 : index
    %get3A_83 = arith.constant 0 : index
    %get3A_84 = vector.load %arg14[%get3A_82, %get3A_83] : memref<64x64xf32, #tpu.memory_space<vmem>>, vector<64x64xf32>
    %dot_general3A_85 = arith.constant dense<0.000000e+00> : vector<2048x64xf32>
    %dot_general3A_86 = tpu.matmul %max3A_81, %get3A_84, %dot_general3A_85 {dimension_numbers = #tpu.dot_dimension_numbers<[1], [0], [0], [1], [0, 0, 1, 1], [], []>, transpose_lhs_hint = false} : vector<2048x64xf32>, vector<64x64xf32>, vector<2048x64xf32> -> vector<2048x64xf32>
    %get3A_87 = arith.constant 0 : index
    %get3A_88 = arith.constant 0 : index
    %get3A_89 = vector.load %arg15[%get3A_87, %get3A_88] : memref<1x64xf32, #tpu.memory_space<vmem>>, vector<1x64xf32>
    %add3A_90 = vector.broadcast %get3A_89 : vector<1x64xf32> to vector<2048x64xf32>
    %add3A_91 = arith.addf %dot_general3A_86, %add3A_90 : vector<2048x64xf32>
    %max3A_92 = arith.constant 0.000000e+00 : f32
    %max3A_93 = vector.broadcast %max3A_92 : f32 to vector<2048x64xf32>
    %max3A_94 = arith.maximumf %add3A_91, %max3A_93 : vector<2048x64xf32>
    %get3A_95 = arith.constant 0 : index
    %get3A_96 = arith.constant 0 : index
    %get3A_97 = vector.load %arg16[%get3A_95, %get3A_96] : memref<64x8xf32, #tpu.memory_space<vmem>>, vector<64x8xf32>
    %dot_general3A_98 = arith.constant dense<0.000000e+00> : vector<2048x8xf32>
    %dot_general3A_99 = tpu.matmul %max3A_94, %get3A_97, %dot_general3A_98 {dimension_numbers = #tpu.dot_dimension_numbers<[1], [0], [0], [1], [0, 0, 1, 1], [], []>, transpose_lhs_hint = false} : vector<2048x64xf32>, vector<64x8xf32>, vector<2048x8xf32> -> vector<2048x8xf32>
    %get3A_100 = arith.constant 0 : index
    %get3A_101 = arith.constant 0 : index
    %get3A_102 = vector.load %arg17[%get3A_100, %get3A_101] : memref<1x8xf32, #tpu.memory_space<vmem>>, vector<1x8xf32>
    %add3A_103 = vector.broadcast %get3A_102 : vector<1x8xf32> to vector<2048x8xf32>
    %add3A_104 = arith.addf %dot_general3A_99, %add3A_103 : vector<2048x8xf32>
    %add3A_105 = vector.broadcast %slice3A_12 : vector<2048x1xf32> to vector<2048x8xf32>
    %add3A_106 = arith.addf %add3A_105, %add3A_104 : vector<2048x8xf32>
    %swap3A = arith.constant 0 : index
    %swap3A_107 = arith.constant 0 : index
    %swap3A_108 = vector.load %arg18[%swap3A, %swap3A_107] : memref<2048x8xf32, #tpu.memory_space<vmem>>, vector<2048x8xf32>
    tpu.vector_store %arg18[%swap3A, %swap3A_107], %add3A_106 {strides = array<i32>} : memref<2048x8xf32, #tpu.memory_space<vmem>>, vector<2048x8xf32>,
    return
  }
  func.func @transform_0(%arg0: i32) -> (i32, i32) {
    %c0_i32 = arith.constant 0 : i32
    %c0_i32_0 = arith.constant 0 : i32
    return %arg0, %c0_i32 : i32, i32
  }
  func.func @transform_1(%arg0: i32) -> (i32, i32) {
    %c0_i32 = arith.constant 0 : i32
    %c0_i32_0 = arith.constant 0 : i32
    return %arg0, %c0_i32 : i32, i32
  }
  func.func @transform_2(%arg0: i32) -> (i32, i32) {
    %c0_i32 = arith.constant 0 : i32
    %c0_i32_0 = arith.constant 0 : i32
    return %arg0, %c0_i32 : i32, i32
  }
  func.func @transform_3(%arg0: i32) -> (i32, i32) {
    %c0_i32 = arith.constant 0 : i32
    %c0_i32_0 = arith.constant 0 : i32
    %c0_i32_1 = arith.constant 0 : i32
    return %c0_i32, %c0_i32_0 : i32, i32
  }
  func.func @transform_4(%arg0: i32) -> (i32, i32) {
    %c0_i32 = arith.constant 0 : i32
    %c0_i32_0 = arith.constant 0 : i32
    %c0_i32_1 = arith.constant 0 : i32
    return %c0_i32, %c0_i32_0 : i32, i32
  }
  func.func @transform_5(%arg0: i32) -> (i32, i32) {
    %c0_i32 = arith.constant 0 : i32
    %c0_i32_0 = arith.constant 0 : i32
    %c0_i32_1 = arith.constant 0 : i32
    return %c0_i32, %c0_i32_0 : i32, i32
  }
  func.func @transform_6(%arg0: i32) -> (i32, i32) {
    %c0_i32 = arith.constant 0 : i32
    %c0_i32_0 = arith.constant 0 : i32
    %c0_i32_1 = arith.constant 0 : i32
    return %c0_i32, %c0_i32_0 : i32, i32
  }
  func.func @transform_7(%arg0: i32) -> (i32, i32) {
    %c0_i32 = arith.constant 0 : i32
    %c0_i32_0 = arith.constant 0 : i32
    %c0_i32_1 = arith.constant 0 : i32
    return %c0_i32, %c0_i32_0 : i32, i32
  }
  func.func @transform_8(%arg0: i32) -> (i32, i32) {
    %c0_i32 = arith.constant 0 : i32
    %c0_i32_0 = arith.constant 0 : i32
    %c0_i32_1 = arith.constant 0 : i32
    return %c0_i32, %c0_i32_0 : i32, i32
  }
  func.func @transform_9(%arg0: i32) -> (i32, i32) {
    %c0_i32 = arith.constant 0 : i32
    %c0_i32_0 = arith.constant 0 : i32
    %c0_i32_1 = arith.constant 0 : i32
    return %c0_i32, %c0_i32_0 : i32, i32
  }
  func.func @transform_10(%arg0: i32) -> (i32, i32) {
    %c0_i32 = arith.constant 0 : i32
    %c0_i32_0 = arith.constant 0 : i32
    %c0_i32_1 = arith.constant 0 : i32
    return %c0_i32, %c0_i32_0 : i32, i32
  }
  func.func @transform_11(%arg0: i32) -> (i32, i32) {
    %c0_i32 = arith.constant 0 : i32
    %c0_i32_0 = arith.constant 0 : i32
    %c0_i32_1 = arith.constant 0 : i32
    return %c0_i32, %c0_i32_0 : i32, i32
  }
  func.func @transform_12(%arg0: i32) -> (i32, i32) {
    %c0_i32 = arith.constant 0 : i32
    %c0_i32_0 = arith.constant 0 : i32
    %c0_i32_1 = arith.constant 0 : i32
    return %c0_i32, %c0_i32_0 : i32, i32
  }
  func.func @transform_13(%arg0: i32) -> (i32, i32) {
    %c0_i32 = arith.constant 0 : i32
    %c0_i32_0 = arith.constant 0 : i32
    %c0_i32_1 = arith.constant 0 : i32
    return %c0_i32, %c0_i32_0 : i32, i32
  }
  func.func @transform_14(%arg0: i32) -> (i32, i32) {
    %c0_i32 = arith.constant 0 : i32
    %c0_i32_0 = arith.constant 0 : i32
    %c0_i32_1 = arith.constant 0 : i32
    return %c0_i32, %c0_i32_0 : i32, i32
  }
  func.func @transform_15(%arg0: i32) -> (i32, i32) {
    %c0_i32 = arith.constant 0 : i32
    %c0_i32_0 = arith.constant 0 : i32
    %c0_i32_1 = arith.constant 0 : i32
    return %c0_i32, %c0_i32_0 : i32, i32
  }
  func.func @transform_16(%arg0: i32) -> (i32, i32) {
    %c0_i32 = arith.constant 0 : i32
    %c0_i32_0 = arith.constant 0 : i32
    %c0_i32_1 = arith.constant 0 : i32
    return %c0_i32, %c0_i32_0 : i32, i32
  }
  func.func @transform_17(%arg0: i32) -> (i32, i32) {
    %c0_i32 = arith.constant 0 : i32
    %c0_i32_0 = arith.constant 0 : i32
    return %arg0, %c0_i32 : i32, i32
  }
}

</mosaic_0001>

<sc_bundles>
// kernel: kernel.6.cloned.1.call-start
scs
__scs_entry_jumppad:
0x0: {  	(pc) =	sbr.rel $0x88, $3  }
0x1: {  	(tag) =	ssettag $0x0;
	lr =	simm.s32 $0x1  }
0x2: {  	[smem:$0x3F8A] =	sst lr;
	_ =	strace $0xD0000000  }
0x3: {  	_ = 	snop  }
0x4: {  	_ = 	snop  }
0x5: {  	_ = 	snop  }
0x6: {  	_ = 	snop  }
0x7: {  	_ = 	snop  }
__scs_overlays_trampoline_lowered:
0x8: {  	[smem:$0x3F99] =	sst s0  }
0x9: {  	[smem:$0x3F9A] =	sst s1  }
0xa: {  	[smem:$0x3F9B] =	sst s2  }
0xb: {  	[smem:$0x3F9C] =	sst s3  }
0xc: {  	[smem:$0x3F9D] =	sst s4  }
0xd: {  	[smem:$0x3F9E] =	sst s5  }
0xe: {  	[smem:$0x3F9F] =	sst s6  }
0xf: {  	[smem:$0x3FA0] =	sst s7  }
0x10: {  	[smem:$0x3FA1] =	sst s8  }
0x11: {  	[smem:$0x3FA2] =	sst s9;
	s0 =	simm.s32 @!p0 $0x0  }
0x12: {  	s1 =	sld [smem:$0x3F88];
	s0 =	simm.s32 @p0 $0x1  }
0x13: {  	[smem:$0x3FA3] =	sst s0;
	s0 =	simm.s32 @!p1 $0x0  }
0x14: {  	s2 =	sld [smem:$0x3F87];
	s0 =	simm.s32 @p1 $0x1  }
0x15: {  	[smem:$0x3FA4] =	sst s0;
	s0 =	simm.s32 @!p2 $0x0  }
0x16: {  	s3 =	sld [smem:$0x3FDB];
	s0 =	simm.s32 @p2 $0x1  }
0x17: {  	s4 =	simm.s32 $0x1BF5;
	[smem:$0x3FA6] =	sst s0  }
0x18: {  	s0 =	sld [smem:$0x3F89];
	_ =	swait.ge [sflag:s4], $0x0  }
0x19: {  	s7 =	sld [smem:$0x3F8A]  }
0x1a: {  	s8 =	sadd.s32 $0xFFFFE003, lr  }
0x1b: {  	s9 =	sadd.s32 $0xFFFFFEF7, lr;
	s5 =	simm.s32 $0xFFFFFFFF;
	p2 =	slt.u32 s8, $0xFFFFF086  }
0x1c: {  	p1 =	slt.u32 s9, $0xF7A;
	s5 =	simm.s32 @!p2 $0x0  }
0x1d: {  	s5 =	simm.s32 @p1 $0x1;
	p0 =	seq.s32 s7, s2  }
0x1e: {  	s7 =	smul.u32 @!p0 $0xF7A, s2;
	p2 =	seq.s32 @!p0 s5, $0x0  }
0x1f: {  	s9 =	smul.u32 $0xF7A, s1;
	s8 =	simm.s32 @!p0 $0x1BF5;
	p2 =	por !p2, p0  }
0x20: {  	[sflag:s8] =	ssyncset.s32 @!p0 $0xFFFFF086;
	s6 =	sadd.s32 @!p0 s3, s7;
	s7 =	simm.s32 @!p0 $0x108  }
0x21: {  	s3 =	sadd.s32 s3, s9;
	s6 =	sadd.s32 @!p0 $0x88, s6;
	s7 =	simm.s32 @p2 $0x1082  }
0x22: {  	[simem:s7], [sflag:s8] =	dma.local @!p0 [hbm:s6], $0xF7A  }
0x23: {  	s9 =	sor.u32 $0xD0000000, s2;
	s6 =	simm.s32 $0x108;
	_ =	swait.ge @!p0 [sflag:s8], $0x0  }
0x24: {  	s3 =	sadd.s32 $0x88, s3;
	s6 =	simm.s32 @!p1 $0x1082;
	[sflag:s4] =	ssyncset.s32 $0xFFFFF086  }
0x25: {  	[simem:s6], [sflag:s4] =	dma.local [hbm:s3], $0xF7A  }
0x26: {  	[smem:$0x3F8A] =	sst s1;
	(tag) =	ssettag s2;
	_ =	strace s9  }
0x27: {  	s1 =	sld [smem:$0x3F9A]  }
0x28: {  	s2 =	sld [smem:$0x3F9B]  }
0x29: {  	s4 =	sld [smem:$0x3F9D]  }
0x2a: {  	p0 =	seq.s32 s5, $0x0;
	s5 =	sld [smem:$0x3F9E]  }
0x2b: {  	s6 =	sld [smem:$0x3F9F]  }
0x2c: {  	s7 =	sld [smem:$0x3FA0]  }
0x2d: {  	s3 =	simm.s32 $0x108;
	s8 =	sld [smem:$0x3FA1]  }
0x2e: {  	s3 =	simm.s32 @!p0 $0x1082;
	s9 =	sld [smem:$0x3FA2]  }
0x2f: {  	lr =	sadd.s32 s0, s3;
	s0 =	sld [smem:$0x3F99]  }
0x30: {  	s3 =	sld [smem:$0x3F9C]  }
0x31: {  	[smem:$0x3FA5] =	sst s10  }
0x32: {  	s10 =	sld [smem:$0x3FA3];
	_ =	sdelay $0x3  }
0x33: {  	p0 =	seq.s32 s10, $0x1;
	s10 =	sld [smem:$0x3FA5];
	_ =	sdelay $0x3  }
0x34: {  	[smem:$0x3FA5] =	sst s10  }
0x35: {  	s10 =	sld [smem:$0x3FA4];
	_ =	sdelay $0x3  }
0x36: {  	p1 =	seq.s32 s10, $0x1;
	s10 =	sld [smem:$0x3FA5];
	_ =	sdelay $0x3  }
0x37: {  	[smem:$0x3FA5] =	sst s10  }
0x38: {  	s10 =	sld [smem:$0x3FA6]  }
0x39: {  	_ = 	snop;
	(pc) =	sbr.ind lr, $3  }
0x3a: {  	_ = 	snop  }
0x3b: {  	_ = 	snop  }
0x3c: {  	p2 =	seq.s32 s10, $0x1;
	s10 =	sld [smem:$0x3FA5]  }
0x3d: {  	_ =	shalt  }
0x3e: {  	_ =	shalt  }
0x3f: {  	_ =	shalt  }
0x40: {  	_ =	shalt  }
0x41: {  	_ =	shalt  }
0x42: {  	_ =	shalt  }
0x43: {  	_ =	shalt  }
0x44: {  	_ =	shalt  }
0x45: {  	_ =	shalt  }
0x46: {  	_ =	shalt  }
0x47: {  	_ =	shalt  }
0x48: {  	_ =	shalt  }
0x49: {  	_ =	shalt  }
0x4a: {  	_ =	shalt  }
0x4b: {  	_ =	shalt  }
0x4c: {  	_ =	shalt  }
0x4d: {  	_ =	shalt  }
0x4e: {  	_ =	shalt  }
0x4f: {  	_ =	shalt  }
0x50: {  	_ =	shalt  }
0x51: {  	_ =	shalt  }
0x52: {  	_ =	shalt  }
0x53: {  	_ =	shalt  }
0x54: {  	_ =	shalt  }
0x55: {  	_ =	shalt  }
0x56: {  	_ =	shalt  }
0x57: {  	_ =	shalt  }
0x58: {  	_ =	shalt  }
0x59: {  	_ =	shalt  }
0x5a: {  	_ =	shalt  }
0x5b: {  	_ =	shalt  }
0x5c: {  	_ =	shalt  }
0x5d: {  	_ =	shalt  }
0x5e: {  	_ =	shalt  }
0x5f: {  	_ =	shalt  }
0x60: {  	_ =	shalt  }
0x61: {  	_ =	shalt  }
0x62: {  	_ =	shalt  }
0x63: {  	_ =	shalt  }
0x64: {  	_ =	shalt  }
0x65: {  	_ =	shalt  }
0x66: {  	_ =	shalt  }
0x67: {  	_ =	shalt  }
0x68: {  	_ =	shalt  }
0x69: {  	_ =	shalt  }
0x6a: {  	_ =	shalt  }
0x6b: {  	_ =	shalt  }
0x6c: {  	_ =	shalt  }
0x6d: {  	_ =	shalt  }
0x6e: {  	_ =	shalt  }
0x6f: {  	_ =	shalt  }
0x70: {  	_ =	shalt  }
0x71: {  	_ =	shalt  }
0x72: {  	_ =	shalt  }
0x73: {  	_ =	shalt  }
0x74: {  	_ =	shalt  }
0x75: {  	_ =	shalt  }
0x76: {  	_ =	shalt  }
0x77: {  	_ =	shalt  }
0x78: {  	_ =	shalt  }
0x79: {  	_ =	shalt  }
0x7a: {  	_ =	shalt  }
0x7b: {  	_ =	shalt  }
0x7c: {  	_ =	shalt  }
0x7d: {  	_ =	shalt  }
0x7e: {  	_ =	shalt  }
0x7f: {  	_ =	shalt  }
0x80: {  	_ =	shalt  }
0x81: {  	_ =	shalt  }
0x82: {  	_ =	shalt  }
0x83: {  	_ =	shalt  }
0x84: {  	_ =	shalt  }
0x85: {  	_ =	shalt  }
0x86: {  	_ =	shalt  }
0x87: {  	_ =	shalt  }
.Lfunc_end0:
.L_simem_size_0:
called_computation_lowered:
.L_overlay_start_0:
0x88: {  	s2 =	sld [smem:$0x3FD9]  }
0x89: {  	s3 =	sld [smem:$0x3FFE];
	_ =	sdelay $0x1  }
0x8a: {  	s1 =	srdreg.scid  }
0x8b: {  	s0 =	sand.u32 $0x1, s1  }
0x8c: {  	s16 =	sshll.u32 s0, $0xA;
	s2 =	sadd.s32 s3, s2  }
0x8d: {  	s2 =	sadd.s32 s2, s16  }
0x8e: {  	[smem:$0x3FB1] =	sst s2  }
0x8f: {  	_ = 	snop  }
0x90: {  	(tm) =	ssettm $0x1  }
0x91: {  	s17 =	sld [smem:$0x3FFB];
	_ =	sdelay $0x3  }
0x92: {  	_ =	strace s17  }
0x93: {  	s2 =	sld [smem:$0x3FFC];
	_ =	sdelay $0x3  }
0x94: {  	_ =	strace s2  }
0x95: {  	s2 =	sld [smem:$0x3FFD];
	_ =	sdelay $0x3  }
0x96: {  	_ =	strace s2  }
0x97: {  	_ =	strace $0x8FFFFFFF  }
0x98: {  	s18 =	sld [smem:$0x3FDB];
	_ =	sdelay $0x1  }
0x99: {  	s19 =	simm.s32 $_scs_section_size  }
0x9a: {  	s4 =	simm.s32 $_size__tile_overlayer_lowered;
	s5 =	simm.s32 $_tile_overlayer_lowered  }
0x9b: {  	s22 =	simm.s32 $0x1BFF;
	s21 =	sshll.u32 s5, $0x1;
	s2 =	sadd.s32 s19, s18  }
0x9c: {  	s6 =	simm.s32 $0x0;
	s20 =	sshll.u32 s4, $0x1;
	s4 =	sadd.s32 s21, s2  }
0x9d: {  	[timem:s6], [sflag:s22] =	dma.local [hbm:s4], s20  }
0x9e: {  	_ =	swait.ge [sflag:s22], s20  }
0x9f: {  	s3 =	ssub.s32 $0x0, s20;
	[sflag:s22] =	ssyncset.done $0x0  }
0xa0: {  	[sflag:s22] =	ssyncadd.s32 s3;
	_ =	sdelay $0x1  }
0xa1: {  	s23 =	simm.s32 $0x1B8B  }
0xa2: {  	_ =	swait.ge [sflag:s23], $0x1  }
0xa3: {  	[sflag:s23] =	ssyncset.done $0x0  }
0xa4: {  	s25 =	simm.s32 $0x1B8E;
	s24 =	sld [smem:$0x3FFE];
	[sflag:s23] =	ssyncadd.s32 $0xFFFFFFFF  }
0xa5: {  	s26 =	simm.s32 $execute0_lowered;
	[smem:$0x3FD2] =	sst s25  }
0xa6: {  	s4 =	sshll.u32 s26, $0x1;
	_ =	strace $0x80000046;
	[dreg:$0x1] =	wrdreg $0xFFFFFFFF  }
0xa7: {  	s28 =	simm.s32 $_size_execute0_lowered;
	s2 =	sadd.s32 s2, s4;
	[dreg:$0x0] =	wrdreg $0x0  }
0xa8: {  	s4 =	sshll.u32 s28, $0x1;
	[dreg:$0x2] =	wrdreg s2  }
0xa9: {  	[dreg:$0x3] =	wrdreg s4  }
0xaa: {  	[dreg:$0x4] =	wrdreg $0xC0  }
0xab: {  	_ =	task [dreg:s6], $0x5FFFF  }
0xac: {  	[dreg:$0x1] =	wrdreg $0xFFFFFFFF  }
0xad: {  	[dreg:$0x0] =	wrdreg $0x60  }
0xae: {  	[dreg:$0x2] =	wrdreg s24  }
0xaf: {  	[dreg:$0x3] =	wrdreg $0x9  }
0xb0: {  	_ =	task.clear_ibuf [dreg:s6], $0x4FFFF;
	_ =	strace $0x90000046  }
0xb1: {  	s29 =	simm.s32 $0x9;
	_ =	strace $0x80000048  }
0xb2: {  	_ =	swait.ge [sflag:s29], $0x1  }
0xb3: {  	[sflag:s29] =	ssyncadd.s32 $0xFFFFFFFF  }
0xb4: {  	_ =	strace $0x90000048  }
0xb5: {  	_ =	sfence  }
0xb6: {  	s30 =	sld [smem:$0x0];
	_ =	sdelay $0x2  }
0xb7: {  	s31 =	sshll.u32 s1, $0xD;
	s1 =	sshrl.u32 s1, $0x2  }
0xb8: {  	s3 =	sand.u32 $0x4000, s31;
	s1 =	sadd.s32 s1, s30  }
0xb9: {  	s0 =	sor.u32 s3, s0;
	s1 =	sshll.u32 s1, $0x11  }
0xba: {  	s0 =	sor.u32 s1, s0  }
0xbb: {  	s0 =	sadd.s32 $0x8F2B, s0  }
0xbc: {  	[sflag:s0] =	ssyncadd.remote.s32 $0x1  }
0xbd: {  	_ =	sfence.sel $0xFFFF  }
0xbe: {  	[dreg:$0x0] =	wrdreg $0xFFFFFFFF;
	(pc) =	sbr.abs _section_cstart, $3  }
0xbf: {  	[dreg:$0x1] =	wrdreg $0xFFFFFFFF  }
0xc0: {  	_ =	task.clear_ibuf [dreg:s6], $0x2FFFF;
	_ =	strace $0x9FFFFFFF  }
0xc1: {  	(tm) =	ssettm $0x7FFFFFFF  }
tec
execute0_lowered:
.L_overlay_start_1:
0x0: {  	(tag) =	ssettag $0x1  }
0x1: {  	s6 =	rddreg [dreg:$0x0]  }
0x2: {  	s0 =	rddreg [dreg:$0x1];
	s2 =	simm.s32 $0x0  }
0x3: {  	s3 =	srdreg.scid;
	s1 =	stileid.u32;
	s11 =	simm.s32 $0x80  }
0x4: {  	s12 =	simm.s32 $0x1;
	s7 =	sand.u32 $0x1, s3;
	s31 =	sshll.u32 s1, $0x1  }
0x5: {  	s13 =	simm.s32 $0x2800;
	s14 =	simm.s32 $0x0;
	s8 =	sor.u32 s7, s31  }
0x6: {  	[smem:$0x7FF] =	sst s2;
	s3 =	sadd.s32 $0x189600, s6;
	s9 =	smul.u32 $0xC800, s8  }
0x7: {  	s4 =	sadd.s32 $0x1D4600, s6;
	s5 =	sadd.s32 $0x1A2600, s6;
	s7 =	ssub.s32 $0x2, s7  }
0x8: {  	_ =	strace $0x80000047;
	s10 =	sshrl.u32 s7, $0x1;
	s9 =	sadd.s32 s9, s6  }
0x9: {  	s10 =	ssub.s32 s7, s10;
	s6 =	smul.u32 $0x190, s8;
	s7 =	sadd.s32 $0x206600, s9  }
0xa: {  	s8 =	sadd.s32 $0x396600, s9;
	s9 =	smax.u32 s10, $0x1;
	s10 =	simm.s32 $0x2  }
.LBB2_1:
0xb: {  	s16 =	simm.s32 $0x0  }
.LBB2_2:
0xc: {  	s15 =	smul.u32 $0x50, s16;
	_ =	sdelay $0x1  }
0xd: {  	s15 =	sadd.s32 s6, s15  }
0xe: {  	s15 =	sshll.u32 s15, $0x4  }
0xf: {  	s17 =	simm.s32 $0x0;
	s15 =	sadd.s32 s4, s15  }
0x10: {  	[tilespmem:s17], [sflag:$0x2] =	stream.linear.gather [hbm4b:s15+s17], $0x2800, $0x38;
	[tilespmem:$0x16800] =	vst v63  }
0x11: {  	_ =	swait.ge [sflag:s10], $0x2800  }
0x12: {  	[sflag:s10] =	ssyncset.done $0x0  }
0x13: {  	s28 =	simm.s32 $0x2800;
	s29 =	simm.s32 $0x0;
	[sflag:s10] =	ssyncadd.s32 $0xFFFFD800  }
0x14: {  	[tilespmem:s28], [sflag:$0x1] =	stream.indirect.gather [hbm4b:s3+s11], $0x4, s29, s11, $0xb8;
	[tilespmem:$0x16800] =	vst v63  }
0x15: {  	s30 =	simm.s32 $0x2C00;
	s31 =	simm.s32 $0x80  }
0x16: {  	[tilespmem:s30], [sflag:$0x1] =	stream.indirect.gather [hbm4b:s3+s11], $0x4, s31, s11, $0xb8;
	[tilespmem:$0x16800] =	vst v63  }
0x17: {  	s18 =	simm.s32 $0x100;
	s17 =	simm.s32 $0x3000  }
0x18: {  	[tilespmem:s17], [sflag:$0x1] =	stream.indirect.gather [hbm4b:s3+s11], $0x4, s18, s11, $0xb8;
	[tilespmem:$0x16800] =	vst v63  }
0x19: {  	s19 =	simm.s32 $0x3400;
	s20 =	simm.s32 $0x180  }
0x1a: {  	[tilespmem:s19], [sflag:$0x1] =	stream.indirect.gather [hbm4b:s3+s11], $0x4, s20, s11, $0xb8;
	[tilespmem:$0x16800] =	vst v63  }
0x1b: {  	s21 =	simm.s32 $0x3800;
	s22 =	simm.s32 $0x200  }
0x1c: {  	[tilespmem:s21], [sflag:$0x1] =	stream.indirect.gather [hbm4b:s3+s11], $0x4, s22, s11, $0xb8;
	[tilespmem:$0x16800] =	vst v63  }
0x1d: {  	s23 =	simm.s32 $0x280;
	s24 =	simm.s32 $0x3C00  }
0x1e: {  	[tilespmem:s24], [sflag:$0x1] =	stream.indirect.gather [hbm4b:s3+s11], $0x4, s23, s11, $0xb8;
	[tilespmem:$0x16800] =	vst v63  }
0x1f: {  	s25 =	simm.s32 $0x300;
	s26 =	simm.s32 $0x4000  }
0x20: {  	[tilespmem:s26], [sflag:$0x1] =	stream.indirect.gather [hbm4b:s3+s11], $0x4, s25, s11, $0xb8;
	[tilespmem:$0x16800] =	vst v63  }
0x21: {  	s28 =	simm.s32 $0x4400;
	s29 =	simm.s32 $0x380  }
0x22: {  	[tilespmem:s28], [sflag:$0x1] =	stream.indirect.gather [hbm4b:s3+s11], $0x4, s29, s11, $0xb8;
	[tilespmem:$0x16800] =	vst v63  }
0x23: {  	s30 =	simm.s32 $0x4800;
	s31 =	simm.s32 $0x400  }
0x24: {  	[tilespmem:s30], [sflag:$0x1] =	stream.indirect.gather [hbm4b:s3+s11], $0x4, s31, s11, $0xb8;
	[tilespmem:$0x16800] =	vst v63  }
0x25: {  	s17 =	simm.s32 $0x4C00;
	s18 =	simm.s32 $0x480  }
0x26: {  	[tilespmem:s17], [sflag:$0x1] =	stream.indirect.gather [hbm4b:s3+s11], $0x4, s18, s11, $0xb8;
	[tilespmem:$0x16800] =	vst v63  }
0x27: {  	s19 =	simm.s32 $0x500;
	s20 =	simm.s32 $0x5000  }
0x28: {  	[tilespmem:s20], [sflag:$0x1] =	stream.indirect.gather [hbm4b:s3+s11], $0x4, s19, s11, $0xb8;
	[tilespmem:$0x16800] =	vst v63  }
0x29: {  	s21 =	simm.s32 $0x580;
	s22 =	simm.s32 $0x5400  }
0x2a: {  	[tilespmem:s22], [sflag:$0x1] =	stream.indirect.gather [hbm4b:s3+s11], $0x4, s21, s11, $0xb8;
	[tilespmem:$0x16800] =	vst v63  }
0x2b: {  	s23 =	simm.s32 $0x5800;
	s24 =	simm.s32 $0x600  }
0x2c: {  	[tilespmem:s23], [sflag:$0x1] =	stream.indirect.gather [hbm4b:s3+s11], $0x4, s24, s11, $0xb8;
	[tilespmem:$0x16800] =	vst v63  }
0x2d: {  	s25 =	simm.s32 $0x5C00;
	s26 =	simm.s32 $0x680  }
0x2e: {  	[tilespmem:s25], [sflag:$0x1] =	stream.indirect.gather [hbm4b:s3+s11], $0x4, s26, s11, $0xb8;
	[tilespmem:$0x16800] =	vst v63  }
0x2f: {  	s28 =	simm.s32 $0x6000;
	s29 =	simm.s32 $0x700  }
0x30: {  	[tilespmem:s28], [sflag:$0x1] =	stream.indirect.gather [hbm4b:s3+s11], $0x4, s29, s11, $0xb8;
	[tilespmem:$0x16800] =	vst v63  }
0x31: {  	s30 =	simm.s32 $0x6400;
	s31 =	simm.s32 $0x780  }
0x32: {  	[tilespmem:s30], [sflag:$0x1] =	stream.indirect.gather [hbm4b:s3+s11], $0x4, s31, s11, $0xb8;
	[tilespmem:$0x16800] =	vst v63  }
0x33: {  	_ =	swait.ge [sflag:s12], $0x200  }
0x34: {  	[sflag:s12] =	ssyncset.done $0x0  }
0x35: {  	[sflag:s12] =	ssyncadd.s32 $0xFFFFFE00  }
0x36: {  	_ =	swait.ge [sflag:s12], $0x200  }
0x37: {  	[sflag:s12] =	ssyncset.done $0x0  }
0x38: {  	[sflag:s12] =	ssyncadd.s32 $0xFFFFFE00  }
0x39: {  	_ =	swait.ge [sflag:s12], $0x200  }
0x3a: {  	[sflag:s12] =	ssyncset.done $0x0  }
0x3b: {  	[sflag:s12] =	ssyncadd.s32 $0xFFFFFE00  }
0x3c: {  	_ =	swait.ge [sflag:s12], $0x200  }
0x3d: {  	[sflag:s12] =	ssyncset.done $0x0  }
0x3e: {  	[sflag:s12] =	ssyncadd.s32 $0xFFFFFE00  }
0x3f: {  	_ =	swait.ge [sflag:s12], $0x200  }
0x40: {  	[sflag:s12] =	ssyncset.done $0x0  }
0x41: {  	[sflag:s12] =	ssyncadd.s32 $0xFFFFFE00  }
0x42: {  	_ =	swait.ge [sflag:s12], $0x200  }
0x43: {  	[sflag:s12] =	ssyncset.done $0x0  }
0x44: {  	[sflag:s12] =	ssyncadd.s32 $0xFFFFFE00  }
0x45: {  	_ =	swait.ge [sflag:s12], $0x200  }
0x46: {  	[sflag:s12] =	ssyncset.done $0x0  }
0x47: {  	[sflag:s12] =	ssyncadd.s32 $0xFFFFFE00  }
0x48: {  	_ =	swait.ge [sflag:s12], $0x200  }
0x49: {  	[sflag:s12] =	ssyncset.done $0x0  }
0x4a: {  	[sflag:s12] =	ssyncadd.s32 $0xFFFFFE00  }
0x4b: {  	_ =	swait.ge [sflag:s12], $0x200  }
0x4c: {  	[sflag:s12] =	ssyncset.done $0x0  }
0x4d: {  	[sflag:s12] =	ssyncadd.s32 $0xFFFFFE00  }
0x4e: {  	_ =	swait.ge [sflag:s12], $0x200  }
0x4f: {  	[sflag:s12] =	ssyncset.done $0x0  }
0x50: {  	[sflag:s12] =	ssyncadd.s32 $0xFFFFFE00  }
0x51: {  	_ =	swait.ge [sflag:s12], $0x200  }
0x52: {  	[sflag:s12] =	ssyncset.done $0x0  }
0x53: {  	[sflag:s12] =	ssyncadd.s32 $0xFFFFFE00  }
0x54: {  	_ =	swait.ge [sflag:s12], $0x200  }
0x55: {  	[sflag:s12] =	ssyncset.done $0x0  }
0x56: {  	[sflag:s12] =	ssyncadd.s32 $0xFFFFFE00  }
0x57: {  	_ =	swait.ge [sflag:s12], $0x200  }
0x58: {  	[sflag:s12] =	ssyncset.done $0x0  }
0x59: {  	[sflag:s12] =	ssyncadd.s32 $0xFFFFFE00  }
0x5a: {  	_ =	swait.ge [sflag:s12], $0x200  }
0x5b: {  	[sflag:s12] =	ssyncset.done $0x0  }
0x5c: {  	[sflag:s12] =	ssyncadd.s32 $0xFFFFFE00  }
0x5d: {  	_ =	swait.ge [sflag:s12], $0x200  }
0x5e: {  	s15 =	simm.s32 $0xA400;
	[sflag:s12] =	ssyncset.done $0x0  }
0x5f: {  	s17 =	simm.s32 $0x2000;
	s18 =	simm.s32 $0xE400;
	[sflag:s12] =	ssyncadd.s32 $0xFFFFFE00  }
0x60: {  	s19 =	simm.s32 $0x6800;
	s22 =	simm.s32 $0x4000;
	_ =	swait.ge [sflag:s12], $0x200  }
0x61: {  	s23 =	simm.s32 $0x7000;
	s24 =	simm.s32 $0x6C00;
	[sflag:s12] =	ssyncset.done $0x0  }
.LBB2_3:
0x62: {  	s25 =	sadd.s32 $0xFFFFC400, s18  }
0x63: {  	s21 =	sshra.s32 s17, $0x2;
	[sflag:s12] =	ssyncadd.s32 $0xFFFFFE00;
	s17 =	smov.u32 s22  }
0x64: {  	[tilespmem:s19], [sflag:$0x1] =	stream.indirect.gather [hbm4b:s3+s11], $0x4, s21, s11, $0xb8;
	[tilespmem:$0x16800] =	vst v63  }
0x65: {  	s19 =	sadd.s32 $0x80, s21;
	s20 =	sadd.s32 $0x100, s21;
	s26 =	sadd.s32 $0x280, s21  }
0x66: {  	[tilespmem:s24], [sflag:$0x1] =	stream.indirect.gather [hbm4b:s3+s11], $0x4, s19, s11, $0xb8;
	[tilespmem:$0x16800] =	vst v63  }
0x67: {  	s28 =	sadd.s32 $0x500, s21;
	s29 =	sadd.s32 $0x580, s21;
	s24 =	sadd.s32 $0x300, s21  }
0x68: {  	[tilespmem:s23], [sflag:$0x1] =	stream.indirect.gather [hbm4b:s3+s11], $0x4, s20, s11, $0xb8;
	[tilespmem:$0x16800] =	vst v63  }
0x69: {  	s19 =	sadd.s32 $0xFFFFD000, s15;
	s20 =	sadd.s32 $0x180, s21;
	s23 =	sadd.s32 $0x780, s21  }
0x6a: {  	[tilespmem:s19], [sflag:$0x1] =	stream.indirect.gather [hbm4b:s3+s11], $0x4, s20, s11, $0xb8;
	[tilespmem:$0x16800] =	vst v63  }
0x6b: {  	s30 =	sadd.s32 $0x200, s21;
	s20 =	sadd.s32 $0x2000, s22;
	s19 =	sadd.s32 $0xFFFFD400, s15  }
0x6c: {  	[tilespmem:s19], [sflag:$0x1] =	stream.indirect.gather [hbm4b:s3+s11], $0x4, s30, s11, $0xb8;
	[tilespmem:$0x16800] =	vst v63  }
0x6d: {  	p0 =	sne.s32 s22, $0x8000;
	s22 =	sadd.s32 $0xFFFFD800, s15;
	s19 =	smov.u32 s25  }
0x6e: {  	[tilespmem:s22], [sflag:$0x1] =	stream.indirect.gather [hbm4b:s3+s11], $0x4, s26, s11, $0xb8;
	[tilespmem:$0x16800] =	vst v63  }
0x6f: {  	s22 =	sadd.s32 $0xFFFFDC00, s15  }
0x70: {  	[tilespmem:s22], [sflag:$0x1] =	stream.indirect.gather [hbm4b:s3+s11], $0x4, s24, s11, $0xb8;
	[tilespmem:$0x16800] =	vst v63  }
0x71: {  	s22 =	sadd.s32 $0xFFFFE000, s15;
	s24 =	sadd.s32 $0x380, s21  }
0x72: {  	[tilespmem:s22], [sflag:$0x1] =	stream.indirect.gather [hbm4b:s3+s11], $0x4, s24, s11, $0xb8;
	[tilespmem:$0x16800] =	vst v63  }
0x73: {  	s22 =	sadd.s32 $0xFFFFE400, s15;
	s24 =	sadd.s32 $0x400, s21  }
0x74: {  	[tilespmem:s22], [sflag:$0x1] =	stream.indirect.gather [hbm4b:s3+s11], $0x4, s24, s11, $0xb8;
	[tilespmem:$0x16800] =	vst v63  }
0x75: {  	s22 =	sadd.s32 $0xFFFFE800, s15;
	s24 =	sadd.s32 $0x480, s21  }
0x76: {  	[tilespmem:s22], [sflag:$0x1] =	stream.indirect.gather [hbm4b:s3+s11], $0x4, s24, s11, $0xb8;
	[tilespmem:$0x16800] =	vst v63  }
0x77: {  	s22 =	sadd.s32 $0xFFFFEC00, s15  }
0x78: {  	[tilespmem:s22], [sflag:$0x1] =	stream.indirect.gather [hbm4b:s3+s11], $0x4, s28, s11, $0xb8;
	[tilespmem:$0x16800] =	vst v63  }
0x79: {  	s22 =	sadd.s32 $0xFFFFF000, s15  }
0x7a: {  	[tilespmem:s22], [sflag:$0x1] =	stream.indirect.gather [hbm4b:s3+s11], $0x4, s29, s11, $0xb8;
	[tilespmem:$0x16800] =	vst v63  }
0x7b: {  	s24 =	sadd.s32 $0x600, s21;
	s22 =	sadd.s32 $0xFFFFF400, s15  }
0x7c: {  	[tilespmem:s22], [sflag:$0x1] =	stream.indirect.gather [hbm4b:s3+s11], $0x4, s24, s11, $0xb8;
	[tilespmem:$0x16800] =	vst v63  }
0x7d: {  	s22 =	sadd.s32 $0xFFFFF800, s15;
	s24 =	sadd.s32 $0x680, s21  }
0x7e: {  	[tilespmem:s22], [sflag:$0x1] =	stream.indirect.gather [hbm4b:s3+s11], $0x4, s24, s11, $0xb8;
	[tilespmem:$0x16800] =	vst v63  }
0x7f: {  	s21 =	sadd.s32 $0x700, s21;
	s22 =	sadd.s32 $0xFFFFFC00, s15  }
0x80: {  	[tilespmem:s22], [sflag:$0x1] =	stream.indirect.gather [hbm4b:s3+s11], $0x4, s21, s11, $0xb8;
	[tilespmem:$0x16800] =	vst v63  }
0x81: {  	_ = 	snop  }
0x82: {  	[tilespmem:s15], [sflag:$0x1] =	stream.indirect.gather [hbm4b:s3+s11], $0x4, s23, s11, $0xb8;
	[tilespmem:$0x16800] =	vst v63  }
0x83: {  	s15 =	smov.u32 s18;
	_ =	swait.ge [sflag:s12], $0x200  }
0x84: {  	[sflag:s12] =	ssyncset.done $0x0  }
0x85: {  	[sflag:s12] =	ssyncadd.s32 $0xFFFFFE00  }
0x86: {  	_ =	swait.ge [sflag:s12], $0x200  }
0x87: {  	[sflag:s12] =	ssyncset.done $0x0  }
0x88: {  	[sflag:s12] =	ssyncadd.s32 $0xFFFFFE00  }
0x89: {  	_ =	swait.ge [sflag:s12], $0x200  }
0x8a: {  	[sflag:s12] =	ssyncset.done $0x0  }
0x8b: {  	[sflag:s12] =	ssyncadd.s32 $0xFFFFFE00  }
0x8c: {  	_ =	swait.ge [sflag:s12], $0x200  }
0x8d: {  	[sflag:s12] =	ssyncset.done $0x0  }
0x8e: {  	[sflag:s12] =	ssyncadd.s32 $0xFFFFFE00  }
0x8f: {  	_ =	swait.ge [sflag:s12], $0x200  }
0x90: {  	[sflag:s12] =	ssyncset.done $0x0  }
0x91: {  	[sflag:s12] =	ssyncadd.s32 $0xFFFFFE00  }
0x92: {  	_ =	swait.ge [sflag:s12], $0x200  }
0x93: {  	[sflag:s12] =	ssyncset.done $0x0  }
0x94: {  	[sflag:s12] =	ssyncadd.s32 $0xFFFFFE00  }
0x95: {  	_ =	swait.ge [sflag:s12], $0x200  }
0x96: {  	[sflag:s12] =	ssyncset.done $0x0  }
0x97: {  	[sflag:s12] =	ssyncadd.s32 $0xFFFFFE00  }
0x98: {  	_ =	swait.ge [sflag:s12], $0x200  }
0x99: {  	[sflag:s12] =	ssyncset.done $0x0  }
0x9a: {  	[sflag:s12] =	ssyncadd.s32 $0xFFFFFE00  }
0x9b: {  	_ =	swait.ge [sflag:s12], $0x200  }
0x9c: {  	[sflag:s12] =	ssyncset.done $0x0  }
0x9d: {  	[sflag:s12] =	ssyncadd.s32 $0xFFFFFE00  }
0x9e: {  	_ =	swait.ge [sflag:s12], $0x200  }
0x9f: {  	[sflag:s12] =	ssyncset.done $0x0  }
0xa0: {  	[sflag:s12] =	ssyncadd.s32 $0xFFFFFE00  }
0xa1: {  	_ =	swait.ge [sflag:s12], $0x200  }
0xa2: {  	[sflag:s12] =	ssyncset.done $0x0  }
0xa3: {  	[sflag:s12] =	ssyncadd.s32 $0xFFFFFE00  }
0xa4: {  	_ =	swait.ge [sflag:s12], $0x200  }
0xa5: {  	[sflag:s12] =	ssyncset.done $0x0  }
0xa6: {  	[sflag:s12] =	ssyncadd.s32 $0xFFFFFE00  }
0xa7: {  	_ =	swait.ge [sflag:s12], $0x200  }
0xa8: {  	[sflag:s12] =	ssyncset.done $0x0  }
0xa9: {  	[sflag:s12] =	ssyncadd.s32 $0xFFFFFE00  }
0xaa: {  	_ =	swait.ge [sflag:s12], $0x200  }
0xab: {  	[sflag:s12] =	ssyncset.done $0x0  }
0xac: {  	[sflag:s12] =	ssyncadd.s32 $0xFFFFFE00  }
.Ltmp0:
0xad: {  	_ =	swait.ge [sflag:s12], $0x200;
	(pc) =	sbr.rel @p0 .LBB2_3-.Ltmp0, $4  }
0xae: {  	[sflag:s12] =	ssyncset.done $0x0  }
0xaf: {  	[sflag:s12] =	ssyncadd.s32 $0xFFFFFE00  }
0xb0: {  	s22 =	smov.u32 s20;
	s23 =	sadd.s32 $0xFFFFCC00, s18;
	_ =	swait.ge [sflag:s12], $0x200  }
0xb1: {  	s18 =	sadd.s32 $0x4000, s18;
	s24 =	sadd.s32 $0xFFFFC800, s15;
	[sflag:s12] =	ssyncset.done $0x0  }
0xb2: {  	s17 =	sshra.s32 s17, $0x2;
	[sflag:s12] =	ssyncadd.s32 $0xFFFFFE00  }
0xb3: {  	[tilespmem:s19], [sflag:$0x1] =	stream.indirect.gather [hbm4b:s3+s11], $0x4, s17, s11, $0xb8;
	[tilespmem:$0x16800] =	vst v63  }
0xb4: {  	s18 =	sadd.s32 $0x80, s17  }
0xb5: {  	[tilespmem:s24], [sflag:$0x1] =	stream.indirect.gather [hbm4b:s3+s11], $0x4, s18, s11, $0xb8;
	[tilespmem:$0x16800] =	vst v63  }
0xb6: {  	s29 =	sadd.s32 $0x100, s17  }
0xb7: {  	[tilespmem:s23], [sflag:$0x1] =	stream.indirect.gather [hbm4b:s3+s11], $0x4, s29, s11, $0xb8;
	[tilespmem:$0x16800] =	vst v63  }
0xb8: {  	s30 =	sadd.s32 $0xFFFFD000, s15;
	s31 =	sadd.s32 $0x180, s17  }
0xb9: {  	[tilespmem:s30], [sflag:$0x1] =	stream.indirect.gather [hbm4b:s3+s11], $0x4, s31, s11, $0xb8;
	[tilespmem:$0x16800] =	vst v63  }
0xba: {  	s19 =	sadd.s32 $0xFFFFD400, s15;
	s20 =	sadd.s32 $0x200, s17  }
0xbb: {  	[tilespmem:s19], [sflag:$0x1] =	stream.indirect.gather [hbm4b:s3+s11], $0x4, s20, s11, $0xb8;
	[tilespmem:$0x16800] =	vst v63  }
0xbc: {  	s22 =	sadd.s32 $0xFFFFD800, s15;
	s21 =	sadd.s32 $0x280, s17  }
0xbd: {  	[tilespmem:s22], [sflag:$0x1] =	stream.indirect.gather [hbm4b:s3+s11], $0x4, s21, s11, $0xb8;
	[tilespmem:$0x16800] =	vst v63  }
0xbe: {  	s24 =	sadd.s32 $0xFFFFDC00, s15;
	s23 =	sadd.s32 $0x300, s17  }
0xbf: {  	[tilespmem:s24], [sflag:$0x1] =	stream.indirect.gather [hbm4b:s3+s11], $0x4, s23, s11, $0xb8;
	[tilespmem:$0x16800] =	vst v63  }
0xc0: {  	s25 =	sadd.s32 $0xFFFFE000, s15;
	s26 =	sadd.s32 $0x380, s17  }
0xc1: {  	[tilespmem:s25], [sflag:$0x1] =	stream.indirect.gather [hbm4b:s3+s11], $0x4, s26, s11, $0xb8;
	[tilespmem:$0x16800] =	vst v63  }
0xc2: {  	s28 =	sadd.s32 $0xFFFFE400, s15;
	s29 =	sadd.s32 $0x400, s17  }
0xc3: {  	[tilespmem:s28], [sflag:$0x1] =	stream.indirect.gather [hbm4b:s3+s11], $0x4, s29, s11, $0xb8;
	[tilespmem:$0x16800] =	vst v63  }
0xc4: {  	s30 =	sadd.s32 $0xFFFFE800, s15;
	s31 =	sadd.s32 $0x480, s17  }
0xc5: {  	[tilespmem:s30], [sflag:$0x1] =	stream.indirect.gather [hbm4b:s3+s11], $0x4, s31, s11, $0xb8;
	[tilespmem:$0x16800] =	vst v63  }
0xc6: {  	s19 =	sadd.s32 $0x500, s17;
	s20 =	sadd.s32 $0xFFFFEC00, s15  }
0xc7: {  	[tilespmem:s20], [sflag:$0x1] =	stream.indirect.gather [hbm4b:s3+s11], $0x4, s19, s11, $0xb8;
	[tilespmem:$0x16800] =	vst v63  }
0xc8: {  	s21 =	sadd.s32 $0x580, s17;
	s22 =	sadd.s32 $0xFFFFF000, s15  }
0xc9: {  	[tilespmem:s22], [sflag:$0x1] =	stream.indirect.gather [hbm4b:s3+s11], $0x4, s21, s11, $0xb8;
	[tilespmem:$0x16800] =	vst v63  }
0xca: {  	s23 =	sadd.s32 $0xFFFFF400, s15;
	s24 =	sadd.s32 $0x600, s17  }
0xcb: {  	[tilespmem:s23], [sflag:$0x1] =	stream.indirect.gather [hbm4b:s3+s11], $0x4, s24, s11, $0xb8;
	[tilespmem:$0x16800] =	vst v63  }
0xcc: {  	s25 =	sadd.s32 $0xFFFFF800, s15;
	s26 =	sadd.s32 $0x680, s17  }
0xcd: {  	[tilespmem:s25], [sflag:$0x1] =	stream.indirect.gather [hbm4b:s3+s11], $0x4, s26, s11, $0xb8;
	[tilespmem:$0x16800] =	vst v63  }
0xce: {  	s28 =	sadd.s32 $0xFFFFFC00, s15;
	s29 =	sadd.s32 $0x700, s17  }
0xcf: {  	[tilespmem:s28], [sflag:$0x1] =	stream.indirect.gather [hbm4b:s3+s11], $0x4, s29, s11, $0xb8;
	[tilespmem:$0x16800] =	vst v63  }
0xd0: {  	s17 =	sadd.s32 $0x780, s17  }
0xd1: {  	[tilespmem:s15], [sflag:$0x1] =	stream.indirect.gather [hbm4b:s3+s11], $0x4, s17, s11, $0xb8;
	[tilespmem:$0x16800] =	vst v63  }
0xd2: {  	_ =	swait.ge [sflag:s12], $0x200  }
0xd3: {  	[sflag:s12] =	ssyncset.done $0x0  }
0xd4: {  	[sflag:s12] =	ssyncadd.s32 $0xFFFFFE00  }
0xd5: {  	_ =	swait.ge [sflag:s12], $0x200  }
0xd6: {  	[sflag:s12] =	ssyncset.done $0x0  }
0xd7: {  	[sflag:s12] =	ssyncadd.s32 $0xFFFFFE00  }
0xd8: {  	_ =	swait.ge [sflag:s12], $0x200  }
0xd9: {  	[sflag:s12] =	ssyncset.done $0x0  }
0xda: {  	[sflag:s12] =	ssyncadd.s32 $0xFFFFFE00  }
0xdb: {  	_ =	swait.ge [sflag:s12], $0x200  }
0xdc: {  	[sflag:s12] =	ssyncset.done $0x0  }
0xdd: {  	[sflag:s12] =	ssyncadd.s32 $0xFFFFFE00  }
0xde: {  	_ =	swait.ge [sflag:s12], $0x200  }
0xdf: {  	[sflag:s12] =	ssyncset.done $0x0  }
0xe0: {  	[sflag:s12] =	ssyncadd.s32 $0xFFFFFE00  }
0xe1: {  	_ =	swait.ge [sflag:s12], $0x200  }
0xe2: {  	[sflag:s12] =	ssyncset.done $0x0  }
0xe3: {  	[sflag:s12] =	ssyncadd.s32 $0xFFFFFE00  }
0xe4: {  	_ =	swait.ge [sflag:s12], $0x200  }
0xe5: {  	[sflag:s12] =	ssyncset.done $0x0  }
0xe6: {  	[sflag:s12] =	ssyncadd.s32 $0xFFFFFE00  }
0xe7: {  	_ =	swait.ge [sflag:s12], $0x200  }
0xe8: {  	[sflag:s12] =	ssyncset.done $0x0  }
0xe9: {  	[sflag:s12] =	ssyncadd.s32 $0xFFFFFE00  }
0xea: {  	_ =	swait.ge [sflag:s12], $0x200  }
0xeb: {  	[sflag:s12] =	ssyncset.done $0x0  }
0xec: {  	[sflag:s12] =	ssyncadd.s32 $0xFFFFFE00  }
0xed: {  	_ =	swait.ge [sflag:s12], $0x200  }
0xee: {  	[sflag:s12] =	ssyncset.done $0x0  }
0xef: {  	[sflag:s12] =	ssyncadd.s32 $0xFFFFFE00  }
0xf0: {  	_ =	swait.ge [sflag:s12], $0x200  }
0xf1: {  	[sflag:s12] =	ssyncset.done $0x0  }
0xf2: {  	[sflag:s12] =	ssyncadd.s32 $0xFFFFFE00  }
0xf3: {  	_ =	swait.ge [sflag:s12], $0x200  }
0xf4: {  	[sflag:s12] =	ssyncset.done $0x0  }
0xf5: {  	[sflag:s12] =	ssyncadd.s32 $0xFFFFFE00  }
0xf6: {  	_ =	swait.ge [sflag:s12], $0x200  }
0xf7: {  	[sflag:s12] =	ssyncset.done $0x0  }
0xf8: {  	[sflag:s12] =	ssyncadd.s32 $0xFFFFFE00  }
0xf9: {  	_ =	swait.ge [sflag:s12], $0x200  }
0xfa: {  	[sflag:s12] =	ssyncset.done $0x0  }
0xfb: {  	[sflag:s12] =	ssyncadd.s32 $0xFFFFFE00  }
0xfc: {  	_ =	swait.ge [sflag:s12], $0x200  }
0xfd: {  	[sflag:s12] =	ssyncset.done $0x0  }
0xfe: {  	s30 =	smul.u32 $0x2800, s16;
	[sflag:s12] =	ssyncadd.s32 $0xFFFFFE00  }
0xff: {  	s16 =	sadd.s32 $0x1, s16;
	_ =	swait.ge [sflag:s12], $0x200  }
0x100: {  	p0 =	sne.s32 s16, $0x5;
	s31 =	sadd.s32 s30, s7;
	[sflag:s12] =	ssyncset.done $0x0  }
.Ltmp1:
0x101: {  	s15 =	simm.s32 $0x0;
	[sflag:s12] =	ssyncadd.s32 $0xFFFFFE00;
	(pc) =	sbr.rel @p0 .LBB2_2-.Ltmp1, $4  }
0x102: {  	[hbm4b:s31+s15] =	stream.linear.scatter [tilespmem:s13], [sflag:$0x2], $0x14000, $0x38;
	[tilespmem:$0x16800] =	vst v63  }
0x103: {  	_ =	swait.ge [sflag:s10], $0x14000  }
0x104: {  	[sflag:s10] =	ssyncset.done $0x0  }
0x105: {  	[sflag:s10] =	ssyncadd.s32 $0xFFFEC000  }
0x106: {  	s16 =	simm.s32 $0x0  }
.LBB2_6:
0x107: {  	s17 =	smul.u32 $0x50, s16;
	_ =	sdelay $0x1  }
0x108: {  	s17 =	sadd.s32 s6, s17  }
0x109: {  	s17 =	sshll.u32 s17, $0x4  }
0x10a: {  	s17 =	sadd.s32 s5, s17  }
0x10b: {  	[tilespmem:s15], [sflag:$0x2] =	stream.linear.gather [hbm4b:s17+s15], $0x2800, $0x38;
	[tilespmem:$0x16800] =	vst v63  }
0x10c: {  	_ =	swait.ge [sflag:s10], $0x2800  }
0x10d: {  	[sflag:s10] =	ssyncset.done $0x0  }
0x10e: {  	s24 =	simm.s32 $0x2800;
	s18 =	simm.s32 $0x0;
	[sflag:s10] =	ssyncadd.s32 $0xFFFFD800  }
0x10f: {  	[tilespmem:s24], [sflag:$0x1] =	stream.indirect.gather [hbm4b:s3+s11], $0x4, s18, s11, $0xb8;
	[tilespmem:$0x16800] =	vst v63  }
0x110: {  	s25 =	simm.s32 $0x2C00;
	s26 =	simm.s32 $0x80  }
0x111: {  	[tilespmem:s25], [sflag:$0x1] =	stream.indirect.gather [hbm4b:s3+s11], $0x4, s26, s11, $0xb8;
	[tilespmem:$0x16800] =	vst v63  }
0x112: {  	s28 =	simm.s32 $0x3000;
	s29 =	simm.s32 $0x100  }
0x113: {  	[tilespmem:s28], [sflag:$0x1] =	stream.indirect.gather [hbm4b:s3+s11], $0x4, s29, s11, $0xb8;
	[tilespmem:$0x16800] =	vst v63  }
0x114: {  	s30 =	simm.s32 $0x3400;
	s31 =	simm.s32 $0x180  }
0x115: {  	[tilespmem:s30], [sflag:$0x1] =	stream.indirect.gather [hbm4b:s3+s11], $0x4, s31, s11, $0xb8;
	[tilespmem:$0x16800] =	vst v63  }
0x116: {  	s19 =	simm.s32 $0x3800;
	s20 =	simm.s32 $0x200  }
0x117: {  	[tilespmem:s19], [sflag:$0x1] =	stream.indirect.gather [hbm4b:s3+s11], $0x4, s20, s11, $0xb8;
	[tilespmem:$0x16800] =	vst v63  }
0x118: {  	s21 =	simm.s32 $0x280;
	s22 =	simm.s32 $0x3C00  }
0x119: {  	[tilespmem:s22], [sflag:$0x1] =	stream.indirect.gather [hbm4b:s3+s11], $0x4, s21, s11, $0xb8;
	[tilespmem:$0x16800] =	vst v63  }
0x11a: {  	s23 =	simm.s32 $0x300;
	s24 =	simm.s32 $0x4000  }
0x11b: {  	[tilespmem:s24], [sflag:$0x1] =	stream.indirect.gather [hbm4b:s3+s11], $0x4, s23, s11, $0xb8;
	[tilespmem:$0x16800] =	vst v63  }
0x11c: {  	s25 =	simm.s32 $0x4400;
	s26 =	simm.s32 $0x380  }
0x11d: {  	[tilespmem:s25], [sflag:$0x1] =	stream.indirect.gather [hbm4b:s3+s11], $0x4, s26, s11, $0xb8;
	[tilespmem:$0x16800] =	vst v63  }
0x11e: {  	s28 =	simm.s32 $0x4800;
	s29 =	simm.s32 $0x400  }
0x11f: {  	[tilespmem:s28], [sflag:$0x1] =	stream.indirect.gather [hbm4b:s3+s11], $0x4, s29, s11, $0xb8;
	[tilespmem:$0x16800] =	vst v63  }
0x120: {  	s30 =	simm.s32 $0x4C00;
	s31 =	simm.s32 $0x480  }
0x121: {  	[tilespmem:s30], [sflag:$0x1] =	stream.indirect.gather [hbm4b:s3+s11], $0x4, s31, s11, $0xb8;
	[tilespmem:$0x16800] =	vst v63  }
0x122: {  	s19 =	simm.s32 $0x500;
	s20 =	simm.s32 $0x5000  }
0x123: {  	[tilespmem:s20], [sflag:$0x1] =	stream.indirect.gather [hbm4b:s3+s11], $0x4, s19, s11, $0xb8;
	[tilespmem:$0x16800] =	vst v63  }
0x124: {  	s21 =	simm.s32 $0x580;
	s22 =	simm.s32 $0x5400  }
0x125: {  	[tilespmem:s22], [sflag:$0x1] =	stream.indirect.gather [hbm4b:s3+s11], $0x4, s21, s11, $0xb8;
	[tilespmem:$0x16800] =	vst v63  }
0x126: {  	s23 =	simm.s32 $0x5800;
	s24 =	simm.s32 $0x600  }
0x127: {  	[tilespmem:s23], [sflag:$0x1] =	stream.indirect.gather [hbm4b:s3+s11], $0x4, s24, s11, $0xb8;
	[tilespmem:$0x16800] =	vst v63  }
0x128: {  	s25 =	simm.s32 $0x5C00;
	s26 =	simm.s32 $0x680  }
0x129: {  	[tilespmem:s25], [sflag:$0x1] =	stream.indirect.gather [hbm4b:s3+s11], $0x4, s26, s11, $0xb8;
	[tilespmem:$0x16800] =	vst v63  }
0x12a: {  	s28 =	simm.s32 $0x6000;
	s29 =	simm.s32 $0x700  }
0x12b: {  	[tilespmem:s28], [sflag:$0x1] =	stream.indirect.gather [hbm4b:s3+s11], $0x4, s29, s11, $0xb8;
	[tilespmem:$0x16800] =	vst v63  }
0x12c: {  	s30 =	simm.s32 $0x6400;
	s31 =	simm.s32 $0x780  }
0x12d: {  	[tilespmem:s30], [sflag:$0x1] =	stream.indirect.gather [hbm4b:s3+s11], $0x4, s31, s11, $0xb8;
	[tilespmem:$0x16800] =	vst v63  }
0x12e: {  	_ =	swait.ge [sflag:s12], $0x200  }
0x12f: {  	[sflag:s12] =	ssyncset.done $0x0  }
0x130: {  	[sflag:s12] =	ssyncadd.s32 $0xFFFFFE00  }
0x131: {  	_ =	swait.ge [sflag:s12], $0x200  }
0x132: {  	[sflag:s12] =	ssyncset.done $0x0  }
0x133: {  	[sflag:s12] =	ssyncadd.s32 $0xFFFFFE00  }
0x134: {  	_ =	swait.ge [sflag:s12], $0x200  }
0x135: {  	[sflag:s12] =	ssyncset.done $0x0  }
0x136: {  	[sflag:s12] =	ssyncadd.s32 $0xFFFFFE00  }
0x137: {  	_ =	swait.ge [sflag:s12], $0x200  }
0x138: {  	[sflag:s12] =	ssyncset.done $0x0  }
0x139: {  	[sflag:s12] =	ssyncadd.s32 $0xFFFFFE00  }
0x13a: {  	_ =	swait.ge [sflag:s12], $0x200  }
0x13b: {  	[sflag:s12] =	ssyncset.done $0x0  }
0x13c: {  	[sflag:s12] =	ssyncadd.s32 $0xFFFFFE00  }
0x13d: {  	_ =	swait.ge [sflag:s12], $0x200  }
0x13e: {  	[sflag:s12] =	ssyncset.done $0x0  }
0x13f: {  	[sflag:s12] =	ssyncadd.s32 $0xFFFFFE00  }
0x140: {  	_ =	swait.ge [sflag:s12], $0x200  }
0x141: {  	[sflag:s12] =	ssyncset.done $0x0  }
0x142: {  	[sflag:s12] =	ssyncadd.s32 $0xFFFFFE00  }
0x143: {  	_ =	swait.ge [sflag:s12], $0x200  }
0x144: {  	[sflag:s12] =	ssyncset.done $0x0  }
0x145: {  	[sflag:s12] =	ssyncadd.s32 $0xFFFFFE00  }
0x146: {  	_ =	swait.ge [sflag:s12], $0x200  }
0x147: {  	[sflag:s12] =	ssyncset.done $0x0  }
0x148: {  	[sflag:s12] =	ssyncadd.s32 $0xFFFFFE00  }
0x149: {  	_ =	swait.ge [sflag:s12], $0x200  }
0x14a: {  	[sflag:s12] =	ssyncset.done $0x0  }
0x14b: {  	[sflag:s12] =	ssyncadd.s32 $0xFFFFFE00  }
0x14c: {  	_ =	swait.ge [sflag:s12], $0x200  }
0x14d: {  	[sflag:s12] =	ssyncset.done $0x0  }
0x14e: {  	[sflag:s12] =	ssyncadd.s32 $0xFFFFFE00  }
0x14f: {  	_ =	swait.ge [sflag:s12], $0x200  }
0x150: {  	[sflag:s12] =	ssyncset.done $0x0  }
0x151: {  	[sflag:s12] =	ssyncadd.s32 $0xFFFFFE00  }
0x152: {  	_ =	swait.ge [sflag:s12], $0x200  }
0x153: {  	[sflag:s12] =	ssyncset.done $0x0  }
0x154: {  	[sflag:s12] =	ssyncadd.s32 $0xFFFFFE00  }
0x155: {  	_ =	swait.ge [sflag:s12], $0x200  }
0x156: {  	[sflag:s12] =	ssyncset.done $0x0  }
0x157: {  	[sflag:s12] =	ssyncadd.s32 $0xFFFFFE00  }
0x158: {  	_ =	swait.ge [sflag:s12], $0x200  }
0x159: {  	s17 =	simm.s32 $0xA400;
	[sflag:s12] =	ssyncset.done $0x0  }
0x15a: {  	s18 =	simm.s32 $0x2000;
	s20 =	simm.s32 $0x6800;
	[sflag:s12] =	ssyncadd.s32 $0xFFFFFE00  }
0x15b: {  	s19 =	simm.s32 $0xE400;
	s23 =	simm.s32 $0x4000;
	_ =	swait.ge [sflag:s12], $0x200  }
0x15c: {  	s24 =	simm.s32 $0x7000;
	s25 =	simm.s32 $0x6C00;
	[sflag:s12] =	ssyncset.done $0x0  }
.LBB2_7:
0x15d: {  	s26 =	sadd.s32 $0xFFFFC400, s19  }
0x15e: {  	s22 =	sshra.s32 s18, $0x2;
	[sflag:s12] =	ssyncadd.s32 $0xFFFFFE00;
	s18 =	smov.u32 s23  }
0x15f: {  	[tilespmem:s20], [sflag:$0x1] =	stream.indirect.gather [hbm4b:s3+s11], $0x4, s22, s11, $0xb8;
	[tilespmem:$0x16800] =	vst v63  }
0x160: {  	s20 =	sadd.s32 $0x80, s22;
	s21 =	sadd.s32 $0x100, s22;
	s28 =	sadd.s32 $0x280, s22  }
0x161: {  	[tilespmem:s25], [sflag:$0x1] =	stream.indirect.gather [hbm4b:s3+s11], $0x4, s20, s11, $0xb8;
	[tilespmem:$0x16800] =	vst v63  }
0x162: {  	s29 =	sadd.s32 $0x500, s22;
	s30 =	sadd.s32 $0x580, s22;
	s25 =	sadd.s32 $0x300, s22  }
0x163: {  	[tilespmem:s24], [sflag:$0x1] =	stream.indirect.gather [hbm4b:s3+s11], $0x4, s21, s11, $0xb8;
	[tilespmem:$0x16800] =	vst v63  }
0x164: {  	s20 =	sadd.s32 $0xFFFFD000, s17;
	s21 =	sadd.s32 $0x180, s22;
	s24 =	sadd.s32 $0x780, s22  }
0x165: {  	[tilespmem:s20], [sflag:$0x1] =	stream.indirect.gather [hbm4b:s3+s11], $0x4, s21, s11, $0xb8;
	[tilespmem:$0x16800] =	vst v63  }
0x166: {  	s31 =	sadd.s32 $0x200, s22;
	s21 =	sadd.s32 $0x2000, s23;
	s20 =	sadd.s32 $0xFFFFD400, s17  }
0x167: {  	[tilespmem:s20], [sflag:$0x1] =	stream.indirect.gather [hbm4b:s3+s11], $0x4, s31, s11, $0xb8;
	[tilespmem:$0x16800] =	vst v63  }
0x168: {  	p0 =	sne.s32 s23, $0x8000;
	s23 =	sadd.s32 $0xFFFFD800, s17;
	s20 =	smov.u32 s26  }
0x169: {  	[tilespmem:s23], [sflag:$0x1] =	stream.indirect.gather [hbm4b:s3+s11], $0x4, s28, s11, $0xb8;
	[tilespmem:$0x16800] =	vst v63  }
0x16a: {  	s23 =	sadd.s32 $0xFFFFDC00, s17  }
0x16b: {  	[tilespmem:s23], [sflag:$0x1] =	stream.indirect.gather [hbm4b:s3+s11], $0x4, s25, s11, $0xb8;
	[tilespmem:$0x16800] =	vst v63  }
0x16c: {  	s23 =	sadd.s32 $0xFFFFE000, s17;
	s25 =	sadd.s32 $0x380, s22  }
0x16d: {  	[tilespmem:s23], [sflag:$0x1] =	stream.indirect.gather [hbm4b:s3+s11], $0x4, s25, s11, $0xb8;
	[tilespmem:$0x16800] =	vst v63  }
0x16e: {  	s23 =	sadd.s32 $0xFFFFE400, s17;
	s25 =	sadd.s32 $0x400, s22  }
0x16f: {  	[tilespmem:s23], [sflag:$0x1] =	stream.indirect.gather [hbm4b:s3+s11], $0x4, s25, s11, $0xb8;
	[tilespmem:$0x16800] =	vst v63  }
0x170: {  	s23 =	sadd.s32 $0xFFFFE800, s17;
	s25 =	sadd.s32 $0x480, s22  }
0x171: {  	[tilespmem:s23], [sflag:$0x1] =	stream.indirect.gather [hbm4b:s3+s11], $0x4, s25, s11, $0xb8;
	[tilespmem:$0x16800] =	vst v63  }
0x172: {  	s23 =	sadd.s32 $0xFFFFEC00, s17  }
0x173: {  	[tilespmem:s23], [sflag:$0x1] =	stream.indirect.gather [hbm4b:s3+s11], $0x4, s29, s11, $0xb8;
	[tilespmem:$0x16800] =	vst v63  }
0x174: {  	s23 =	sadd.s32 $0xFFFFF000, s17  }
0x175: {  	[tilespmem:s23], [sflag:$0x1] =	stream.indirect.gather [hbm4b:s3+s11], $0x4, s30, s11, $0xb8;
	[tilespmem:$0x16800] =	vst v63  }
0x176: {  	s25 =	sadd.s32 $0x600, s22;
	s23 =	sadd.s32 $0xFFFFF400, s17  }
0x177: {  	[tilespmem:s23], [sflag:$0x1] =	stream.indirect.gather [hbm4b:s3+s11], $0x4, s25, s11, $0xb8;
	[tilespmem:$0x16800] =	vst v63  }
0x178: {  	s23 =	sadd.s32 $0xFFFFF800, s17;
	s25 =	sadd.s32 $0x680, s22  }
0x179: {  	[tilespmem:s23], [sflag:$0x1] =	stream.indirect.gather [hbm4b:s3+s11], $0x4, s25, s11, $0xb8;
	[tilespmem:$0x16800] =	vst v63  }
0x17a: {  	s22 =	sadd.s32 $0x700, s22;
	s23 =	sadd.s32 $0xFFFFFC00, s17  }
0x17b: {  	[tilespmem:s23], [sflag:$0x1] =	stream.indirect.gather [hbm4b:s3+s11], $0x4, s22, s11, $0xb8;
	[tilespmem:$0x16800] =	vst v63  }
0x17c: {  	_ = 	snop  }
0x17d: {  	[tilespmem:s17], [sflag:$0x1] =	stream.indirect.gather [hbm4b:s3+s11], $0x4, s24, s11, $0xb8;
	[tilespmem:$0x16800] =	vst v63  }
0x17e: {  	s17 =	smov.u32 s19;
	_ =	swait.ge [sflag:s12], $0x200  }
0x17f: {  	[sflag:s12] =	ssyncset.done $0x0  }
0x180: {  	[sflag:s12] =	ssyncadd.s32 $0xFFFFFE00  }
0x181: {  	_ =	swait.ge [sflag:s12], $0x200  }
0x182: {  	[sflag:s12] =	ssyncset.done $0x0  }
0x183: {  	[sflag:s12] =	ssyncadd.s32 $0xFFFFFE00  }
0x184: {  	_ =	swait.ge [sflag:s12], $0x200  }
0x185: {  	[sflag:s12] =	ssyncset.done $0x0  }
0x186: {  	[sflag:s12] =	ssyncadd.s32 $0xFFFFFE00  }
0x187: {  	_ =	swait.ge [sflag:s12], $0x200  }
0x188: {  	[sflag:s12] =	ssyncset.done $0x0  }
0x189: {  	[sflag:s12] =	ssyncadd.s32 $0xFFFFFE00  }
0x18a: {  	_ =	swait.ge [sflag:s12], $0x200  }
0x18b: {  	[sflag:s12] =	ssyncset.done $0x0  }
0x18c: {  	[sflag:s12] =	ssyncadd.s32 $0xFFFFFE00  }
0x18d: {  	_ =	swait.ge [sflag:s12], $0x200  }
0x18e: {  	[sflag:s12] =	ssyncset.done $0x0  }
0x18f: {  	[sflag:s12] =	ssyncadd.s32 $0xFFFFFE00  }
0x190: {  	_ =	swait.ge [sflag:s12], $0x200  }
0x191: {  	[sflag:s12] =	ssyncset.done $0x0  }
0x192: {  	[sflag:s12] =	ssyncadd.s32 $0xFFFFFE00  }
0x193: {  	_ =	swait.ge [sflag:s12], $0x200  }
0x194: {  	[sflag:s12] =	ssyncset.done $0x0  }
0x195: {  	[sflag:s12] =	ssyncadd.s32 $0xFFFFFE00  }
0x196: {  	_ =	swait.ge [sflag:s12], $0x200  }
0x197: {  	[sflag:s12] =	ssyncset.done $0x0  }
0x198: {  	[sflag:s12] =	ssyncadd.s32 $0xFFFFFE00  }
0x199: {  	_ =	swait.ge [sflag:s12], $0x200  }
0x19a: {  	[sflag:s12] =	ssyncset.done $0x0  }
0x19b: {  	[sflag:s12] =	ssyncadd.s32 $0xFFFFFE00  }
0x19c: {  	_ =	swait.ge [sflag:s12], $0x200  }
0x19d: {  	[sflag:s12] =	ssyncset.done $0x0  }
0x19e: {  	[sflag:s12] =	ssyncadd.s32 $0xFFFFFE00  }
0x19f: {  	_ =	swait.ge [sflag:s12], $0x200  }
0x1a0: {  	[sflag:s12] =	ssyncset.done $0x0  }
0x1a1: {  	[sflag:s12] =	ssyncadd.s32 $0xFFFFFE00  }
0x1a2: {  	_ =	swait.ge [sflag:s12], $0x200  }
0x1a3: {  	[sflag:s12] =	ssyncset.done $0x0  }
0x1a4: {  	[sflag:s12] =	ssyncadd.s32 $0xFFFFFE00  }
0x1a5: {  	_ =	swait.ge [sflag:s12], $0x200  }
0x1a6: {  	[sflag:s12] =	ssyncset.done $0x0  }
0x1a7: {  	[sflag:s12] =	ssyncadd.s32 $0xFFFFFE00  }
.Ltmp2:
0x1a8: {  	_ =	swait.ge [sflag:s12], $0x200;
	(pc) =	sbr.rel @p0 .LBB2_7-.Ltmp2, $4  }
0x1a9: {  	[sflag:s12] =	ssyncset.done $0x0  }
0x1aa: {  	[sflag:s12] =	ssyncadd.s32 $0xFFFFFE00  }
0x1ab: {  	s23 =	smov.u32 s21;
	s24 =	sadd.s32 $0xFFFFCC00, s19;
	_ =	swait.ge [sflag:s12], $0x200  }
0x1ac: {  	s19 =	sadd.s32 $0x4000, s19;
	s25 =	sadd.s32 $0xFFFFC800, s17;
	[sflag:s12] =	ssyncset.done $0x0  }
0x1ad: {  	s18 =	sshra.s32 s18, $0x2;
	[sflag:s12] =	ssyncadd.s32 $0xFFFFFE00  }
0x1ae: {  	[tilespmem:s20], [sflag:$0x1] =	stream.indirect.gather [hbm4b:s3+s11], $0x4, s18, s11, $0xb8;
	[tilespmem:$0x16800] =	vst v63  }
0x1af: {  	s19 =	sadd.s32 $0x80, s18  }
0x1b0: {  	[tilespmem:s25], [sflag:$0x1] =	stream.indirect.gather [hbm4b:s3+s11], $0x4, s19, s11, $0xb8;
	[tilespmem:$0x16800] =	vst v63  }
0x1b1: {  	s26 =	sadd.s32 $0x100, s18  }
0x1b2: {  	[tilespmem:s24], [sflag:$0x1] =	stream.indirect.gather [hbm4b:s3+s11], $0x4, s26, s11, $0xb8;
	[tilespmem:$0x16800] =	vst v63  }
0x1b3: {  	s28 =	sadd.s32 $0xFFFFD000, s17;
	s29 =	sadd.s32 $0x180, s18  }
0x1b4: {  	[tilespmem:s28], [sflag:$0x1] =	stream.indirect.gather [hbm4b:s3+s11], $0x4, s29, s11, $0xb8;
	[tilespmem:$0x16800] =	vst v63  }
0x1b5: {  	s30 =	sadd.s32 $0xFFFFD400, s17;
	s31 =	sadd.s32 $0x200, s18  }
0x1b6: {  	[tilespmem:s30], [sflag:$0x1] =	stream.indirect.gather [hbm4b:s3+s11], $0x4, s31, s11, $0xb8;
	[tilespmem:$0x16800] =	vst v63  }
0x1b7: {  	s22 =	sadd.s32 $0xFFFFD800, s17;
	s21 =	sadd.s32 $0x280, s18  }
0x1b8: {  	[tilespmem:s22], [sflag:$0x1] =	stream.indirect.gather [hbm4b:s3+s11], $0x4, s21, s11, $0xb8;
	[tilespmem:$0x16800] =	vst v63  }
0x1b9: {  	s23 =	sadd.s32 $0x300, s18;
	s24 =	sadd.s32 $0xFFFFDC00, s17  }
0x1ba: {  	[tilespmem:s24], [sflag:$0x1] =	stream.indirect.gather [hbm4b:s3+s11], $0x4, s23, s11, $0xb8;
	[tilespmem:$0x16800] =	vst v63  }
0x1bb: {  	s25 =	sadd.s32 $0xFFFFE000, s17;
	s26 =	sadd.s32 $0x380, s18  }
0x1bc: {  	[tilespmem:s25], [sflag:$0x1] =	stream.indirect.gather [hbm4b:s3+s11], $0x4, s26, s11, $0xb8;
	[tilespmem:$0x16800] =	vst v63  }
0x1bd: {  	s28 =	sadd.s32 $0xFFFFE400, s17;
	s29 =	sadd.s32 $0x400, s18  }
0x1be: {  	[tilespmem:s28], [sflag:$0x1] =	stream.indirect.gather [hbm4b:s3+s11], $0x4, s29, s11, $0xb8;
	[tilespmem:$0x16800] =	vst v63  }
0x1bf: {  	s30 =	sadd.s32 $0xFFFFE800, s17;
	s31 =	sadd.s32 $0x480, s18  }
0x1c0: {  	[tilespmem:s30], [sflag:$0x1] =	stream.indirect.gather [hbm4b:s3+s11], $0x4, s31, s11, $0xb8;
	[tilespmem:$0x16800] =	vst v63  }
0x1c1: {  	s20 =	sadd.s32 $0x500, s18;
	s21 =	sadd.s32 $0xFFFFEC00, s17  }
0x1c2: {  	[tilespmem:s21], [sflag:$0x1] =	stream.indirect.gather [hbm4b:s3+s11], $0x4, s20, s11, $0xb8;
	[tilespmem:$0x16800] =	vst v63  }
0x1c3: {  	s22 =	sadd.s32 $0x580, s18;
	s23 =	sadd.s32 $0xFFFFF000, s17  }
0x1c4: {  	[tilespmem:s23], [sflag:$0x1] =	stream.indirect.gather [hbm4b:s3+s11], $0x4, s22, s11, $0xb8;
	[tilespmem:$0x16800] =	vst v63  }
0x1c5: {  	s24 =	sadd.s32 $0xFFFFF400, s17;
	s25 =	sadd.s32 $0x600, s18  }
0x1c6: {  	[tilespmem:s24], [sflag:$0x1] =	stream.indirect.gather [hbm4b:s3+s11], $0x4, s25, s11, $0xb8;
	[tilespmem:$0x16800] =	vst v63  }
0x1c7: {  	s26 =	sadd.s32 $0xFFFFF800, s17;
	s28 =	sadd.s32 $0x680, s18  }
0x1c8: {  	[tilespmem:s26], [sflag:$0x1] =	stream.indirect.gather [hbm4b:s3+s11], $0x4, s28, s11, $0xb8;
	[tilespmem:$0x16800] =	vst v63  }
0x1c9: {  	s29 =	sadd.s32 $0xFFFFFC00, s17;
	s30 =	sadd.s32 $0x700, s18  }
0x1ca: {  	[tilespmem:s29], [sflag:$0x1] =	stream.indirect.gather [hbm4b:s3+s11], $0x4, s30, s11, $0xb8;
	[tilespmem:$0x16800] =	vst v63  }
0x1cb: {  	s18 =	sadd.s32 $0x780, s18  }
0x1cc: {  	[tilespmem:s17], [sflag:$0x1] =	stream.indirect.gather [hbm4b:s3+s11], $0x4, s18, s11, $0xb8;
	[tilespmem:$0x16800] =	vst v63  }
0x1cd: {  	_ =	swait.ge [sflag:s12], $0x200  }
0x1ce: {  	[sflag:s12] =	ssyncset.done $0x0  }
0x1cf: {  	[sflag:s12] =	ssyncadd.s32 $0xFFFFFE00  }
0x1d0: {  	_ =	swait.ge [sflag:s12], $0x200  }
0x1d1: {  	[sflag:s12] =	ssyncset.done $0x0  }
0x1d2: {  	[sflag:s12] =	ssyncadd.s32 $0xFFFFFE00  }
0x1d3: {  	_ =	swait.ge [sflag:s12], $0x200  }
0x1d4: {  	[sflag:s12] =	ssyncset.done $0x0  }
0x1d5: {  	[sflag:s12] =	ssyncadd.s32 $0xFFFFFE00  }
0x1d6: {  	_ =	swait.ge [sflag:s12], $0x200  }
0x1d7: {  	[sflag:s12] =	ssyncset.done $0x0  }
0x1d8: {  	[sflag:s12] =	ssyncadd.s32 $0xFFFFFE00  }
0x1d9: {  	_ =	swait.ge [sflag:s12], $0x200  }
0x1da: {  	[sflag:s12] =	ssyncset.done $0x0  }
0x1db: {  	[sflag:s12] =	ssyncadd.s32 $0xFFFFFE00  }
0x1dc: {  	_ =	swait.ge [sflag:s12], $0x200  }
0x1dd: {  	[sflag:s12] =	ssyncset.done $0x0  }
0x1de: {  	[sflag:s12] =	ssyncadd.s32 $0xFFFFFE00  }
0x1df: {  	_ =	swait.ge [sflag:s12], $0x200  }
0x1e0: {  	[sflag:s12] =	ssyncset.done $0x0  }
0x1e1: {  	[sflag:s12] =	ssyncadd.s32 $0xFFFFFE00  }
0x1e2: {  	_ =	swait.ge [sflag:s12], $0x200  }
0x1e3: {  	[sflag:s12] =	ssyncset.done $0x0  }
0x1e4: {  	[sflag:s12] =	ssyncadd.s32 $0xFFFFFE00  }
0x1e5: {  	_ =	swait.ge [sflag:s12], $0x200  }
0x1e6: {  	[sflag:s12] =	ssyncset.done $0x0  }
0x1e7: {  	[sflag:s12] =	ssyncadd.s32 $0xFFFFFE00  }
0x1e8: {  	_ =	swait.ge [sflag:s12], $0x200  }
0x1e9: {  	[sflag:s12] =	ssyncset.done $0x0  }
0x1ea: {  	[sflag:s12] =	ssyncadd.s32 $0xFFFFFE00  }
0x1eb: {  	_ =	swait.ge [sflag:s12], $0x200  }
0x1ec: {  	[sflag:s12] =	ssyncset.done $0x0  }
0x1ed: {  	[sflag:s12] =	ssyncadd.s32 $0xFFFFFE00  }
0x1ee: {  	_ =	swait.ge [sflag:s12], $0x200  }
0x1ef: {  	[sflag:s12] =	ssyncset.done $0x0  }
0x1f0: {  	[sflag:s12] =	ssyncadd.s32 $0xFFFFFE00  }
0x1f1: {  	_ =	swait.ge [sflag:s12], $0x200  }
0x1f2: {  	[sflag:s12] =	ssyncset.done $0x0  }
0x1f3: {  	[sflag:s12] =	ssyncadd.s32 $0xFFFFFE00  }
0x1f4: {  	_ =	swait.ge [sflag:s12], $0x200  }
0x1f5: {  	[sflag:s12] =	ssyncset.done $0x0  }
0x1f6: {  	[sflag:s12] =	ssyncadd.s32 $0xFFFFFE00  }
0x1f7: {  	_ =	swait.ge [sflag:s12], $0x200  }
0x1f8: {  	[sflag:s12] =	ssyncset.done $0x0  }
0x1f9: {  	[sflag:s12] =	ssyncadd.s32 $0xFFFFFE00  }
0x1fa: {  	s31 =	smul.u32 $0x2800, s16;
	s16 =	sadd.s32 $0x1, s16;
	_ =	swait.ge [sflag:s12], $0x200  }
0x1fb: {  	p0 =	sne.s32 s16, $0x5;
	[sflag:s12] =	ssyncset.done $0x0  }
.Ltmp3:
0x1fc: {  	s17 =	sadd.s32 s31, s8;
	[sflag:s12] =	ssyncadd.s32 $0xFFFFFE00;
	(pc) =	sbr.rel @p0 .LBB2_6-.Ltmp3, $4  }
0x1fd: {  	[hbm4b:s17+s2] =	stream.linear.scatter [tilespmem:s13], [sflag:$0x2], $0x14000, $0x38;
	[tilespmem:$0x16800] =	vst v63  }
0x1fe: {  	_ =	swait.ge [sflag:s10], $0x14000  }
0x1ff: {  	[sflag:s10] =	ssyncset.done $0x0  }
0x200: {  	[sflag:s10] =	ssyncadd.s32 $0xFFFEC000  }
0x201: {  	s14 =	sadd.s32 $0x1, s14  }
0x202: {  	p0 =	sne.s32 s14, s9  }
.Ltmp4:
0x203: {  	_ = 	snop;
	(pc) =	sbr.rel @p0 .LBB2_1-.Ltmp4, $1  }
0x204: {  	_ =	sdelay $0x3  }
0x205: {  	_ =	sfence.sel $0x180000  }
0x206: {  	[bflag:$0x0] =	sbarrier.arrive $0xFFFF  }
0x207: {  	p0 =	sne.s32 s1, $0x0;
	_ =	strace $0x90000047  }
0x208: {  	s0 =	sadd.s32 @!p0 $0x100000, s0;
	[bflag:$0x2] =	sbarrier.arrive $0xFFFF  }
0x209: {  	[sflag:s0] =	ssyncadd.tile.s32 @!p0 $0x1;
	_ =	shalt  }
.Lfunc_end2:
_tile_overlayer_lowered:
.L_overlay_start_2:
0x20a: {  	(tag) =	ssettag $0x2  }
0x20b: {  	s0 =	rddreg [dreg:$0x0];
	s2 =	stileid.u32  }
0x20c: {  	s1 =	rddreg [dreg:$0x1];
	p0 =	sne.s32 s2, $0x0  }
0x20d: {  	s3 =	rddreg [dreg:$0x2];
	[bflag:$0x3] =	sbarrier.arrive $0xFFFF;
	s2 =	simm.s32 @!p0 $0x1C02  }
0x20e: {  	[timem:s3], [sflag:s2] =	dma.local @!p0 [hbm:s0], s1  }
0x20f: {  	s0 =	simm.s32 @!p0 $0x2  }
0x210: {  	_ =	swait.ge @!p0 [sflag:s0], s1  }
0x211: {  	s1 =	ssub.s32 @!p0 $0x0, s1;
	[sflag:s0] =	ssyncset.done @!p0 $0x0  }
0x212: {  	[sflag:s0] =	ssyncadd.s32 @!p0 s1  }
0x213: {  	[bflag:$0x3] =	sbarrier.arrive $0xFFFF  }
0x214: {  	_ =	shalt  }

// kernel: kernel.9.cloned.1.call-start
scs
__scs_entry_jumppad:
0x0: {  	(pc) =	sbr.rel $0x88, $3  }
0x1: {  	(tag) =	ssettag $0x0;
	lr =	simm.s32 $0x1  }
0x2: {  	[smem:$0x3F8A] =	sst lr;
	_ =	strace $0xD0000000  }
0x3: {  	_ = 	snop  }
0x4: {  	_ = 	snop  }
0x5: {  	_ = 	snop  }
0x6: {  	_ = 	snop  }
0x7: {  	_ = 	snop  }
__scs_overlays_trampoline_lowered:
0x8: {  	[smem:$0x3F99] =	sst s0  }
0x9: {  	[smem:$0x3F9A] =	sst s1  }
0xa: {  	[smem:$0x3F9B] =	sst s2  }
0xb: {  	[smem:$0x3F9C] =	sst s3  }
0xc: {  	[smem:$0x3F9D] =	sst s4  }
0xd: {  	[smem:$0x3F9E] =	sst s5  }
0xe: {  	[smem:$0x3F9F] =	sst s6  }
0xf: {  	[smem:$0x3FA0] =	sst s7  }
0x10: {  	[smem:$0x3FA1] =	sst s8  }
0x11: {  	[smem:$0x3FA2] =	sst s9;
	s0 =	simm.s32 @!p0 $0x0  }
0x12: {  	s1 =	sld [smem:$0x3F88];
	s0 =	simm.s32 @p0 $0x1  }
0x13: {  	[smem:$0x3FA3] =	sst s0;
	s0 =	simm.s32 @!p1 $0x0  }
0x14: {  	s2 =	sld [smem:$0x3F87];
	s0 =	simm.s32 @p1 $0x1  }
0x15: {  	[smem:$0x3FA4] =	sst s0;
	s0 =	simm.s32 @!p2 $0x0  }
0x16: {  	s3 =	sld [smem:$0x3FDB];
	s0 =	simm.s32 @p2 $0x1  }
0x17: {  	s4 =	simm.s32 $0x1BF5;
	[smem:$0x3FA6] =	sst s0  }
0x18: {  	s0 =	sld [smem:$0x3F89];
	_ =	swait.ge [sflag:s4], $0x0  }
0x19: {  	s7 =	sld [smem:$0x3F8A]  }
0x1a: {  	s8 =	sadd.s32 $0xFFFFE003, lr  }
0x1b: {  	s9 =	sadd.s32 $0xFFFFFEF7, lr;
	s5 =	simm.s32 $0xFFFFFFFF;
	p2 =	slt.u32 s8, $0xFFFFF086  }
0x1c: {  	p1 =	slt.u32 s9, $0xF7A;
	s5 =	simm.s32 @!p2 $0x0  }
0x1d: {  	s5 =	simm.s32 @p1 $0x1;
	p0 =	seq.s32 s7, s2  }
0x1e: {  	s7 =	smul.u32 @!p0 $0xF7A, s2;
	p2 =	seq.s32 @!p0 s5, $0x0  }
0x1f: {  	s9 =	smul.u32 $0xF7A, s1;
	s8 =	simm.s32 @!p0 $0x1BF5;
	p2 =	por !p2, p0  }
0x20: {  	[sflag:s8] =	ssyncset.s32 @!p0 $0xFFFFF086;
	s6 =	sadd.s32 @!p0 s3, s7;
	s7 =	simm.s32 @!p0 $0x108  }
0x21: {  	s3 =	sadd.s32 s3, s9;
	s6 =	sadd.s32 @!p0 $0x88, s6;
	s7 =	simm.s32 @p2 $0x1082  }
0x22: {  	[simem:s7], [sflag:s8] =	dma.local @!p0 [hbm:s6], $0xF7A  }
0x23: {  	s9 =	sor.u32 $0xD0000000, s2;
	s6 =	simm.s32 $0x108;
	_ =	swait.ge @!p0 [sflag:s8], $0x0  }
0x24: {  	s3 =	sadd.s32 $0x88, s3;
	s6 =	simm.s32 @!p1 $0x1082;
	[sflag:s4] =	ssyncset.s32 $0xFFFFF086  }
0x25: {  	[simem:s6], [sflag:s4] =	dma.local [hbm:s3], $0xF7A  }
0x26: {  	[smem:$0x3F8A] =	sst s1;
	(tag) =	ssettag s2;
	_ =	strace s9  }
0x27: {  	s1 =	sld [smem:$0x3F9A]  }
0x28: {  	s2 =	sld [smem:$0x3F9B]  }
0x29: {  	s4 =	sld [smem:$0x3F9D]  }
0x2a: {  	p0 =	seq.s32 s5, $0x0;
	s5 =	sld [smem:$0x3F9E]  }
0x2b: {  	s6 =	sld [smem:$0x3F9F]  }
0x2c: {  	s7 =	sld [smem:$0x3FA0]  }
0x2d: {  	s3 =	simm.s32 $0x108;
	s8 =	sld [smem:$0x3FA1]  }
0x2e: {  	s3 =	simm.s32 @!p0 $0x1082;
	s9 =	sld [smem:$0x3FA2]  }
0x2f: {  	lr =	sadd.s32 s0, s3;
	s0 =	sld [smem:$0x3F99]  }
0x30: {  	s3 =	sld [smem:$0x3F9C]  }
0x31: {  	[smem:$0x3FA5] =	sst s10  }
0x32: {  	s10 =	sld [smem:$0x3FA3];
	_ =	sdelay $0x3  }
0x33: {  	p0 =	seq.s32 s10, $0x1;
	s10 =	sld [smem:$0x3FA5];
	_ =	sdelay $0x3  }
0x34: {  	[smem:$0x3FA5] =	sst s10  }
0x35: {  	s10 =	sld [smem:$0x3FA4];
	_ =	sdelay $0x3  }
0x36: {  	p1 =	seq.s32 s10, $0x1;
	s10 =	sld [smem:$0x3FA5];
	_ =	sdelay $0x3  }
0x37: {  	[smem:$0x3FA5] =	sst s10  }
0x38: {  	s10 =	sld [smem:$0x3FA6]  }
0x39: {  	_ = 	snop;
	(pc) =	sbr.ind lr, $3  }
0x3a: {  	_ = 	snop  }
0x3b: {  	_ = 	snop  }
0x3c: {  	p2 =	seq.s32 s10, $0x1;
	s10 =	sld [smem:$0x3FA5]  }
0x3d: {  	_ =	shalt  }
0x3e: {  	_ =	shalt  }
0x3f: {  	_ =	shalt  }
0x40: {  	_ =	shalt  }
0x41: {  	_ =	shalt  }
0x42: {  	_ =	shalt  }
0x43: {  	_ =	shalt  }
0x44: {  	_ =	shalt  }
0x45: {  	_ =	shalt  }
0x46: {  	_ =	shalt  }
0x47: {  	_ =	shalt  }
0x48: {  	_ =	shalt  }
0x49: {  	_ =	shalt  }
0x4a: {  	_ =	shalt  }
0x4b: {  	_ =	shalt  }
0x4c: {  	_ =	shalt  }
0x4d: {  	_ =	shalt  }
0x4e: {  	_ =	shalt  }
0x4f: {  	_ =	shalt  }
0x50: {  	_ =	shalt  }
0x51: {  	_ =	shalt  }
0x52: {  	_ =	shalt  }
0x53: {  	_ =	shalt  }
0x54: {  	_ =	shalt  }
0x55: {  	_ =	shalt  }
0x56: {  	_ =	shalt  }
0x57: {  	_ =	shalt  }
0x58: {  	_ =	shalt  }
0x59: {  	_ =	shalt  }
0x5a: {  	_ =	shalt  }
0x5b: {  	_ =	shalt  }
0x5c: {  	_ =	shalt  }
0x5d: {  	_ =	shalt  }
0x5e: {  	_ =	shalt  }
0x5f: {  	_ =	shalt  }
0x60: {  	_ =	shalt  }
0x61: {  	_ =	shalt  }
0x62: {  	_ =	shalt  }
0x63: {  	_ =	shalt  }
0x64: {  	_ =	shalt  }
0x65: {  	_ =	shalt  }
0x66: {  	_ =	shalt  }
0x67: {  	_ =	shalt  }
0x68: {  	_ =	shalt  }
0x69: {  	_ =	shalt  }
0x6a: {  	_ =	shalt  }
0x6b: {  	_ =	shalt  }
0x6c: {  	_ =	shalt  }
0x6d: {  	_ =	shalt  }
0x6e: {  	_ =	shalt  }
0x6f: {  	_ =	shalt  }
0x70: {  	_ =	shalt  }
0x71: {  	_ =	shalt  }
0x72: {  	_ =	shalt  }
0x73: {  	_ =	shalt  }
0x74: {  	_ =	shalt  }
0x75: {  	_ =	shalt  }
0x76: {  	_ =	shalt  }
0x77: {  	_ =	shalt  }
0x78: {  	_ =	shalt  }
0x79: {  	_ =	shalt  }
0x7a: {  	_ =	shalt  }
0x7b: {  	_ =	shalt  }
0x7c: {  	_ =	shalt  }
0x7d: {  	_ =	shalt  }
0x7e: {  	_ =	shalt  }
0x7f: {  	_ =	shalt  }
0x80: {  	_ =	shalt  }
0x81: {  	_ =	shalt  }
0x82: {  	_ =	shalt  }
0x83: {  	_ =	shalt  }
0x84: {  	_ =	shalt  }
0x85: {  	_ =	shalt  }
0x86: {  	_ =	shalt  }
0x87: {  	_ =	shalt  }
.Lfunc_end0:
.L_simem_size_0:
called_computation.1_lowered:
.L_overlay_start_0:
0x88: {  	s2 =	sld [smem:$0x3FD9]  }
0x89: {  	s3 =	sld [smem:$0x3FFE];
	_ =	sdelay $0x1  }
0x8a: {  	s1 =	srdreg.scid  }
0x8b: {  	s0 =	sand.u32 $0x1, s1  }
0x8c: {  	s17 =	sshll.u32 s0, $0xA;
	s2 =	sadd.s32 s3, s2  }
0x8d: {  	s2 =	sadd.s32 s2, s17  }
0x8e: {  	[smem:$0x3FB1] =	sst s2  }
0x8f: {  	_ = 	snop  }
0x90: {  	s2 =	sld [smem:$0x3FD0];
	(tm) =	ssettm $0x1  }
0x91: {  	s18 =	sld [smem:$0x3FFB];
	_ =	sdelay $0x3  }
0x92: {  	_ =	strace s18  }
0x93: {  	s3 =	sld [smem:$0x3FFC];
	_ =	sdelay $0x3  }
0x94: {  	_ =	strace s3  }
0x95: {  	s3 =	sld [smem:$0x3FFD];
	_ =	sdelay $0x3  }
0x96: {  	_ =	strace s3  }
0x97: {  	_ =	strace $0x8FFFFFFF  }
0x98: {  	s19 =	sld [smem:$0x3FDB];
	_ =	sdelay $0x1  }
0x99: {  	s4 =	simm.s32 $_scs_section_size  }
0x9a: {  	s5 =	simm.s32 $_size__tile_overlayer_lowered;
	s6 =	simm.s32 $_tile_overlayer_lowered  }
0x9b: {  	s22 =	simm.s32 $0x1BFF;
	s21 =	sshll.u32 s6, $0x1;
	s3 =	sadd.s32 s4, s19  }
0x9c: {  	s7 =	simm.s32 $0x0;
	s20 =	sshll.u32 s5, $0x1;
	s5 =	sadd.s32 s21, s3  }
0x9d: {  	[timem:s7], [sflag:s22] =	dma.local [hbm:s5], s20  }
0x9e: {  	_ =	swait.ge [sflag:s22], s20  }
0x9f: {  	s4 =	ssub.s32 $0x0, s20;
	[sflag:s22] =	ssyncset.done $0x0  }
0xa0: {  	[sflag:s22] =	ssyncadd.s32 s4;
	_ =	sdelay $0x1  }
0xa1: {  	s23 =	simm.s32 $0x1B8B  }
0xa2: {  	_ =	swait.ge [sflag:s23], $0x1  }
0xa3: {  	[sflag:s23] =	ssyncset.done $0x0  }
0xa4: {  	s25 =	simm.s32 $0x1B8E;
	s24 =	sld [smem:$0x3FFE];
	[sflag:s23] =	ssyncadd.s32 $0xFFFFFFFF  }
0xa5: {  	s26 =	simm.s32 $execute0_lowered;
	[smem:$0x3FD2] =	sst s25  }
0xa6: {  	s5 =	sshll.u32 s26, $0x1;
	_ =	strace $0x80000049;
	[dreg:$0x1] =	wrdreg $0xFFFFFFFF  }
0xa7: {  	s28 =	simm.s32 $_size_execute0_lowered;
	s3 =	sadd.s32 s3, s5;
	[dreg:$0x0] =	wrdreg $0x0  }
0xa8: {  	s5 =	sshll.u32 s28, $0x1;
	[dreg:$0x2] =	wrdreg s3  }
0xa9: {  	[dreg:$0x3] =	wrdreg s5  }
0xaa: {  	[dreg:$0x4] =	wrdreg $0xC0  }
0xab: {  	_ =	task [dreg:s7], $0x5FFFF  }
0xac: {  	[dreg:$0x1] =	wrdreg $0xFFFFFFFF  }
0xad: {  	[dreg:$0x0] =	wrdreg $0x60  }
0xae: {  	[dreg:$0x2] =	wrdreg s24  }
0xaf: {  	[dreg:$0x3] =	wrdreg s2  }
0xb0: {  	[dreg:$0x4] =	wrdreg $0xE6000  }
0xb1: {  	[dreg:$0x5] =	wrdreg $0x9  }
0xb2: {  	_ =	task.clear_ibuf [dreg:s7], $0x6FFFF;
	_ =	strace $0x90000049  }
0xb3: {  	s29 =	simm.s32 $0x9;
	_ =	strace $0x8000004B  }
0xb4: {  	_ =	swait.ge [sflag:s29], $0x1  }
0xb5: {  	[sflag:s29] =	ssyncadd.s32 $0xFFFFFFFF  }
0xb6: {  	_ =	strace $0x9000004B  }
0xb7: {  	_ =	sfence  }
0xb8: {  	s30 =	sld [smem:$0x0];
	_ =	sdelay $0x2  }
0xb9: {  	s31 =	sshll.u32 s1, $0xD;
	s1 =	sshrl.u32 s1, $0x2  }
0xba: {  	s3 =	sand.u32 $0x4000, s31;
	s1 =	sadd.s32 s1, s30  }
0xbb: {  	s0 =	sor.u32 s3, s0;
	s1 =	sshll.u32 s1, $0x11  }
0xbc: {  	s0 =	sor.u32 s1, s0  }
0xbd: {  	s0 =	sadd.s32 $0x8F2B, s0  }
0xbe: {  	[sflag:s0] =	ssyncadd.remote.s32 $0x1  }
0xbf: {  	_ =	sfence.sel $0xFFFF  }
0xc0: {  	[dreg:$0x0] =	wrdreg $0xFFFFFFFF;
	(pc) =	sbr.abs _section_cstart, $3  }
0xc1: {  	[dreg:$0x1] =	wrdreg $0xFFFFFFFF  }
0xc2: {  	_ =	task.clear_ibuf [dreg:s7], $0x2FFFF;
	_ =	strace $0x9FFFFFFF  }
0xc3: {  	(tm) =	ssettm $0x7FFFFFFF  }
tec
execute0_lowered:
.L_overlay_start_1:
0x0: {  	(tag) =	ssettag $0x1  }
0x1: {  	s2 =	rddreg [dreg:$0x0]  }
0x2: {  	s3 =	rddreg [dreg:$0x2];
	s4 =	simm.s32 $0x0  }
0x3: {  	s12 =	simm.s32 $0x1800;
	[smem:$0x7FF] =	sst s4  }
0x4: {  	s13 =	simm.s32 $0x100;
	_ =	strace $0x8000004A;
	[dreg:$0x5] =	wrdreg s12  }
0x5: {  	s14 =	simm.s32 $0x1C00;
	[dreg:$0x6] =	wrdreg s13  }
0x6: {  	s15 =	simm.s32 $0x180;
	[dreg:$0x7] =	wrdreg s14  }
0x7: {  	s16 =	simm.s32 $0x2000;
	[dreg:$0x8] =	wrdreg s15  }
0x8: {  	s17 =	simm.s32 $0x200;
	[dreg:$0x9] =	wrdreg s16  }
0x9: {  	s18 =	simm.s32 $0x2400;
	[dreg:$0xa] =	wrdreg s17  }
0xa: {  	s19 =	simm.s32 $0x280;
	[dreg:$0xb] =	wrdreg s18  }
0xb: {  	s20 =	simm.s32 $0x2800;
	[dreg:$0xc] =	wrdreg s19  }
0xc: {  	s21 =	simm.s32 $0x300;
	[dreg:$0xd] =	wrdreg s20  }
0xd: {  	s22 =	simm.s32 $0x2C00;
	[dreg:$0xe] =	wrdreg s21  }
0xe: {  	s23 =	simm.s32 $0x380;
	[dreg:$0xf] =	wrdreg s22  }
0xf: {  	s24 =	simm.s32 $0x3000;
	[dreg:$0x10] =	wrdreg s23  }
0x10: {  	s25 =	simm.s32 $0x400;
	[dreg:$0x11] =	wrdreg s24  }
0x11: {  	s26 =	simm.s32 $0x3400;
	[dreg:$0x12] =	wrdreg s25  }
0x12: {  	s6 =	simm.s32 $0x3800;
	[dreg:$0x13] =	wrdreg s26  }
0x13: {  	s7 =	simm.s32 $0x500;
	[dreg:$0x15] =	wrdreg s6  }
0x14: {  	s9 =	simm.s32 $0x3C00;
	[dreg:$0x16] =	wrdreg s7  }
0x15: {  	s10 =	simm.s32 $0x580;
	[dreg:$0x17] =	wrdreg s9  }
0x16: {  	s11 =	simm.s32 $0x4000;
	[dreg:$0x18] =	wrdreg s10  }
0x17: {  	[dreg:$0x19] =	wrdreg s11;
	s12 =	simm.s32 $0x600  }
0x18: {  	s13 =	simm.s32 $0x4400;
	[dreg:$0x1a] =	wrdreg s12  }
0x19: {  	s14 =	simm.s32 $0x680;
	[dreg:$0x1b] =	wrdreg s13  }
0x1a: {  	s15 =	simm.s32 $0x4800;
	[dreg:$0x1c] =	wrdreg s14  }
0x1b: {  	s17 =	simm.s32 $0x700;
	[dreg:$0x1d] =	wrdreg s15  }
0x1c: {  	s7 =	simm.s32 $0x4C00;
	[dreg:$0x1e] =	wrdreg s17  }
0x1d: {  	s18 =	simm.s32 $0x780;
	[dreg:$0x1f] =	wrdreg s7  }
0x1e: {  	s19 =	simm.s32 $0x5000;
	[smem:$0x7D6] =	sst s18  }
0x1f: {  	s21 =	simm.s32 $0x800;
	[smem:$0x7D7] =	sst s19  }
0x20: {  	s23 =	simm.s32 $0x5400;
	[smem:$0x7D8] =	sst s21  }
0x21: {  	s8 =	stileid.u32;
	s24 =	simm.s32 $0x880;
	[smem:$0x7D9] =	sst s23  }
0x22: {  	s0 =	srdreg.scid;
	s25 =	simm.s32 $0x5800;
	[smem:$0x7DA] =	sst s24  }
0x23: {  	s28 =	simm.s32 $0x9400;
	s26 =	simm.s32 $0x900;
	[smem:$0x7DB] =	sst s25  }
0x24: {  	s29 =	simm.s32 $0x1080;
	s9 =	simm.s32 $0x5C00;
	[smem:$0x7DC] =	sst s26  }
0x25: {  	s30 =	simm.s32 $0x9800;
	s10 =	simm.s32 $0x980;
	[smem:$0x7DD] =	sst s9  }
0x26: {  	s31 =	simm.s32 $0x1100;
	s11 =	simm.s32 $0x6000;
	[smem:$0x7DE] =	sst s10  }
0x27: {  	s1 =	smul.u32 $0x3200, s8;
	[smem:$0x7E0] =	sst s11;
	s12 =	simm.s32 $0xA00  }
0x28: {  	s0 =	sand.u32 $0x1, s0;
	s15 =	simm.s32 $0x6400;
	[smem:$0x7E1] =	sst s12  }
0x29: {  	s5 =	smul.u32 $0x1900, s0;
	s17 =	simm.s32 $0xA80;
	[smem:$0x7E2] =	sst s15  }
0x2a: {  	s16 =	smul.u32 $0x19000, s8;
	s18 =	simm.s32 $0x6800;
	[smem:$0x7E3] =	sst s17  }
0x2b: {  	s6 =	smul.u32 $0x19000, s0;
	s21 =	simm.s32 $0xB00;
	[smem:$0x7E4] =	sst s18  }
0x2c: {  	s20 =	ssub.s32 $0x2, s0;
	s23 =	simm.s32 $0xB80;
	[smem:$0x7E5] =	sst s21  }
0x2d: {  	s0 =	smul.u32 $0xC800, s0;
	s25 =	simm.s32 $0x7000;
	[smem:$0x7E7] =	sst s23  }
0x2e: {  	s1 =	sadd.s32 s1, s2;
	s26 =	simm.s32 $0xC00;
	[smem:$0x7E8] =	sst s25  }
0x2f: {  	s22 =	sshrl.u32 s20, $0x1;
	s11 =	simm.s32 $0x7400;
	[smem:$0x7E9] =	sst s26  }
0x30: {  	s1 =	sadd.s32 s5, s1;
	s5 =	simm.s32 $0x480;
	[smem:$0x7EB] =	sst s11  }
0x31: {  	s7 =	smul.u32 $0x1900, s8;
	s12 =	simm.s32 $0xC80;
	[dreg:$0x14] =	wrdreg s5  }
0x32: {  	s8 =	smul.u32 $0x32000, s8;
	s17 =	simm.s32 $0xD00;
	[smem:$0x7ED] =	sst s12  }
0x33: {  	s18 =	simm.s32 $0x7C00;
	s23 =	simm.s32 $0xE00;
	[smem:$0x7F0] =	sst s17  }
0x34: {  	s25 =	simm.s32 $0xE80;
	s26 =	simm.s32 $0x8800;
	[smem:$0x7F2] =	sst s18  }
0x35: {  	s11 =	simm.s32 $0x1280;
	s1 =	sadd.s32 $0x1A2600, s1;
	[smem:$0x7F6] =	sst s23  }
0x36: {  	s8 =	sshrl.u32 s8, $0x2;
	s13 =	sadd.s32 $0x640, s7;
	[smem:$0x7F8] =	sst s25  }
0x37: {  	s19 =	sadd.s32 $0xC80, s7;
	s24 =	sadd.s32 $0x12C0, s7;
	[smem:$0x7F9] =	sst s26  }
0x38: {  	s17 =	simm.s32 $0x1400;
	[dreg:$0x4] =	wrdreg s1;
	s1 =	sadd.s32 s16, s2  }
0x39: {  	s2 =	sadd.s32 s6, s2;
	s6 =	ssub.s32 s20, s22;
	s22 =	simm.s32 $0x6C00  }
0x3a: {  	s18 =	simm.s32 $0x80;
	s14 =	sadd.s32 s8, s3;
	[smem:$0x7E6] =	sst s22  }
0x3b: {  	s23 =	simm.s32 $0x8C00;
	s6 =	smax.u32 s6, $0x1;
	[smem:$0x7FA] =	sst s14  }
0x3c: {  	s16 =	sshll.u32 s13, $0x3;
	s22 =	simm.s32 $0x8000;
	[smem:$0x7DF] =	sst s6  }
0x3d: {  	s9 =	sshll.u32 s19, $0x3;
	s15 =	sadd.s32 s16, s3;
	[smem:$0x7F5] =	sst s22  }
0x3e: {  	s10 =	sshll.u32 s24, $0x3;
	s20 =	sadd.s32 s9, s3;
	[smem:$0x7FB] =	sst s15  }
0x3f: {  	s2 =	sadd.s32 $0x1D4600, s2;
	s21 =	sadd.s32 s10, s3;
	[smem:$0x7FC] =	sst s20  }
0x40: {  	s25 =	simm.s32 $0x9000;
	s7 =	sadd.s32 s7, s2;
	[smem:$0x7FD] =	sst s21  }
0x41: {  	s26 =	simm.s32 $0x1000;
	s6 =	sadd.s32 s13, s2;
	[smem:$0x7EA] =	sst s7  }
0x42: {  	s5 =	simm.s32 $0xAC00;
	s16 =	sadd.s32 s19, s2;
	[smem:$0x7EC] =	sst s6  }
0x43: {  	s12 =	simm.s32 $0xA800;
	s13 =	simm.s32 $0x7800;
	[smem:$0x7EE] =	sst s16  }
0x44: {  	s8 =	simm.s32 $0xB400;
	s2 =	sadd.s32 s24, s2;
	[smem:$0x7EF] =	sst s13  }
0x45: {  	s0 =	sadd.s32 s0, s1;
	s19 =	simm.s32 $0xD80;
	[smem:$0x7F1] =	sst s2  }
0x46: {  	s1 =	simm.s32 $0x9C00;
	s0 =	sadd.s32 $0x1AD4600, s0;
	[smem:$0x7F3] =	sst s19  }
0x47: {  	s10 =	simm.s32 $0xA400;
	s24 =	simm.s32 $0x8400;
	[smem:$0x7F4] =	sst s0  }
0x48: {  	s22 =	simm.s32 $0xF00;
	s16 =	simm.s32 $0x2;
	[smem:$0x7F7] =	sst s24  }
0x49: {  	s19 =	simm.s32 $0x1;
	s24 =	simm.s32 $0xF80;
	s0 =	simm.s32 $0x0  }
0x4a: {  	s13 =	simm.s32 $0xB000;
	s2 =	simm.s32 $0xA000;
	s6 =	simm.s32 $0x1200  }
.LBB2_1:
0x4b: {  	[smem:$0x7D5] =	sst s0  }
0x4c: {  	s7 =	rddreg [dreg:$0x1]  }
0x4d: {  	[tilespmem:s8], [sflag:$0x2] =	stream.linear.gather [hbm4b:s7+s4], $0x3200, $0x38;
	[tilespmem:$0x14A00] =	vst v63  }
0x4e: {  	_ =	swait.ge [sflag:s16], $0x3200  }
0x4f: {  	[sflag:s16] =	ssyncset.done $0x0  }
0x50: {  	[sflag:s16] =	ssyncadd.s32 $0xFFFFCE00  }
0x51: {  	[spmem:s14] =	stream.linear.scatter [tilespmem:s8], [sflag:$0x2], $0x3200, $0x38;
	[tilespmem:$0x14A00] =	vst v63  }
0x52: {  	_ =	swait.ge [sflag:s16], $0x3200  }
0x53: {  	[sflag:s16] =	ssyncset.done $0x0  }
0x54: {  	[sflag:s16] =	ssyncadd.s32 $0xFFFFCE00  }
0x55: {  	[spmem:s15] =	stream.linear.scatter [tilespmem:s8], [sflag:$0x2], $0x3200, $0x38;
	[tilespmem:$0x14A00] =	vst v63  }
0x56: {  	_ =	swait.ge [sflag:s16], $0x3200  }
0x57: {  	[sflag:s16] =	ssyncset.done $0x0  }
0x58: {  	[sflag:s16] =	ssyncadd.s32 $0xFFFFCE00  }
0x59: {  	[spmem:s20] =	stream.linear.scatter [tilespmem:s8], [sflag:$0x2], $0x3200, $0x38;
	[tilespmem:$0x14A00] =	vst v63  }
0x5a: {  	_ =	swait.ge [sflag:s16], $0x3200  }
0x5b: {  	[sflag:s16] =	ssyncset.done $0x0  }
0x5c: {  	[sflag:s16] =	ssyncadd.s32 $0xFFFFCE00  }
0x5d: {  	[spmem:s21] =	stream.linear.scatter [tilespmem:s8], [sflag:$0x2], $0x3200, $0x38;
	[tilespmem:$0x14A00] =	vst v63  }
0x5e: {  	_ =	swait.ge [sflag:s16], $0x3200  }
0x5f: {  	[sflag:s16] =	ssyncset.done $0x0  }
0x60: {  	[sflag:s16] =	ssyncadd.s32 $0xFFFFCE00  }
0x61: {  	[bflag:$0x0] =	sbarrier.arrive $0xFFFF  }
0x62: {  	s15 =	rddreg [dreg:$0x4]  }
0x63: {  	s8 =	sadd.s32 $0x0, s15  }
0x64: {  	[tilespmem:s4], [sflag:$0x2] =	stream.linear.gather [hbm4b:s8+s4], $0x1400, $0x38;
	[tilespmem:$0x14A00] =	vst v63  }
0x65: {  	_ =	swait.ge [sflag:s16], $0x1400  }
0x66: {  	s7 =	sld [smem:$0x7F4]  }
0x67: {  	[sflag:s16] =	ssyncset.done $0x0  }
0x68: {  	[sflag:s16] =	ssyncadd.s32 $0xFFFFEC00  }
0x69: {  	[tilespmem:s17], [sflag:$0x2] =	stream.linear.gather [hbm4b:s7+s4], $0xA000, $0x38;
	[tilespmem:$0x14A00] =	vst v63  }
0x6a: {  	_ =	swait.ge [sflag:s16], $0xA000  }
0x6b: {  	s8 =	rddreg [dreg:$0x8]  }
0x6c: {  	s9 =	rddreg [dreg:$0x6]  }
0x6d: {  	s20 =	rddreg [dreg:$0x5]  }
0x6e: {  	[sflag:s16] =	ssyncset.done $0x0;
	s21 =	rddreg [dreg:$0x7]  }
0x6f: {  	s0 =	rddreg [dreg:$0x9];
	[sflag:s16] =	ssyncadd.s32 $0xFFFF6000  }
0x70: {  	[spmem:s3] =	stream.indirect.scatter.add.f32 [tilespmem:s17], [sflag:$0x1], $0x4, s4, s18, $0xb8;
	[tilespmem:$0x14A00] =	vst v63  }
0x71: {  	s15 =	rddreg [dreg:$0xb]  }
0x72: {  	[spmem:s3] =	stream.indirect.scatter.add.f32 [tilespmem:s20], [sflag:$0x1], $0x4, s18, s18, $0xb8;
	[tilespmem:$0x14A00] =	vst v63  }
0x73: {  	s20 =	rddreg [dreg:$0xa]  }
0x74: {  	[spmem:s3] =	stream.indirect.scatter.add.f32 [tilespmem:s21], [sflag:$0x1], $0x4, s9, s18, $0xb8;
	[tilespmem:$0x14A00] =	vst v63  }
0x75: {  	s21 =	rddreg [dreg:$0xd]  }
0x76: {  	[spmem:s3] =	stream.indirect.scatter.add.f32 [tilespmem:s0], [sflag:$0x1], $0x4, s8, s18, $0xb8;
	[tilespmem:$0x14A00] =	vst v63  }
0x77: {  	s0 =	rddreg [dreg:$0xc]  }
0x78: {  	[spmem:s3] =	stream.indirect.scatter.add.f32 [tilespmem:s15], [sflag:$0x1], $0x4, s20, s18, $0xb8;
	[tilespmem:$0x14A00] =	vst v63  }
0x79: {  	s15 =	rddreg [dreg:$0xf]  }
0x7a: {  	s20 =	rddreg [dreg:$0xe]  }
0x7b: {  	[spmem:s3] =	stream.indirect.scatter.add.f32 [tilespmem:s21], [sflag:$0x1], $0x4, s0, s18, $0xb8;
	[tilespmem:$0x14A00] =	vst v63  }
0x7c: {  	s21 =	rddreg [dreg:$0x10]  }
0x7d: {  	[spmem:s3] =	stream.indirect.scatter.add.f32 [tilespmem:s15], [sflag:$0x1], $0x4, s20, s18, $0xb8;
	[tilespmem:$0x14A00] =	vst v63  }
0x7e: {  	s0 =	rddreg [dreg:$0x11]  }
0x7f: {  	[spmem:s3] =	stream.indirect.scatter.add.f32 [tilespmem:s0], [sflag:$0x1], $0x4, s21, s18, $0xb8;
	[tilespmem:$0x14A00] =	vst v63  }
0x80: {  	_ =	swait.ge [sflag:s19], $0x200  }
0x81: {  	[sflag:s19] =	ssyncset.done $0x0  }
0x82: {  	[sflag:s19] =	ssyncadd.s32 $0xFFFFFE00  }
0x83: {  	_ =	swait.ge [sflag:s19], $0x200  }
0x84: {  	[sflag:s19] =	ssyncset.done $0x0  }
0x85: {  	[sflag:s19] =	ssyncadd.s32 $0xFFFFFE00  }
0x86: {  	_ =	swait.ge [sflag:s19], $0x200  }
0x87: {  	[sflag:s19] =	ssyncset.done $0x0  }
0x88: {  	[sflag:s19] =	ssyncadd.s32 $0xFFFFFE00  }
0x89: {  	_ =	swait.ge [sflag:s19], $0x200  }
0x8a: {  	[sflag:s19] =	ssyncset.done $0x0  }
0x8b: {  	[sflag:s19] =	ssyncadd.s32 $0xFFFFFE00  }
0x8c: {  	_ =	swait.ge [sflag:s19], $0x200  }
0x8d: {  	[sflag:s19] =	ssyncset.done $0x0  }
0x8e: {  	[sflag:s19] =	ssyncadd.s32 $0xFFFFFE00  }
0x8f: {  	_ =	swait.ge [sflag:s19], $0x200  }
0x90: {  	[sflag:s19] =	ssyncset.done $0x0  }
0x91: {  	[sflag:s19] =	ssyncadd.s32 $0xFFFFFE00  }
0x92: {  	_ =	swait.ge [sflag:s19], $0x200  }
0x93: {  	[sflag:s19] =	ssyncset.done $0x0  }
0x94: {  	[sflag:s19] =	ssyncadd.s32 $0xFFFFFE00  }
0x95: {  	_ =	swait.ge [sflag:s19], $0x200  }
0x96: {  	s15 =	rddreg [dreg:$0x12]  }
0x97: {  	s20 =	rddreg [dreg:$0x13]  }
0x98: {  	s21 =	rddreg [dreg:$0x14]  }
0x99: {  	[sflag:s19] =	ssyncset.done $0x0;
	s0 =	rddreg [dreg:$0x15]  }
0x9a: {  	s9 =	rddreg [dreg:$0x17];
	[sflag:s19] =	ssyncadd.s32 $0xFFFFFE00  }
0x9b: {  	[spmem:s3] =	stream.indirect.scatter.add.f32 [tilespmem:s20], [sflag:$0x1], $0x4, s15, s18, $0xb8;
	[tilespmem:$0x14A00] =	vst v63  }
0x9c: {  	s20 =	rddreg [dreg:$0x16]  }
0x9d: {  	[spmem:s3] =	stream.indirect.scatter.add.f32 [tilespmem:s0], [sflag:$0x1], $0x4, s21, s18, $0xb8;
	[tilespmem:$0x14A00] =	vst v63  }
0x9e: {  	s21 =	rddreg [dreg:$0x18]  }
0x9f: {  	s0 =	rddreg [dreg:$0x19]  }
0xa0: {  	[spmem:s3] =	stream.indirect.scatter.add.f32 [tilespmem:s9], [sflag:$0x1], $0x4, s20, s18, $0xb8;
	[tilespmem:$0x14A00] =	vst v63  }
0xa1: {  	s9 =	rddreg [dreg:$0x1a]  }
0xa2: {  	s20 =	rddreg [dreg:$0x1b]  }
0xa3: {  	[spmem:s3] =	stream.indirect.scatter.add.f32 [tilespmem:s0], [sflag:$0x1], $0x4, s21, s18, $0xb8;
	[tilespmem:$0x14A00] =	vst v63  }
0xa4: {  	s21 =	rddreg [dreg:$0x1c]  }
0xa5: {  	s0 =	rddreg [dreg:$0x1d]  }
0xa6: {  	[spmem:s3] =	stream.indirect.scatter.add.f32 [tilespmem:s20], [sflag:$0x1], $0x4, s9, s18, $0xb8;
	[tilespmem:$0x14A00] =	vst v63  }
0xa7: {  	s9 =	rddreg [dreg:$0x1f]  }
0xa8: {  	s20 =	rddreg [dreg:$0x1e]  }
0xa9: {  	[spmem:s3] =	stream.indirect.scatter.add.f32 [tilespmem:s0], [sflag:$0x1], $0x4, s21, s18, $0xb8;
	[tilespmem:$0x14A00] =	vst v63  }
0xaa: {  	s21 =	sld [smem:$0x7D7]  }
0xab: {  	s0 =	sld [smem:$0x7D6]  }
0xac: {  	[spmem:s3] =	stream.indirect.scatter.add.f32 [tilespmem:s9], [sflag:$0x1], $0x4, s20, s18, $0xb8;
	[tilespmem:$0x14A00] =	vst v63  }
0xad: {  	_ = 	snop  }
0xae: {  	[spmem:s3] =	stream.indirect.scatter.add.f32 [tilespmem:s21], [sflag:$0x1], $0x4, s0, s18, $0xb8;
	[tilespmem:$0x14A00] =	vst v63  }
0xaf: {  	_ =	swait.ge [sflag:s19], $0x200  }
0xb0: {  	[sflag:s19] =	ssyncset.done $0x0  }
0xb1: {  	[sflag:s19] =	ssyncadd.s32 $0xFFFFFE00  }
0xb2: {  	_ =	swait.ge [sflag:s19], $0x200  }
0xb3: {  	[sflag:s19] =	ssyncset.done $0x0  }
0xb4: {  	[sflag:s19] =	ssyncadd.s32 $0xFFFFFE00  }
0xb5: {  	_ =	swait.ge [sflag:s19], $0x200  }
0xb6: {  	[sflag:s19] =	ssyncset.done $0x0  }
0xb7: {  	[sflag:s19] =	ssyncadd.s32 $0xFFFFFE00  }
0xb8: {  	_ =	swait.ge [sflag:s19], $0x200  }
0xb9: {  	[sflag:s19] =	ssyncset.done $0x0  }
0xba: {  	[sflag:s19] =	ssyncadd.s32 $0xFFFFFE00  }
0xbb: {  	_ =	swait.ge [sflag:s19], $0x200  }
0xbc: {  	[sflag:s19] =	ssyncset.done $0x0  }
0xbd: {  	[sflag:s19] =	ssyncadd.s32 $0xFFFFFE00  }
0xbe: {  	_ =	swait.ge [sflag:s19], $0x200  }
0xbf: {  	[sflag:s19] =	ssyncset.done $0x0  }
0xc0: {  	[sflag:s19] =	ssyncadd.s32 $0xFFFFFE00  }
0xc1: {  	_ =	swait.ge [sflag:s19], $0x200  }
0xc2: {  	[sflag:s19] =	ssyncset.done $0x0  }
0xc3: {  	[sflag:s19] =	ssyncadd.s32 $0xFFFFFE00  }
0xc4: {  	_ =	swait.ge [sflag:s19], $0x200  }
0xc5: {  	s15 =	sld [smem:$0x7D9]  }
0xc6: {  	s20 =	sld [smem:$0x7D8]  }
0xc7: {  	s21 =	sld [smem:$0x7DB]  }
0xc8: {  	[sflag:s19] =	ssyncset.done $0x0;
	s0 =	sld [smem:$0x7DA]  }
0xc9: {  	s9 =	sld [smem:$0x7DC];
	[sflag:s19] =	ssyncadd.s32 $0xFFFFFE00  }
0xca: {  	[spmem:s3] =	stream.indirect.scatter.add.f32 [tilespmem:s15], [sflag:$0x1], $0x4, s20, s18, $0xb8;
	[tilespmem:$0x14A00] =	vst v63  }
0xcb: {  	s20 =	sld [smem:$0x7DD]  }
0xcc: {  	[spmem:s3] =	stream.indirect.scatter.add.f32 [tilespmem:s21], [sflag:$0x1], $0x4, s0, s18, $0xb8;
	[tilespmem:$0x14A00] =	vst v63  }
0xcd: {  	s21 =	sld [smem:$0x7E0]  }
0xce: {  	s0 =	sld [smem:$0x7DE]  }
0xcf: {  	[spmem:s3] =	stream.indirect.scatter.add.f32 [tilespmem:s20], [sflag:$0x1], $0x4, s9, s18, $0xb8;
	[tilespmem:$0x14A00] =	vst v63  }
0xd0: {  	s9 =	sld [smem:$0x7E2]  }
0xd1: {  	s20 =	sld [smem:$0x7E1]  }
0xd2: {  	[spmem:s3] =	stream.indirect.scatter.add.f32 [tilespmem:s21], [sflag:$0x1], $0x4, s0, s18, $0xb8;
	[tilespmem:$0x14A00] =	vst v63  }
0xd3: {  	s21 =	sld [smem:$0x7E4]  }
0xd4: {  	s0 =	sld [smem:$0x7E3]  }
0xd5: {  	[spmem:s3] =	stream.indirect.scatter.add.f32 [tilespmem:s9], [sflag:$0x1], $0x4, s20, s18, $0xb8;
	[tilespmem:$0x14A00] =	vst v63  }
0xd6: {  	s9 =	sld [smem:$0x7E6]  }
0xd7: {  	s20 =	sld [smem:$0x7E5]  }
0xd8: {  	[spmem:s3] =	stream.indirect.scatter.add.f32 [tilespmem:s21], [sflag:$0x1], $0x4, s0, s18, $0xb8;
	[tilespmem:$0x14A00] =	vst v63  }
0xd9: {  	s21 =	sld [smem:$0x7E8]  }
0xda: {  	s0 =	sld [smem:$0x7E7]  }
0xdb: {  	[spmem:s3] =	stream.indirect.scatter.add.f32 [tilespmem:s9], [sflag:$0x1], $0x4, s20, s18, $0xb8;
	[tilespmem:$0x14A00] =	vst v63  }
0xdc: {  	_ = 	snop  }
0xdd: {  	[spmem:s3] =	stream.indirect.scatter.add.f32 [tilespmem:s21], [sflag:$0x1], $0x4, s0, s18, $0xb8;
	[tilespmem:$0x14A00] =	vst v63  }
0xde: {  	_ =	swait.ge [sflag:s19], $0x200  }
0xdf: {  	[sflag:s19] =	ssyncset.done $0x0  }
0xe0: {  	[sflag:s19] =	ssyncadd.s32 $0xFFFFFE00  }
0xe1: {  	_ =	swait.ge [sflag:s19], $0x200  }
0xe2: {  	[sflag:s19] =	ssyncset.done $0x0  }
0xe3: {  	[sflag:s19] =	ssyncadd.s32 $0xFFFFFE00  }
0xe4: {  	_ =	swait.ge [sflag:s19], $0x200  }
0xe5: {  	[sflag:s19] =	ssyncset.done $0x0  }
0xe6: {  	[sflag:s19] =	ssyncadd.s32 $0xFFFFFE00  }
0xe7: {  	_ =	swait.ge [sflag:s19], $0x200  }
0xe8: {  	[sflag:s19] =	ssyncset.done $0x0  }
0xe9: {  	[sflag:s19] =	ssyncadd.s32 $0xFFFFFE00  }
0xea: {  	_ =	swait.ge [sflag:s19], $0x200  }
0xeb: {  	[sflag:s19] =	ssyncset.done $0x0  }
0xec: {  	[sflag:s19] =	ssyncadd.s32 $0xFFFFFE00  }
0xed: {  	_ =	swait.ge [sflag:s19], $0x200  }
0xee: {  	[sflag:s19] =	ssyncset.done $0x0  }
0xef: {  	[sflag:s19] =	ssyncadd.s32 $0xFFFFFE00  }
0xf0: {  	_ =	swait.ge [sflag:s19], $0x200  }
0xf1: {  	[sflag:s19] =	ssyncset.done $0x0  }
0xf2: {  	[sflag:s19] =	ssyncadd.s32 $0xFFFFFE00  }
0xf3: {  	_ =	swait.ge [sflag:s19], $0x200  }
0xf4: {  	s14 =	sld [smem:$0x7EB]  }
0xf5: {  	s15 =	sld [smem:$0x7E9]  }
0xf6: {  	s20 =	sld [smem:$0x7EF]  }
0xf7: {  	[sflag:s19] =	ssyncset.done $0x0;
	s21 =	sld [smem:$0x7ED]  }
0xf8: {  	s9 =	sld [smem:$0x7F2];
	[sflag:s19] =	ssyncadd.s32 $0xFFFFFE00  }
0xf9: {  	[spmem:s3] =	stream.indirect.scatter.add.f32 [tilespmem:s14], [sflag:$0x1], $0x4, s15, s18, $0xb8;
	[tilespmem:$0x14A00] =	vst v63  }
0xfa: {  	s0 =	sld [smem:$0x7F0]  }
0xfb: {  	[spmem:s3] =	stream.indirect.scatter.add.f32 [tilespmem:s20], [sflag:$0x1], $0x4, s21, s18, $0xb8;
	[tilespmem:$0x14A00] =	vst v63  }
0xfc: {  	s20 =	sld [smem:$0x7F5]  }
0xfd: {  	s21 =	sld [smem:$0x7F3]  }
0xfe: {  	[spmem:s3] =	stream.indirect.scatter.add.f32 [tilespmem:s9], [sflag:$0x1], $0x4, s0, s18, $0xb8;
	[tilespmem:$0x14A00] =	vst v63  }
0xff: {  	s9 =	sld [smem:$0x7F7]  }
0x100: {  	s0 =	sld [smem:$0x7F6]  }
0x101: {  	[spmem:s3] =	stream.indirect.scatter.add.f32 [tilespmem:s20], [sflag:$0x1], $0x4, s21, s18, $0xb8;
	[tilespmem:$0x14A00] =	vst v63  }
0x102: {  	s20 =	sld [smem:$0x7F9]  }
0x103: {  	s21 =	sld [smem:$0x7F8]  }
0x104: {  	[spmem:s3] =	stream.indirect.scatter.add.f32 [tilespmem:s9], [sflag:$0x1], $0x4, s0, s18, $0xb8;
	[tilespmem:$0x14A00] =	vst v63  }
0x105: {  	_ = 	snop  }
0x106: {  	[spmem:s3] =	stream.indirect.scatter.add.f32 [tilespmem:s20], [sflag:$0x1], $0x4, s21, s18, $0xb8;
	[tilespmem:$0x14A00] =	vst v63  }
0x107: {  	_ = 	snop  }
0x108: {  	[spmem:s3] =	stream.indirect.scatter.add.f32 [tilespmem:s23], [sflag:$0x1], $0x4, s22, s18, $0xb8;
	[tilespmem:$0x14A00] =	vst v63  }
0x109: {  	_ = 	snop  }
0x10a: {  	[spmem:s3] =	stream.indirect.scatter.add.f32 [tilespmem:s25], [sflag:$0x1], $0x4, s24, s18, $0xb8;
	[tilespmem:$0x14A00] =	vst v63  }
0x10b: {  	_ =	swait.ge [sflag:s19], $0x200  }
0x10c: {  	[sflag:s19] =	ssyncset.done $0x0  }
0x10d: {  	[sflag:s19] =	ssyncadd.s32 $0xFFFFFE00  }
0x10e: {  	_ =	swait.ge [sflag:s19], $0x200  }
0x10f: {  	[sflag:s19] =	ssyncset.done $0x0  }
0x110: {  	[sflag:s19] =	ssyncadd.s32 $0xFFFFFE00  }
0x111: {  	_ =	swait.ge [sflag:s19], $0x200  }
0x112: {  	[sflag:s19] =	ssyncset.done $0x0  }
0x113: {  	[sflag:s19] =	ssyncadd.s32 $0xFFFFFE00  }
0x114: {  	_ =	swait.ge [sflag:s19], $0x200  }
0x115: {  	[sflag:s19] =	ssyncset.done $0x0  }
0x116: {  	[sflag:s19] =	ssyncadd.s32 $0xFFFFFE00  }
0x117: {  	_ =	swait.ge [sflag:s19], $0x200  }
0x118: {  	[sflag:s19] =	ssyncset.done $0x0  }
0x119: {  	[sflag:s19] =	ssyncadd.s32 $0xFFFFFE00  }
0x11a: {  	_ =	swait.ge [sflag:s19], $0x200  }
0x11b: {  	[sflag:s19] =	ssyncset.done $0x0  }
0x11c: {  	[sflag:s19] =	ssyncadd.s32 $0xFFFFFE00  }
0x11d: {  	_ =	swait.ge [sflag:s19], $0x200  }
0x11e: {  	[sflag:s19] =	ssyncset.done $0x0  }
0x11f: {  	[sflag:s19] =	ssyncadd.s32 $0xFFFFFE00  }
0x120: {  	_ =	swait.ge [sflag:s19], $0x200  }
0x121: {  	[sflag:s19] =	ssyncset.done $0x0  }
0x122: {  	[sflag:s19] =	ssyncadd.s32 $0xFFFFFE00  }
0x123: {  	[spmem:s3] =	stream.indirect.scatter.add.f32 [tilespmem:s28], [sflag:$0x1], $0x4, s26, s18, $0xb8;
	[tilespmem:$0x14A00] =	vst v63  }
0x124: {  	_ = 	snop  }
0x125: {  	[spmem:s3] =	stream.indirect.scatter.add.f32 [tilespmem:s30], [sflag:$0x1], $0x4, s29, s18, $0xb8;
	[tilespmem:$0x14A00] =	vst v63  }
0x126: {  	_ = 	snop  }
0x127: {  	[spmem:s3] =	stream.indirect.scatter.add.f32 [tilespmem:s1], [sflag:$0x1], $0x4, s31, s18, $0xb8;
	[tilespmem:$0x14A00] =	vst v63  }
0x128: {  	s0 =	simm.s32 $0x1180  }
0x129: {  	[spmem:s3] =	stream.indirect.scatter.add.f32 [tilespmem:s2], [sflag:$0x1], $0x4, s0, s18, $0xb8;
	[tilespmem:$0x14A00] =	vst v63  }
0x12a: {  	_ = 	snop  }
0x12b: {  	[spmem:s3] =	stream.indirect.scatter.add.f32 [tilespmem:s10], [sflag:$0x1], $0x4, s6, s18, $0xb8;
	[tilespmem:$0x14A00] =	vst v63  }
0x12c: {  	s8 =	simm.s32 $0x280;
	s9 =	sadd.s32 $0x1400, s7  }
0x12d: {  	[spmem:s3] =	stream.indirect.scatter.add.f32 [tilespmem:s12], [sflag:$0x1], $0x4, s11, s18, $0xb8;
	[tilespmem:$0x14A00] =	vst v63  }
.LBB2_2:
0x12e: {  	s7 =	simm.s32 $0x1300  }
0x12f: {  	[spmem:s3] =	stream.indirect.scatter.add.f32 [tilespmem:s5], [sflag:$0x1], $0x4, s7, s18, $0xb8;
	[tilespmem:$0x14A00] =	vst v63  }
0x130: {  	s24 =	simm.s32 $0x1380  }
0x131: {  	[spmem:s3] =	stream.indirect.scatter.add.f32 [tilespmem:s13], [sflag:$0x1], $0x4, s24, s18, $0xb8;
	[tilespmem:$0x14A00] =	vst v63  }
0x132: {  	_ =	swait.ge [sflag:s19], $0x200  }
0x133: {  	[sflag:s19] =	ssyncset.done $0x0  }
0x134: {  	[sflag:s19] =	ssyncadd.s32 $0xFFFFFE00  }
0x135: {  	_ =	swait.ge [sflag:s19], $0x200  }
0x136: {  	[sflag:s19] =	ssyncset.done $0x0  }
0x137: {  	[sflag:s19] =	ssyncadd.s32 $0xFFFFFE00  }
0x138: {  	_ =	swait.ge [sflag:s19], $0x200  }
0x139: {  	[sflag:s19] =	ssyncset.done $0x0  }
0x13a: {  	[sflag:s19] =	ssyncadd.s32 $0xFFFFFE00  }
0x13b: {  	_ =	swait.ge [sflag:s19], $0x200  }
0x13c: {  	[sflag:s19] =	ssyncset.done $0x0  }
0x13d: {  	[sflag:s19] =	ssyncadd.s32 $0xFFFFFE00  }
0x13e: {  	_ =	swait.ge [sflag:s19], $0x200  }
0x13f: {  	[sflag:s19] =	ssyncset.done $0x0  }
0x140: {  	[sflag:s19] =	ssyncadd.s32 $0xFFFFFE00  }
0x141: {  	_ =	swait.ge [sflag:s19], $0x200  }
0x142: {  	[sflag:s19] =	ssyncset.done $0x0  }
0x143: {  	[sflag:s19] =	ssyncadd.s32 $0xFFFFFE00  }
0x144: {  	_ =	swait.ge [sflag:s19], $0x200  }
0x145: {  	[sflag:s19] =	ssyncset.done $0x0  }
0x146: {  	[sflag:s19] =	ssyncadd.s32 $0xFFFFFE00  }
0x147: {  	_ =	swait.ge [sflag:s19], $0x200  }
0x148: {  	s14 =	smov.u32 s8;
	s15 =	rddreg [dreg:$0x4];
	[sflag:s19] =	ssyncset.done $0x0  }
0x149: {  	[sflag:s19] =	ssyncadd.s32 $0xFFFFFE00;
	s14 =	sadd.s32 s14, s15  }
0x14a: {  	[tilespmem:s4], [sflag:$0x2] =	stream.linear.gather [hbm4b:s14+s4], $0x1400, $0x38;
	[tilespmem:$0x14A00] =	vst v63  }
0x14b: {  	_ =	swait.ge [sflag:s16], $0x1400  }
0x14c: {  	[sflag:s16] =	ssyncset.done $0x0  }
0x14d: {  	[sflag:s16] =	ssyncadd.s32 $0xFFFFEC00  }
0x14e: {  	[tilespmem:s17], [sflag:$0x2] =	stream.linear.gather [hbm4b:s9+s4], $0xA000, $0x38;
	[tilespmem:$0x14A00] =	vst v63  }
0x14f: {  	_ =	swait.ge [sflag:s16], $0xA000  }
0x150: {  	s25 =	rddreg [dreg:$0x8]  }
0x151: {  	s26 =	rddreg [dreg:$0xb]  }
0x152: {  	s7 =	rddreg [dreg:$0xd]  }
0x153: {  	s20 =	rddreg [dreg:$0x6]  }
0x154: {  	[sflag:s16] =	ssyncset.done $0x0;
	s21 =	rddreg [dreg:$0x5]  }
0x155: {  	s22 =	rddreg [dreg:$0x7];
	[sflag:s16] =	ssyncadd.s32 $0xFFFF6000  }
0x156: {  	[spmem:s3] =	stream.indirect.scatter.add.f32 [tilespmem:s17], [sflag:$0x1], $0x4, s4, s18, $0xb8;
	[tilespmem:$0x14A00] =	vst v63  }
0x157: {  	s23 =	rddreg [dreg:$0x9]  }
0x158: {  	[spmem:s3] =	stream.indirect.scatter.add.f32 [tilespmem:s21], [sflag:$0x1], $0x4, s18, s18, $0xb8;
	[tilespmem:$0x14A00] =	vst v63  }
0x159: {  	s24 =	rddreg [dreg:$0xa]  }
0x15a: {  	[spmem:s3] =	stream.indirect.scatter.add.f32 [tilespmem:s22], [sflag:$0x1], $0x4, s20, s18, $0xb8;
	[tilespmem:$0x14A00] =	vst v63  }
0x15b: {  	s21 =	rddreg [dreg:$0xc]  }
0x15c: {  	[spmem:s3] =	stream.indirect.scatter.add.f32 [tilespmem:s23], [sflag:$0x1], $0x4, s25, s18, $0xb8;
	[tilespmem:$0x14A00] =	vst v63  }
0x15d: {  	s20 =	rddreg [dreg:$0xf]  }
0x15e: {  	[spmem:s3] =	stream.indirect.scatter.add.f32 [tilespmem:s26], [sflag:$0x1], $0x4, s24, s18, $0xb8;
	[tilespmem:$0x14A00] =	vst v63  }
0x15f: {  	s22 =	rddreg [dreg:$0x11]  }
0x160: {  	[spmem:s3] =	stream.indirect.scatter.add.f32 [tilespmem:s7], [sflag:$0x1], $0x4, s21, s18, $0xb8;
	[tilespmem:$0x14A00] =	vst v63  }
0x161: {  	s25 =	rddreg [dreg:$0xe]  }
0x162: {  	[spmem:s3] =	stream.indirect.scatter.add.f32 [tilespmem:s20], [sflag:$0x1], $0x4, s25, s18, $0xb8;
	[tilespmem:$0x14A00] =	vst v63  }
0x163: {  	s26 =	rddreg [dreg:$0x10]  }
0x164: {  	[spmem:s3] =	stream.indirect.scatter.add.f32 [tilespmem:s22], [sflag:$0x1], $0x4, s26, s18, $0xb8;
	[tilespmem:$0x14A00] =	vst v63  }
0x165: {  	_ =	swait.ge [sflag:s19], $0x200  }
0x166: {  	[sflag:s19] =	ssyncset.done $0x0  }
0x167: {  	[sflag:s19] =	ssyncadd.s32 $0xFFFFFE00  }
0x168: {  	_ =	swait.ge [sflag:s19], $0x200  }
0x169: {  	[sflag:s19] =	ssyncset.done $0x0  }
0x16a: {  	[sflag:s19] =	ssyncadd.s32 $0xFFFFFE00  }
0x16b: {  	_ =	swait.ge [sflag:s19], $0x200  }
0x16c: {  	[sflag:s19] =	ssyncset.done $0x0  }
0x16d: {  	[sflag:s19] =	ssyncadd.s32 $0xFFFFFE00  }
0x16e: {  	_ =	swait.ge [sflag:s19], $0x200  }
0x16f: {  	[sflag:s19] =	ssyncset.done $0x0  }
0x170: {  	[sflag:s19] =	ssyncadd.s32 $0xFFFFFE00  }
0x171: {  	_ =	swait.ge [sflag:s19], $0x200  }
0x172: {  	[sflag:s19] =	ssyncset.done $0x0  }
0x173: {  	[sflag:s19] =	ssyncadd.s32 $0xFFFFFE00  }
0x174: {  	_ =	swait.ge [sflag:s19], $0x200  }
0x175: {  	[sflag:s19] =	ssyncset.done $0x0  }
0x176: {  	[sflag:s19] =	ssyncadd.s32 $0xFFFFFE00  }
0x177: {  	_ =	swait.ge [sflag:s19], $0x200  }
0x178: {  	[sflag:s19] =	ssyncset.done $0x0  }
0x179: {  	[sflag:s19] =	ssyncadd.s32 $0xFFFFFE00  }
0x17a: {  	_ =	swait.ge [sflag:s19], $0x200  }
0x17b: {  	s7 =	rddreg [dreg:$0x18]  }
0x17c: {  	s14 =	rddreg [dreg:$0x1f]  }
0x17d: {  	s15 =	rddreg [dreg:$0x17]  }
0x17e: {  	s20 =	rddreg [dreg:$0x16]  }
0x17f: {  	s21 =	rddreg [dreg:$0x14]  }
0x180: {  	s22 =	rddreg [dreg:$0x12]  }
0x181: {  	s23 =	rddreg [dreg:$0x13]  }
0x182: {  	s24 =	rddreg [dreg:$0x19]  }
0x183: {  	[sflag:s19] =	ssyncset.done $0x0;
	s25 =	rddreg [dreg:$0x15]  }
0x184: {  	s26 =	rddreg [dreg:$0x1a];
	[sflag:s19] =	ssyncadd.s32 $0xFFFFFE00  }
0x185: {  	[spmem:s3] =	stream.indirect.scatter.add.f32 [tilespmem:s23], [sflag:$0x1], $0x4, s22, s18, $0xb8;
	[tilespmem:$0x14A00] =	vst v63  }
0x186: {  	s22 =	rddreg [dreg:$0x1c]  }
0x187: {  	[spmem:s3] =	stream.indirect.scatter.add.f32 [tilespmem:s25], [sflag:$0x1], $0x4, s21, s18, $0xb8;
	[tilespmem:$0x14A00] =	vst v63  }
0x188: {  	s23 =	rddreg [dreg:$0x1b]  }
0x189: {  	[spmem:s3] =	stream.indirect.scatter.add.f32 [tilespmem:s15], [sflag:$0x1], $0x4, s20, s18, $0xb8;
	[tilespmem:$0x14A00] =	vst v63  }
0x18a: {  	s25 =	rddreg [dreg:$0x1d]  }
0x18b: {  	[spmem:s3] =	stream.indirect.scatter.add.f32 [tilespmem:s24], [sflag:$0x1], $0x4, s7, s18, $0xb8;
	[tilespmem:$0x14A00] =	vst v63  }
0x18c: {  	s21 =	sld [smem:$0x7D7]  }
0x18d: {  	[spmem:s3] =	stream.indirect.scatter.add.f32 [tilespmem:s23], [sflag:$0x1], $0x4, s26, s18, $0xb8;
	[tilespmem:$0x14A00] =	vst v63  }
0x18e: {  	s20 =	rddreg [dreg:$0x1e]  }
0x18f: {  	[spmem:s3] =	stream.indirect.scatter.add.f32 [tilespmem:s25], [sflag:$0x1], $0x4, s22, s18, $0xb8;
	[tilespmem:$0x14A00] =	vst v63  }
0x190: {  	s22 =	sld [smem:$0x7D6]  }
0x191: {  	[spmem:s3] =	stream.indirect.scatter.add.f32 [tilespmem:s14], [sflag:$0x1], $0x4, s20, s18, $0xb8;
	[tilespmem:$0x14A00] =	vst v63  }
0x192: {  	_ = 	snop  }
0x193: {  	[spmem:s3] =	stream.indirect.scatter.add.f32 [tilespmem:s21], [sflag:$0x1], $0x4, s22, s18, $0xb8;
	[tilespmem:$0x14A00] =	vst v63  }
0x194: {  	_ =	swait.ge [sflag:s19], $0x200  }
0x195: {  	[sflag:s19] =	ssyncset.done $0x0  }
0x196: {  	[sflag:s19] =	ssyncadd.s32 $0xFFFFFE00  }
0x197: {  	_ =	swait.ge [sflag:s19], $0x200  }
0x198: {  	[sflag:s19] =	ssyncset.done $0x0  }
0x199: {  	[sflag:s19] =	ssyncadd.s32 $0xFFFFFE00  }
0x19a: {  	_ =	swait.ge [sflag:s19], $0x200  }
0x19b: {  	[sflag:s19] =	ssyncset.done $0x0  }
0x19c: {  	[sflag:s19] =	ssyncadd.s32 $0xFFFFFE00  }
0x19d: {  	_ =	swait.ge [sflag:s19], $0x200  }
0x19e: {  	[sflag:s19] =	ssyncset.done $0x0  }
0x19f: {  	[sflag:s19] =	ssyncadd.s32 $0xFFFFFE00  }
0x1a0: {  	_ =	swait.ge [sflag:s19], $0x200  }
0x1a1: {  	[sflag:s19] =	ssyncset.done $0x0  }
0x1a2: {  	[sflag:s19] =	ssyncadd.s32 $0xFFFFFE00  }
0x1a3: {  	_ =	swait.ge [sflag:s19], $0x200  }
0x1a4: {  	[sflag:s19] =	ssyncset.done $0x0  }
0x1a5: {  	[sflag:s19] =	ssyncadd.s32 $0xFFFFFE00  }
0x1a6: {  	_ =	swait.ge [sflag:s19], $0x200  }
0x1a7: {  	[sflag:s19] =	ssyncset.done $0x0  }
0x1a8: {  	[sflag:s19] =	ssyncadd.s32 $0xFFFFFE00  }
0x1a9: {  	_ =	swait.ge [sflag:s19], $0x200  }
0x1aa: {  	s7 =	sld [smem:$0x7DC]  }
0x1ab: {  	s14 =	sld [smem:$0x7E6]  }
0x1ac: {  	s15 =	sld [smem:$0x7DD]  }
0x1ad: {  	s20 =	sld [smem:$0x7D9]  }
0x1ae: {  	s21 =	sld [smem:$0x7E2]  }
0x1af: {  	s22 =	sld [smem:$0x7DB]  }
0x1b0: {  	s23 =	sld [smem:$0x7D8]  }
0x1b1: {  	s24 =	sld [smem:$0x7E0]  }
0x1b2: {  	[sflag:s19] =	ssyncset.done $0x0;
	s25 =	sld [smem:$0x7DA]  }
0x1b3: {  	s26 =	sld [smem:$0x7DE];
	[sflag:s19] =	ssyncadd.s32 $0xFFFFFE00  }
0x1b4: {  	[spmem:s3] =	stream.indirect.scatter.add.f32 [tilespmem:s20], [sflag:$0x1], $0x4, s23, s18, $0xb8;
	[tilespmem:$0x14A00] =	vst v63  }
0x1b5: {  	s23 =	sld [smem:$0x7E1]  }
0x1b6: {  	[spmem:s3] =	stream.indirect.scatter.add.f32 [tilespmem:s22], [sflag:$0x1], $0x4, s25, s18, $0xb8;
	[tilespmem:$0x14A00] =	vst v63  }
0x1b7: {  	s22 =	sld [smem:$0x7E4]  }
0x1b8: {  	[spmem:s3] =	stream.indirect.scatter.add.f32 [tilespmem:s15], [sflag:$0x1], $0x4, s7, s18, $0xb8;
	[tilespmem:$0x14A00] =	vst v63  }
0x1b9: {  	s7 =	sld [smem:$0x7E3]  }
0x1ba: {  	[spmem:s3] =	stream.indirect.scatter.add.f32 [tilespmem:s24], [sflag:$0x1], $0x4, s26, s18, $0xb8;
	[tilespmem:$0x14A00] =	vst v63  }
0x1bb: {  	s15 =	sld [smem:$0x7E5]  }
0x1bc: {  	[spmem:s3] =	stream.indirect.scatter.add.f32 [tilespmem:s21], [sflag:$0x1], $0x4, s23, s18, $0xb8;
	[tilespmem:$0x14A00] =	vst v63  }
0x1bd: {  	s24 =	sld [smem:$0x7E7]  }
0x1be: {  	[spmem:s3] =	stream.indirect.scatter.add.f32 [tilespmem:s22], [sflag:$0x1], $0x4, s7, s18, $0xb8;
	[tilespmem:$0x14A00] =	vst v63  }
0x1bf: {  	s23 =	sld [smem:$0x7E8]  }
0x1c0: {  	[spmem:s3] =	stream.indirect.scatter.add.f32 [tilespmem:s14], [sflag:$0x1], $0x4, s15, s18, $0xb8;
	[tilespmem:$0x14A00] =	vst v63  }
0x1c1: {  	_ = 	snop  }
0x1c2: {  	[spmem:s3] =	stream.indirect.scatter.add.f32 [tilespmem:s23], [sflag:$0x1], $0x4, s24, s18, $0xb8;
	[tilespmem:$0x14A00] =	vst v63  }
0x1c3: {  	_ =	swait.ge [sflag:s19], $0x200  }
0x1c4: {  	[sflag:s19] =	ssyncset.done $0x0  }
0x1c5: {  	[sflag:s19] =	ssyncadd.s32 $0xFFFFFE00  }
0x1c6: {  	_ =	swait.ge [sflag:s19], $0x200  }
0x1c7: {  	[sflag:s19] =	ssyncset.done $0x0  }
0x1c8: {  	[sflag:s19] =	ssyncadd.s32 $0xFFFFFE00  }
0x1c9: {  	_ =	swait.ge [sflag:s19], $0x200  }
0x1ca: {  	[sflag:s19] =	ssyncset.done $0x0  }
0x1cb: {  	[sflag:s19] =	ssyncadd.s32 $0xFFFFFE00  }
0x1cc: {  	_ =	swait.ge [sflag:s19], $0x200  }
0x1cd: {  	[sflag:s19] =	ssyncset.done $0x0  }
0x1ce: {  	[sflag:s19] =	ssyncadd.s32 $0xFFFFFE00  }
0x1cf: {  	_ =	swait.ge [sflag:s19], $0x200  }
0x1d0: {  	[sflag:s19] =	ssyncset.done $0x0  }
0x1d1: {  	[sflag:s19] =	ssyncadd.s32 $0xFFFFFE00  }
0x1d2: {  	_ =	swait.ge [sflag:s19], $0x200  }
0x1d3: {  	[sflag:s19] =	ssyncset.done $0x0  }
0x1d4: {  	[sflag:s19] =	ssyncadd.s32 $0xFFFFFE00  }
0x1d5: {  	_ =	swait.ge [sflag:s19], $0x200  }
0x1d6: {  	[sflag:s19] =	ssyncset.done $0x0  }
0x1d7: {  	[sflag:s19] =	ssyncadd.s32 $0xFFFFFE00  }
0x1d8: {  	_ =	swait.ge [sflag:s19], $0x200  }
0x1d9: {  	s7 =	sld [smem:$0x7F9]  }
0x1da: {  	s14 =	sld [smem:$0x7EF]  }
0x1db: {  	s15 =	sld [smem:$0x7ED]  }
0x1dc: {  	s20 =	sld [smem:$0x7F7]  }
0x1dd: {  	s22 =	sld [smem:$0x7EB]  }
0x1de: {  	s23 =	sld [smem:$0x7E9]  }
0x1df: {  	[sflag:s19] =	ssyncset.done $0x0;
	s21 =	sld [smem:$0x7F2]  }
0x1e0: {  	s24 =	sld [smem:$0x7F0];
	[sflag:s19] =	ssyncadd.s32 $0xFFFFFE00  }
0x1e1: {  	[spmem:s3] =	stream.indirect.scatter.add.f32 [tilespmem:s22], [sflag:$0x1], $0x4, s23, s18, $0xb8;
	[tilespmem:$0x14A00] =	vst v63  }
0x1e2: {  	s22 =	sld [smem:$0x7F5]  }
0x1e3: {  	[spmem:s3] =	stream.indirect.scatter.add.f32 [tilespmem:s14], [sflag:$0x1], $0x4, s15, s18, $0xb8;
	[tilespmem:$0x14A00] =	vst v63  }
0x1e4: {  	s14 =	sld [smem:$0x7F3]  }
0x1e5: {  	[spmem:s3] =	stream.indirect.scatter.add.f32 [tilespmem:s21], [sflag:$0x1], $0x4, s24, s18, $0xb8;
	[tilespmem:$0x14A00] =	vst v63  }
0x1e6: {  	s15 =	sld [smem:$0x7F6]  }
0x1e7: {  	[spmem:s3] =	stream.indirect.scatter.add.f32 [tilespmem:s22], [sflag:$0x1], $0x4, s14, s18, $0xb8;
	[tilespmem:$0x14A00] =	vst v63  }
0x1e8: {  	s21 =	sld [smem:$0x7F8]  }
0x1e9: {  	[spmem:s3] =	stream.indirect.scatter.add.f32 [tilespmem:s20], [sflag:$0x1], $0x4, s15, s18, $0xb8;
	[tilespmem:$0x14A00] =	vst v63  }
0x1ea: {  	_ = 	snop  }
0x1eb: {  	[spmem:s3] =	stream.indirect.scatter.add.f32 [tilespmem:s7], [sflag:$0x1], $0x4, s21, s18, $0xb8;
	[tilespmem:$0x14A00] =	vst v63  }
0x1ec: {  	s23 =	simm.s32 $0x8C00;
	s22 =	simm.s32 $0xF00  }
0x1ed: {  	[spmem:s3] =	stream.indirect.scatter.add.f32 [tilespmem:s23], [sflag:$0x1], $0x4, s22, s18, $0xb8;
	[tilespmem:$0x14A00] =	vst v63  }
0x1ee: {  	s25 =	simm.s32 $0x9000;
	s24 =	simm.s32 $0xF80  }
0x1ef: {  	[spmem:s3] =	stream.indirect.scatter.add.f32 [tilespmem:s25], [sflag:$0x1], $0x4, s24, s18, $0xb8;
	[tilespmem:$0x14A00] =	vst v63  }
0x1f0: {  	_ =	swait.ge [sflag:s19], $0x200  }
0x1f1: {  	[sflag:s19] =	ssyncset.done $0x0  }
0x1f2: {  	[sflag:s19] =	ssyncadd.s32 $0xFFFFFE00  }
0x1f3: {  	_ =	swait.ge [sflag:s19], $0x200  }
0x1f4: {  	[sflag:s19] =	ssyncset.done $0x0  }
0x1f5: {  	[sflag:s19] =	ssyncadd.s32 $0xFFFFFE00  }
0x1f6: {  	_ =	swait.ge [sflag:s19], $0x200  }
0x1f7: {  	[sflag:s19] =	ssyncset.done $0x0  }
0x1f8: {  	[sflag:s19] =	ssyncadd.s32 $0xFFFFFE00  }
0x1f9: {  	_ =	swait.ge [sflag:s19], $0x200  }
0x1fa: {  	[sflag:s19] =	ssyncset.done $0x0  }
0x1fb: {  	[sflag:s19] =	ssyncadd.s32 $0xFFFFFE00  }
0x1fc: {  	_ =	swait.ge [sflag:s19], $0x200  }
0x1fd: {  	[sflag:s19] =	ssyncset.done $0x0  }
0x1fe: {  	[sflag:s19] =	ssyncadd.s32 $0xFFFFFE00  }
0x1ff: {  	_ =	swait.ge [sflag:s19], $0x200  }
0x200: {  	[sflag:s19] =	ssyncset.done $0x0  }
0x201: {  	[sflag:s19] =	ssyncadd.s32 $0xFFFFFE00  }
0x202: {  	_ =	swait.ge [sflag:s19], $0x200  }
0x203: {  	[sflag:s19] =	ssyncset.done $0x0  }
0x204: {  	[sflag:s19] =	ssyncadd.s32 $0xFFFFFE00  }
0x205: {  	_ =	swait.ge [sflag:s19], $0x200  }
0x206: {  	[sflag:s19] =	ssyncset.done $0x0  }
0x207: {  	s26 =	simm.s32 $0x1000;
	[sflag:s19] =	ssyncadd.s32 $0xFFFFFE00  }
0x208: {  	[spmem:s3] =	stream.indirect.scatter.add.f32 [tilespmem:s28], [sflag:$0x1], $0x4, s26, s18, $0xb8;
	[tilespmem:$0x14A00] =	vst v63  }
0x209: {  	_ = 	snop  }
0x20a: {  	[spmem:s3] =	stream.indirect.scatter.add.f32 [tilespmem:s30], [sflag:$0x1], $0x4, s29, s18, $0xb8;
	[tilespmem:$0x14A00] =	vst v63  }
0x20b: {  	_ = 	snop  }
0x20c: {  	[spmem:s3] =	stream.indirect.scatter.add.f32 [tilespmem:s1], [sflag:$0x1], $0x4, s31, s18, $0xb8;
	[tilespmem:$0x14A00] =	vst v63  }
0x20d: {  	p0 =	sne.s32 s8, $0x1680  }
0x20e: {  	[spmem:s3] =	stream.indirect.scatter.add.f32 [tilespmem:s2], [sflag:$0x1], $0x4, s0, s18, $0xb8;
	[tilespmem:$0x14A00] =	vst v63  }
.Ltmp0:
0x20f: {  	_ = 	snop;
	(pc) =	sbr.rel @p0 .LBB2_2-.Ltmp0, $4  }
0x210: {  	_ = 	snop  }
0x211: {  	[spmem:s3] =	stream.indirect.scatter.add.f32 [tilespmem:s10], [sflag:$0x1], $0x4, s6, s18, $0xb8;
	[tilespmem:$0x14A00] =	vst v63  }
0x212: {  	s8 =	sadd.s32 $0x280, s8;
	s9 =	sadd.s32 $0x1400, s9  }
0x213: {  	[spmem:s3] =	stream.indirect.scatter.add.f32 [tilespmem:s12], [sflag:$0x1], $0x4, s11, s18, $0xb8;
	[tilespmem:$0x14A00] =	vst v63  }
0x214: {  	s0 =	simm.s32 $0x1300  }
0x215: {  	[spmem:s3] =	stream.indirect.scatter.add.f32 [tilespmem:s5], [sflag:$0x1], $0x4, s0, s18, $0xb8;
	[tilespmem:$0x14A00] =	vst v63  }
0x216: {  	s15 =	simm.s32 $0x1380  }
0x217: {  	[spmem:s3] =	stream.indirect.scatter.add.f32 [tilespmem:s13], [sflag:$0x1], $0x4, s15, s18, $0xb8;
	[tilespmem:$0x14A00] =	vst v63  }
0x218: {  	_ =	swait.ge [sflag:s19], $0x200  }
0x219: {  	[sflag:s19] =	ssyncset.done $0x0  }
0x21a: {  	[sflag:s19] =	ssyncadd.s32 $0xFFFFFE00  }
0x21b: {  	_ =	swait.ge [sflag:s19], $0x200  }
0x21c: {  	[sflag:s19] =	ssyncset.done $0x0  }
0x21d: {  	[sflag:s19] =	ssyncadd.s32 $0xFFFFFE00  }
0x21e: {  	_ =	swait.ge [sflag:s19], $0x200  }
0x21f: {  	[sflag:s19] =	ssyncset.done $0x0  }
0x220: {  	[sflag:s19] =	ssyncadd.s32 $0xFFFFFE00  }
0x221: {  	_ =	swait.ge [sflag:s19], $0x200  }
0x222: {  	[sflag:s19] =	ssyncset.done $0x0  }
0x223: {  	[sflag:s19] =	ssyncadd.s32 $0xFFFFFE00  }
0x224: {  	_ =	swait.ge [sflag:s19], $0x200  }
0x225: {  	[sflag:s19] =	ssyncset.done $0x0  }
0x226: {  	[sflag:s19] =	ssyncadd.s32 $0xFFFFFE00  }
0x227: {  	_ =	swait.ge [sflag:s19], $0x200  }
0x228: {  	[sflag:s19] =	ssyncset.done $0x0  }
0x229: {  	[sflag:s19] =	ssyncadd.s32 $0xFFFFFE00  }
0x22a: {  	_ =	swait.ge [sflag:s19], $0x200  }
0x22b: {  	[sflag:s19] =	ssyncset.done $0x0  }
0x22c: {  	[sflag:s19] =	ssyncadd.s32 $0xFFFFFE00  }
0x22d: {  	_ =	swait.ge [sflag:s19], $0x200  }
0x22e: {  	[sflag:s19] =	ssyncset.done $0x0  }
0x22f: {  	[sflag:s19] =	ssyncadd.s32 $0xFFFFFE00  }
0x230: {  	[bflag:$0x0] =	sbarrier.arrive $0xFFFF  }
0x231: {  	s14 =	sld [smem:$0x7FA];
	_ =	sdelay $0x1  }
0x232: {  	s8 =	simm.s32 $0xB400  }
0x233: {  	[tilespmem:s8], [sflag:$0x2] =	stream.linear.gather [spmem:s14], $0x3200, $0x38;
	[tilespmem:$0x14A00] =	vst v63  }
0x234: {  	_ =	swait.ge [sflag:s16], $0x3200  }
0x235: {  	s7 =	sld [smem:$0x7EA]  }
0x236: {  	[sflag:s16] =	ssyncset.done $0x0  }
0x237: {  	[sflag:s16] =	ssyncadd.s32 $0xFFFFCE00  }
0x238: {  	[hbm4b:s7+s4] =	stream.linear.scatter [tilespmem:s8], [sflag:$0x2], $0x3200, $0x38;
	[tilespmem:$0x14A00] =	vst v63  }
0x239: {  	_ =	swait.ge [sflag:s16], $0x3200  }
0x23a: {  	s15 =	sld [smem:$0x7FB]  }
0x23b: {  	[sflag:s16] =	ssyncset.done $0x0  }
0x23c: {  	[sflag:s16] =	ssyncadd.s32 $0xFFFFCE00  }
0x23d: {  	[tilespmem:s8], [sflag:$0x2] =	stream.linear.gather [spmem:s15], $0x3200, $0x38;
	[tilespmem:$0x14A00] =	vst v63  }
0x23e: {  	_ =	swait.ge [sflag:s16], $0x3200  }
0x23f: {  	s20 =	sld [smem:$0x7EC]  }
0x240: {  	[sflag:s16] =	ssyncset.done $0x0  }
0x241: {  	[sflag:s16] =	ssyncadd.s32 $0xFFFFCE00  }
0x242: {  	[hbm4b:s20+s4] =	stream.linear.scatter [tilespmem:s8], [sflag:$0x2], $0x3200, $0x38;
	[tilespmem:$0x14A00] =	vst v63  }
0x243: {  	_ =	swait.ge [sflag:s16], $0x3200  }
0x244: {  	s20 =	sld [smem:$0x7FC]  }
0x245: {  	[sflag:s16] =	ssyncset.done $0x0  }
0x246: {  	[sflag:s16] =	ssyncadd.s32 $0xFFFFCE00  }
0x247: {  	[tilespmem:s8], [sflag:$0x2] =	stream.linear.gather [spmem:s20], $0x3200, $0x38;
	[tilespmem:$0x14A00] =	vst v63  }
0x248: {  	_ =	swait.ge [sflag:s16], $0x3200  }
0x249: {  	s21 =	sld [smem:$0x7EE]  }
0x24a: {  	[sflag:s16] =	ssyncset.done $0x0  }
0x24b: {  	[sflag:s16] =	ssyncadd.s32 $0xFFFFCE00  }
0x24c: {  	[hbm4b:s21+s4] =	stream.linear.scatter [tilespmem:s8], [sflag:$0x2], $0x3200, $0x38;
	[tilespmem:$0x14A00] =	vst v63  }
0x24d: {  	_ =	swait.ge [sflag:s16], $0x3200  }
0x24e: {  	s21 =	sld [smem:$0x7FD]  }
0x24f: {  	[sflag:s16] =	ssyncset.done $0x0  }
0x250: {  	[sflag:s16] =	ssyncadd.s32 $0xFFFFCE00  }
0x251: {  	[tilespmem:s8], [sflag:$0x2] =	stream.linear.gather [spmem:s21], $0x3200, $0x38;
	[tilespmem:$0x14A00] =	vst v63  }
0x252: {  	_ =	swait.ge [sflag:s16], $0x3200  }
0x253: {  	s0 =	sld [smem:$0x7F1]  }
0x254: {  	[sflag:s16] =	ssyncset.done $0x0  }
0x255: {  	[sflag:s16] =	ssyncadd.s32 $0xFFFFCE00  }
0x256: {  	[hbm4b:s0+s4] =	stream.linear.scatter [tilespmem:s8], [sflag:$0x2], $0x3200, $0x38;
	[tilespmem:$0x14A00] =	vst v63  }
0x257: {  	_ =	swait.ge [sflag:s16], $0x3200  }
0x258: {  	s7 =	sld [smem:$0x7D5]  }
0x259: {  	s9 =	sld [smem:$0x7DF];
	_ =	sdelay $0x1  }
0x25a: {  	s0 =	sadd.s32 $0x1, s7  }
0x25b: {  	p0 =	sne.s32 s0, s9  }
.Ltmp1:
0x25c: {  	_ = 	snop;
	(pc) =	sbr.rel @p0 .LBB2_1-.Ltmp1, $3  }
0x25d: {  	_ =	sdelay $0x1  }
0x25e: {  	[sflag:s16] =	ssyncset.done $0x0  }
0x25f: {  	[sflag:s16] =	ssyncadd.s32 $0xFFFFCE00  }
0x260: {  	_ =	sfence.sel $0x180000  }
0x261: {  	[bflag:$0x0] =	sbarrier.arrive $0xFFFF  }
0x262: {  	_ =	strace $0x9000004A  }
0x263: {  	s0 =	stileid.u32;
	[bflag:$0x2] =	sbarrier.arrive $0xFFFF  }
0x264: {  	p0 =	sne.s32 s0, $0x0;
	s0 =	rddreg [dreg:$0x3]  }
0x265: {  	s0 =	sadd.s32 @!p0 $0x100000, s0  }
0x266: {  	[sflag:s0] =	ssyncadd.tile.s32 @!p0 $0x1;
	_ =	shalt  }
.Lfunc_end2:
_tile_overlayer_lowered:
.L_overlay_start_2:
0x267: {  	(tag) =	ssettag $0x2  }
0x268: {  	s0 =	rddreg [dreg:$0x0];
	s2 =	stileid.u32  }
0x269: {  	s1 =	rddreg [dreg:$0x1];
	p0 =	sne.s32 s2, $0x0  }
0x26a: {  	s3 =	rddreg [dreg:$0x2];
	[bflag:$0x3] =	sbarrier.arrive $0xFFFF;
	s2 =	simm.s32 @!p0 $0x1C02  }
0x26b: {  	[timem:s3], [sflag:s2] =	dma.local @!p0 [hbm:s0], s1  }
0x26c: {  	s0 =	simm.s32 @!p0 $0x2  }
0x26d: {  	_ =	swait.ge @!p0 [sflag:s0], s1  }
0x26e: {  	s1 =	ssub.s32 @!p0 $0x0, s1;
	[sflag:s0] =	ssyncset.done @!p0 $0x0  }
0x26f: {  	[sflag:s0] =	ssyncadd.s32 @!p0 s1  }
0x270: {  	[bflag:$0x3] =	sbarrier.arrive $0xFFFF  }
0x271: {  	_ =	shalt  }

</sc_bundles>
